<compile_context>
chip_gen: v7x
topology: tpu7x:2x2x1
jax: 0.10.2.dev20260603
libtpu: 0.0.44.dev20260713+nightly
codegen_flags: <defaults>
</compile_context>

<pallas_src>
import functools

import jax
import jax.numpy as jnp
from jax import lax
from jax.experimental import pallas as pl
from jax.experimental.pallas import tpu as pltpu
from jax.experimental.pallas import tpu_sc as plsc

_BATCH = 4
_SEQ = 8192
_D = 1024
_NC = 2
_NS = 16
_NW = _NC * _NS
_S_PER_W = _SEQ // _NW
_CHUNK = 16
_NCHUNK = _S_PER_W // _CHUNK
_NSTEP = _NCHUNK * _BATCH
_NBUF = 5
_PREF = 4


def _make_sc_kernel():
    mesh = plsc.VectorSubcoreMesh(core_axis_name="c", subcore_axis_name="s")

    @functools.partial(
        pl.kernel,
        mesh=mesh,
        out_type=jax.ShapeDtypeStruct((_BATCH * _SEQ, _D), jnp.float32),
        scratch_types=[
            pltpu.VMEM((2, _CHUNK, _D), jnp.float32),
            pltpu.VMEM((_NBUF, _CHUNK, _D), jnp.float32),
            pltpu.SemaphoreType.DMA((2,)),
            pltpu.SemaphoreType.DMA((_NBUF,)),
            pltpu.SemaphoreType.DMA((_NBUF,)),
        ],
    )
    def k(x_hbm, pos_hbm, out_hbm, pbufs, xbufs, psem, xsem, ssem):
        wid = lax.axis_index("s") * _NC + lax.axis_index("c")
        base = wid * _S_PER_W

        def pos_copy(ci):
            pb = lax.rem(ci, 2)
            return pltpu.make_async_copy(
                pos_hbm.at[pl.ds(base + ci * _CHUNK, _CHUNK)],
                pbufs.at[pb],
                psem.at[pb],
            )

        def x_copy(s):
            ci = lax.div(s, _BATCH)
            b = lax.rem(s, _BATCH)
            xb = lax.rem(s, _NBUF)
            row0 = b * _SEQ + base + ci * _CHUNK
            return pltpu.make_async_copy(
                x_hbm.at[pl.ds(row0, _CHUNK)], xbufs.at[xb], xsem.at[xb]
            )

        def store_copy(s):
            ci = lax.div(s, _BATCH)
            b = lax.rem(s, _BATCH)
            xb = lax.rem(s, _NBUF)
            row0 = b * _SEQ + base + ci * _CHUNK
            return pltpu.make_async_copy(
                xbufs.at[xb], out_hbm.at[pl.ds(row0, _CHUNK)], ssem.at[xb]
            )

        pos_copy(0).start()
        for s in range(_PREF):
            x_copy(s).start()

        @pl.loop(0, _NSTEP)
        def _(s):
            ci = lax.div(s, _BATCH)
            b = lax.rem(s, _BATCH)
            xb = lax.rem(s, _NBUF)
            pb = lax.rem(ci, 2)

            @pl.when(s + _PREF < _NSTEP)
            def _():
                @pl.when(s >= 1)
                def _():
                    store_copy(s - 1).wait()

                x_copy(s + _PREF).start()

            @pl.when(b == 0)
            def _():
                @pl.when(ci + 1 < _NCHUNK)
                def _():
                    pos_copy(ci + 1).start()

                pos_copy(ci).wait()

            x_copy(s).wait()

            @plsc.parallel_loop(0, _CHUNK, unroll=4)
            def _(r):
                for c in range(_D // 16):
                    v = pbufs[pb, r, pl.ds(c * 16, 16)]
                    plsc.addupdate(xbufs.at[xb, r, pl.ds(c * 16, 16)], v)

            store_copy(s).start()

        for s in range(_NSTEP - _NBUF, _NSTEP):
            store_copy(s).wait()

    return k


_sc_kernel = _make_sc_kernel()


def kernel(x, pos_table):
    batch, seq_len, d_model = x.shape
    xf = x.reshape(batch * seq_len, d_model)
    out = _sc_kernel(xf, pos_table[:seq_len])
    return out.reshape(batch, seq_len, d_model)

# --- scband reference (transcript-rebuilt; emitter-appended) ---
"""Pipeline reference for scband-positional-encoding-7284264534119 (READ-ONLY COPY).

The authoritative reference and input builder live on the scoring server;
editing this copy changes nothing except your own understanding.
"""

import jax, jax.numpy as jnp
import numpy as np

MAX_LEN = 8192
D_MODEL = 1024
BATCH = 4
SEQ_LEN = 8192

def setup_inputs(seed: int = 0) -> dict:
    key = jax.random.key(seed)
    kx, kw = jax.random.split(key)
    x = jax.random.normal(kx, (BATCH, SEQ_LEN, D_MODEL), dtype=jnp.float32)
    # learned positional embedding table, per init_kwargs (max_len, d_model)
    pos_table = jax.random.normal(kw, (MAX_LEN, D_MODEL), dtype=jnp.float32) * 0.02
    return {"x": x, "pos_table": pos_table}

def reference(x, pos_table):
    # positions buffer: arange(max_len)[None, :]; sliced to seq_len
    seq_len = x.shape[1]
    positions = jnp.arange(seq_len, dtype=jnp.int32)
    # embedding lookup -> gather rows of the table
    pos_enc = jnp.take(pos_table, positions, axis=0)  # [seq_len, d_model]
    pos_enc = pos_enc[None, :, :]  # [1, seq_len, d_model] (positions had leading batch dim 1)
    return x + pos_enc

if __name__ == "__main__":
    import jax
    _d = setup_inputs()
    print(jax.jit(kernel)(*tuple(_d.values())))

</pallas_src>

<mosaic_0001>
#map = affine_map<(d0, d1) -> (0, 0)>
module attributes {stable_mosaic.version = 14 : i64} {
  func.func @k(%arg0: i32, %arg1: i32, %arg2: memref<32768x1024xf32, #tpu.memory_space<hbm>>, %arg3: memref<8192x1024xf32, #tpu.memory_space<hbm>>, %arg4: memref<32768x1024xf32, #tpu.memory_space<hbm>>, %arg5: memref<2x16x1024xf32, #tpu.memory_space<vmem>>, %arg6: memref<5x16x1024xf32, #tpu.memory_space<vmem>>, %arg7: memref<2x!tpu.dma_semaphore, #tpu.memory_space<semaphore_mem>>, %arg8: memref<5x!tpu.dma_semaphore, #tpu.memory_space<semaphore_mem>>, %arg9: memref<5x!tpu.dma_semaphore, #tpu.memory_space<semaphore_mem>>) attributes {dimension_semantics = [#tpu.dimension_semantics<core_parallel>, #tpu.dimension_semantics<subcore_parallel>], iteration_bounds = array<i64: 2, 16>, scalar_prefetch = 0 : i64, scratch_operands = 5 : i64, tpu.core_type = #tpu.core_type<sc_vector_subcore>, window_params = [{transform_indices = #map}, {transform_indices = #map}, {transform_indices = #map}]} {
    %mul3A = arith.constant 2 : i32
    %mul3A_0 = arith.muli %arg1, %mul3A : i32
    %add3A = arith.addi %mul3A_0, %arg0 : i32
    %mul3A_1 = arith.constant 256 : i32
    %mul3A_2 = arith.muli %add3A, %mul3A_1 : i32
    %rem3A = arith.constant 0 : i32
    %rem3A_3 = arith.constant 2 : i32
    %rem3A_4 = arith.remsi %rem3A, %rem3A_3 : i32
    %add3A_5 = arith.constant 0 : i32
    %add3A_6 = arith.addi %mul3A_2, %add3A_5 : i32
    %dma_start3A = arith.constant 0 : i32
    %dma_start3A_7 = arith.constant 0 : i32
    %dma_start3A_8 = tpu.memref_slice %arg5[%rem3A_4, %dma_start3A, %dma_start3A_7] : memref<2x16x1024xf32, #tpu.memory_space<vmem>> -> memref<1x16x1024xf32, #tpu.memory_space<vmem>>
    %dma_start3A_9 = tpu.memref_squeeze %dma_start3A_8 : memref<1x16x1024xf32, #tpu.memory_space<vmem>> -> memref<16x1024xf32, #tpu.memory_space<vmem>>
    %dma_start3A_10 = arith.constant 0 : i32
    %dma_start3A_11 = tpu.memref_slice %arg3[%add3A_6, %dma_start3A_10] : memref<8192x1024xf32, #tpu.memory_space<hbm>> -> memref<16x1024xf32, #tpu.memory_space<hbm>>
    %dma_start3A_12 = tpu.memref_slice %arg7[%rem3A_4] : memref<2x!tpu.dma_semaphore, #tpu.memory_space<semaphore_mem>> -> memref<1x!tpu.dma_semaphore, #tpu.memory_space<semaphore_mem>>
    %dma_start3A_13 = tpu.memref_squeeze %dma_start3A_12 : memref<1x!tpu.dma_semaphore, #tpu.memory_space<semaphore_mem>> -> memref<!tpu.dma_semaphore, #tpu.memory_space<semaphore_mem>>
    %dma_start3A_14 = arith.constant 0 : i32
    %dma_start3A_15 = arith.constant 0 : i32
    %dma_start3A_16 = tpu.memref_slice %arg5[%rem3A_4, %dma_start3A_14, %dma_start3A_15] : memref<2x16x1024xf32, #tpu.memory_space<vmem>> -> memref<1x16x1024xf32, #tpu.memory_space<vmem>>
    %dma_start3A_17 = tpu.memref_squeeze %dma_start3A_16 : memref<1x16x1024xf32, #tpu.memory_space<vmem>> -> memref<16x1024xf32, #tpu.memory_space<vmem>>
    %dma_start3A_18 = arith.constant 0 : i32
    %dma_start3A_19 = tpu.memref_slice %arg3[%add3A_6, %dma_start3A_18] : memref<8192x1024xf32, #tpu.memory_space<hbm>> -> memref<16x1024xf32, #tpu.memory_space<hbm>>
    tpu.enqueue_dma source(%dma_start3A_19 : memref<16x1024xf32, #tpu.memory_space<hbm>>) target(%dma_start3A_17 : memref<16x1024xf32, #tpu.memory_space<vmem>>) target_semaphore(%dma_start3A_13 : memref<!tpu.dma_semaphore, #tpu.memory_space<semaphore_mem>>)
    %div3A = arith.constant 0 : i32
    %div3A_20 = arith.constant 4 : i32
    %div3A_21 = arith.divsi %div3A, %div3A_20 : i32
    %rem3A_22 = arith.constant 0 : i32
    %rem3A_23 = arith.constant 4 : i32
    %rem3A_24 = arith.remsi %rem3A_22, %rem3A_23 : i32
    %rem3A_25 = arith.constant 0 : i32
    %rem3A_26 = arith.constant 5 : i32
    %rem3A_27 = arith.remsi %rem3A_25, %rem3A_26 : i32
    %mul3A_28 = arith.constant 8192 : i32
    %mul3A_29 = arith.muli %rem3A_24, %mul3A_28 : i32
    %add3A_30 = arith.addi %mul3A_29, %mul3A_2 : i32
    %mul3A_31 = arith.constant 16 : i32
    %mul3A_32 = arith.muli %div3A_21, %mul3A_31 : i32
    %add3A_33 = arith.addi %add3A_30, %mul3A_32 : i32
    %dma_start3A_34 = arith.constant 0 : i32
    %dma_start3A_35 = arith.constant 0 : i32
    %dma_start3A_36 = tpu.memref_slice %arg6[%rem3A_27, %dma_start3A_34, %dma_start3A_35] : memref<5x16x1024xf32, #tpu.memory_space<vmem>> -> memref<1x16x1024xf32, #tpu.memory_space<vmem>>
    %dma_start3A_37 = tpu.memref_squeeze %dma_start3A_36 : memref<1x16x1024xf32, #tpu.memory_space<vmem>> -> memref<16x1024xf32, #tpu.memory_space<vmem>>
    %dma_start3A_38 = arith.constant 0 : i32
    %dma_start3A_39 = tpu.memref_slice %arg2[%add3A_33, %dma_start3A_38] : memref<32768x1024xf32, #tpu.memory_space<hbm>> -> memref<16x1024xf32, #tpu.memory_space<hbm>>
    %dma_start3A_40 = tpu.memref_slice %arg8[%rem3A_27] : memref<5x!tpu.dma_semaphore, #tpu.memory_space<semaphore_mem>> -> memref<1x!tpu.dma_semaphore, #tpu.memory_space<semaphore_mem>>
    %dma_start3A_41 = tpu.memref_squeeze %dma_start3A_40 : memref<1x!tpu.dma_semaphore, #tpu.memory_space<semaphore_mem>> -> memref<!tpu.dma_semaphore, #tpu.memory_space<semaphore_mem>>
    %dma_start3A_42 = arith.constant 0 : i32
    %dma_start3A_43 = arith.constant 0 : i32
    %dma_start3A_44 = tpu.memref_slice %arg6[%rem3A_27, %dma_start3A_42, %dma_start3A_43] : memref<5x16x1024xf32, #tpu.memory_space<vmem>> -> memref<1x16x1024xf32, #tpu.memory_space<vmem>>
    %dma_start3A_45 = tpu.memref_squeeze %dma_start3A_44 : memref<1x16x1024xf32, #tpu.memory_space<vmem>> -> memref<16x1024xf32, #tpu.memory_space<vmem>>
    %dma_start3A_46 = arith.constant 0 : i32
    %dma_start3A_47 = tpu.memref_slice %arg2[%add3A_33, %dma_start3A_46] : memref<32768x1024xf32, #tpu.memory_space<hbm>> -> memref<16x1024xf32, #tpu.memory_space<hbm>>
    tpu.enqueue_dma source(%dma_start3A_47 : memref<16x1024xf32, #tpu.memory_space<hbm>>) target(%dma_start3A_45 : memref<16x1024xf32, #tpu.memory_space<vmem>>) target_semaphore(%dma_start3A_41 : memref<!tpu.dma_semaphore, #tpu.memory_space<semaphore_mem>>)
    %div3A_48 = arith.constant 1 : i32
    %div3A_49 = arith.constant 4 : i32
    %div3A_50 = arith.divsi %div3A_48, %div3A_49 : i32
    %rem3A_51 = arith.constant 1 : i32
    %rem3A_52 = arith.constant 4 : i32
    %rem3A_53 = arith.remsi %rem3A_51, %rem3A_52 : i32
    %rem3A_54 = arith.constant 1 : i32
    %rem3A_55 = arith.constant 5 : i32
    %rem3A_56 = arith.remsi %rem3A_54, %rem3A_55 : i32
    %mul3A_57 = arith.constant 8192 : i32
    %mul3A_58 = arith.muli %rem3A_53, %mul3A_57 : i32
    %add3A_59 = arith.addi %mul3A_58, %mul3A_2 : i32
    %mul3A_60 = arith.constant 16 : i32
    %mul3A_61 = arith.muli %div3A_50, %mul3A_60 : i32
    %add3A_62 = arith.addi %add3A_59, %mul3A_61 : i32
    %dma_start3A_63 = arith.constant 0 : i32
    %dma_start3A_64 = arith.constant 0 : i32
    %dma_start3A_65 = tpu.memref_slice %arg6[%rem3A_56, %dma_start3A_63, %dma_start3A_64] : memref<5x16x1024xf32, #tpu.memory_space<vmem>> -> memref<1x16x1024xf32, #tpu.memory_space<vmem>>
    %dma_start3A_66 = tpu.memref_squeeze %dma_start3A_65 : memref<1x16x1024xf32, #tpu.memory_space<vmem>> -> memref<16x1024xf32, #tpu.memory_space<vmem>>
    %dma_start3A_67 = arith.constant 0 : i32
    %dma_start3A_68 = tpu.memref_slice %arg2[%add3A_62, %dma_start3A_67] : memref<32768x1024xf32, #tpu.memory_space<hbm>> -> memref<16x1024xf32, #tpu.memory_space<hbm>>
    %dma_start3A_69 = tpu.memref_slice %arg8[%rem3A_56] : memref<5x!tpu.dma_semaphore, #tpu.memory_space<semaphore_mem>> -> memref<1x!tpu.dma_semaphore, #tpu.memory_space<semaphore_mem>>
    %dma_start3A_70 = tpu.memref_squeeze %dma_start3A_69 : memref<1x!tpu.dma_semaphore, #tpu.memory_space<semaphore_mem>> -> memref<!tpu.dma_semaphore, #tpu.memory_space<semaphore_mem>>
    %dma_start3A_71 = arith.constant 0 : i32
    %dma_start3A_72 = arith.constant 0 : i32
    %dma_start3A_73 = tpu.memref_slice %arg6[%rem3A_56, %dma_start3A_71, %dma_start3A_72] : memref<5x16x1024xf32, #tpu.memory_space<vmem>> -> memref<1x16x1024xf32, #tpu.memory_space<vmem>>
    %dma_start3A_74 = tpu.memref_squeeze %dma_start3A_73 : memref<1x16x1024xf32, #tpu.memory_space<vmem>> -> memref<16x1024xf32, #tpu.memory_space<vmem>>
    %dma_start3A_75 = arith.constant 0 : i32
    %dma_start3A_76 = tpu.memref_slice %arg2[%add3A_62, %dma_start3A_75] : memref<32768x1024xf32, #tpu.memory_space<hbm>> -> memref<16x1024xf32, #tpu.memory_space<hbm>>
    tpu.enqueue_dma source(%dma_start3A_76 : memref<16x1024xf32, #tpu.memory_space<hbm>>) target(%dma_start3A_74 : memref<16x1024xf32, #tpu.memory_space<vmem>>) target_semaphore(%dma_start3A_70 : memref<!tpu.dma_semaphore, #tpu.memory_space<semaphore_mem>>)
    %div3A_77 = arith.constant 2 : i32
    %div3A_78 = arith.constant 4 : i32
    %div3A_79 = arith.divsi %div3A_77, %div3A_78 : i32
    %rem3A_80 = arith.constant 2 : i32
    %rem3A_81 = arith.constant 4 : i32
    %rem3A_82 = arith.remsi %rem3A_80, %rem3A_81 : i32
    %rem3A_83 = arith.constant 2 : i32
    %rem3A_84 = arith.constant 5 : i32
    %rem3A_85 = arith.remsi %rem3A_83, %rem3A_84 : i32
    %mul3A_86 = arith.constant 8192 : i32
    %mul3A_87 = arith.muli %rem3A_82, %mul3A_86 : i32
    %add3A_88 = arith.addi %mul3A_87, %mul3A_2 : i32
    %mul3A_89 = arith.constant 16 : i32
    %mul3A_90 = arith.muli %div3A_79, %mul3A_89 : i32
    %add3A_91 = arith.addi %add3A_88, %mul3A_90 : i32
    %dma_start3A_92 = arith.constant 0 : i32
    %dma_start3A_93 = arith.constant 0 : i32
    %dma_start3A_94 = tpu.memref_slice %arg6[%rem3A_85, %dma_start3A_92, %dma_start3A_93] : memref<5x16x1024xf32, #tpu.memory_space<vmem>> -> memref<1x16x1024xf32, #tpu.memory_space<vmem>>
    %dma_start3A_95 = tpu.memref_squeeze %dma_start3A_94 : memref<1x16x1024xf32, #tpu.memory_space<vmem>> -> memref<16x1024xf32, #tpu.memory_space<vmem>>
    %dma_start3A_96 = arith.constant 0 : i32
    %dma_start3A_97 = tpu.memref_slice %arg2[%add3A_91, %dma_start3A_96] : memref<32768x1024xf32, #tpu.memory_space<hbm>> -> memref<16x1024xf32, #tpu.memory_space<hbm>>
    %dma_start3A_98 = tpu.memref_slice %arg8[%rem3A_85] : memref<5x!tpu.dma_semaphore, #tpu.memory_space<semaphore_mem>> -> memref<1x!tpu.dma_semaphore, #tpu.memory_space<semaphore_mem>>
    %dma_start3A_99 = tpu.memref_squeeze %dma_start3A_98 : memref<1x!tpu.dma_semaphore, #tpu.memory_space<semaphore_mem>> -> memref<!tpu.dma_semaphore, #tpu.memory_space<semaphore_mem>>
    %dma_start3A_100 = arith.constant 0 : i32
    %dma_start3A_101 = arith.constant 0 : i32
    %dma_start3A_102 = tpu.memref_slice %arg6[%rem3A_85, %dma_start3A_100, %dma_start3A_101] : memref<5x16x1024xf32, #tpu.memory_space<vmem>> -> memref<1x16x1024xf32, #tpu.memory_space<vmem>>
    %dma_start3A_103 = tpu.memref_squeeze %dma_start3A_102 : memref<1x16x1024xf32, #tpu.memory_space<vmem>> -> memref<16x1024xf32, #tpu.memory_space<vmem>>
    %dma_start3A_104 = arith.constant 0 : i32
    %dma_start3A_105 = tpu.memref_slice %arg2[%add3A_91, %dma_start3A_104] : memref<32768x1024xf32, #tpu.memory_space<hbm>> -> memref<16x1024xf32, #tpu.memory_space<hbm>>
    tpu.enqueue_dma source(%dma_start3A_105 : memref<16x1024xf32, #tpu.memory_space<hbm>>) target(%dma_start3A_103 : memref<16x1024xf32, #tpu.memory_space<vmem>>) target_semaphore(%dma_start3A_99 : memref<!tpu.dma_semaphore, #tpu.memory_space<semaphore_mem>>)
    %div3A_106 = arith.constant 3 : i32
    %div3A_107 = arith.constant 4 : i32
    %div3A_108 = arith.divsi %div3A_106, %div3A_107 : i32
    %rem3A_109 = arith.constant 3 : i32
    %rem3A_110 = arith.constant 4 : i32
    %rem3A_111 = arith.remsi %rem3A_109, %rem3A_110 : i32
    %rem3A_112 = arith.constant 3 : i32
    %rem3A_113 = arith.constant 5 : i32
    %rem3A_114 = arith.remsi %rem3A_112, %rem3A_113 : i32
    %mul3A_115 = arith.constant 8192 : i32
    %mul3A_116 = arith.muli %rem3A_111, %mul3A_115 : i32
    %add3A_117 = arith.addi %mul3A_116, %mul3A_2 : i32
    %mul3A_118 = arith.constant 16 : i32
    %mul3A_119 = arith.muli %div3A_108, %mul3A_118 : i32
    %add3A_120 = arith.addi %add3A_117, %mul3A_119 : i32
    %dma_start3A_121 = arith.constant 0 : i32
    %dma_start3A_122 = arith.constant 0 : i32
    %dma_start3A_123 = tpu.memref_slice %arg6[%rem3A_114, %dma_start3A_121, %dma_start3A_122] : memref<5x16x1024xf32, #tpu.memory_space<vmem>> -> memref<1x16x1024xf32, #tpu.memory_space<vmem>>
    %dma_start3A_124 = tpu.memref_squeeze %dma_start3A_123 : memref<1x16x1024xf32, #tpu.memory_space<vmem>> -> memref<16x1024xf32, #tpu.memory_space<vmem>>
    %dma_start3A_125 = arith.constant 0 : i32
    %dma_start3A_126 = tpu.memref_slice %arg2[%add3A_120, %dma_start3A_125] : memref<32768x1024xf32, #tpu.memory_space<hbm>> -> memref<16x1024xf32, #tpu.memory_space<hbm>>
    %dma_start3A_127 = tpu.memref_slice %arg8[%rem3A_114] : memref<5x!tpu.dma_semaphore, #tpu.memory_space<semaphore_mem>> -> memref<1x!tpu.dma_semaphore, #tpu.memory_space<semaphore_mem>>
    %dma_start3A_128 = tpu.memref_squeeze %dma_start3A_127 : memref<1x!tpu.dma_semaphore, #tpu.memory_space<semaphore_mem>> -> memref<!tpu.dma_semaphore, #tpu.memory_space<semaphore_mem>>
    %dma_start3A_129 = arith.constant 0 : i32
    %dma_start3A_130 = arith.constant 0 : i32
    %dma_start3A_131 = tpu.memref_slice %arg6[%rem3A_114, %dma_start3A_129, %dma_start3A_130] : memref<5x16x1024xf32, #tpu.memory_space<vmem>> -> memref<1x16x1024xf32, #tpu.memory_space<vmem>>
    %dma_start3A_132 = tpu.memref_squeeze %dma_start3A_131 : memref<1x16x1024xf32, #tpu.memory_space<vmem>> -> memref<16x1024xf32, #tpu.memory_space<vmem>>
    %dma_start3A_133 = arith.constant 0 : i32
    %dma_start3A_134 = tpu.memref_slice %arg2[%add3A_120, %dma_start3A_133] : memref<32768x1024xf32, #tpu.memory_space<hbm>> -> memref<16x1024xf32, #tpu.memory_space<hbm>>
    tpu.enqueue_dma source(%dma_start3A_134 : memref<16x1024xf32, #tpu.memory_space<hbm>>) target(%dma_start3A_132 : memref<16x1024xf32, #tpu.memory_space<vmem>>) target_semaphore(%dma_start3A_128 : memref<!tpu.dma_semaphore, #tpu.memory_space<semaphore_mem>>)
    %scan3A = arith.constant 0 : i32
    %scan3A_135 = arith.constant 64 : i32
    %scan3A_136 = arith.addi %scan3A, %scan3A_135 : i32
    %scan3A_137 = arith.constant 1 : i32
    scf.for %scan3A_283 = %scan3A to %scan3A_136 step %scan3A_137  : i32 {
      %mul3A_284 = arith.constant 1 : i32
      %mul3A_285 = arith.muli %scan3A_283, %mul3A_284 : i32
      %add3A_286 = arith.constant 0 : i32
      %add3A_287 = arith.addi %add3A_286, %mul3A_285 : i32
      %div3A_288 = arith.constant 4 : i32
      %div3A_289 = arith.divsi %add3A_287, %div3A_288 : i32
      %rem3A_290 = arith.constant 4 : i32
      %rem3A_291 = arith.remsi %add3A_287, %rem3A_290 : i32
      %rem3A_292 = arith.constant 5 : i32
      %rem3A_293 = arith.remsi %add3A_287, %rem3A_292 : i32
      %rem3A_294 = arith.constant 2 : i32
      %rem3A_295 = arith.remsi %div3A_289, %rem3A_294 : i32
      %add3A_296 = arith.constant 4 : i32
      %add3A_297 = arith.addi %add3A_287, %add3A_296 : i32
      %lt3A = arith.constant 64 : i32
      %lt3A_298 = arith.cmpi slt, %add3A_297, %lt3A : i32
      %convert_element_type3A = arith.extui %lt3A_298 : i1 to i32
      %cond3A = arith.constant 0 : i32
      %cond3A_299 = arith.cmpi ne, %convert_element_type3A, %cond3A : i32
      scf.if %cond3A_299 {
        %ge3A = arith.constant 1 : i32
        %ge3A_358 = arith.cmpi sge, %add3A_287, %ge3A : i32
        %convert_element_type3A_359 = arith.extui %ge3A_358 : i1 to i32
        %cond3A_360 = arith.constant 0 : i32
        %cond3A_361 = arith.cmpi ne, %convert_element_type3A_359, %cond3A_360 : i32
        scf.if %cond3A_361 {
          %sub3A = arith.constant 1 : i32
          %sub3A_390 = arith.subi %add3A_287, %sub3A : i32
          %div3A_391 = arith.constant 4 : i32
          %div3A_392 = arith.divsi %sub3A_390, %div3A_391 : i32
          %rem3A_393 = arith.constant 4 : i32
          %rem3A_394 = arith.remsi %sub3A_390, %rem3A_393 : i32
          %rem3A_395 = arith.constant 5 : i32
          %rem3A_396 = arith.remsi %sub3A_390, %rem3A_395 : i32
          %mul3A_397 = arith.constant 8192 : i32
          %mul3A_398 = arith.muli %rem3A_394, %mul3A_397 : i32
          %add3A_399 = arith.addi %mul3A_398, %mul3A_2 : i32
          %mul3A_400 = arith.constant 16 : i32
          %mul3A_401 = arith.muli %div3A_392, %mul3A_400 : i32
          %add3A_402 = arith.addi %add3A_399, %mul3A_401 : i32
          %dma_wait3A_403 = arith.constant 0 : i32
          %dma_wait3A_404 = arith.constant 0 : i32
          %dma_wait3A_405 = tpu.memref_slice %arg6[%rem3A_396, %dma_wait3A_403, %dma_wait3A_404] : memref<5x16x1024xf32, #tpu.memory_space<vmem>> -> memref<1x16x1024xf32, #tpu.memory_space<vmem>>
          %dma_wait3A_406 = tpu.memref_squeeze %dma_wait3A_405 : memref<1x16x1024xf32, #tpu.memory_space<vmem>> -> memref<16x1024xf32, #tpu.memory_space<vmem>>
          %dma_wait3A_407 = arith.constant 0 : i32
          %dma_wait3A_408 = tpu.memref_slice %arg4[%add3A_402, %dma_wait3A_407] : memref<32768x1024xf32, #tpu.memory_space<hbm>> -> memref<16x1024xf32, #tpu.memory_space<hbm>>
          %dma_wait3A_409 = tpu.memref_slice %arg9[%rem3A_396] : memref<5x!tpu.dma_semaphore, #tpu.memory_space<semaphore_mem>> -> memref<1x!tpu.dma_semaphore, #tpu.memory_space<semaphore_mem>>
          %dma_wait3A_410 = tpu.memref_squeeze %dma_wait3A_409 : memref<1x!tpu.dma_semaphore, #tpu.memory_space<semaphore_mem>> -> memref<!tpu.dma_semaphore, #tpu.memory_space<semaphore_mem>>
          %dma_wait3A_411 = arith.constant 0 : i32
          %dma_wait3A_412 = tpu.memref_slice %arg4[%add3A_402, %dma_wait3A_411] : memref<32768x1024xf32, #tpu.memory_space<hbm>> -> memref<16x1024xf32, #tpu.memory_space<hbm>>
          %dma_wait3A_413 = arith.constant 0 : i32
          %dma_wait3A_414 = arith.constant 0 : i32
          %dma_wait3A_415 = tpu.memref_slice %arg6[%rem3A_396, %dma_wait3A_413, %dma_wait3A_414] : memref<5x16x1024xf32, #tpu.memory_space<vmem>> -> memref<1x16x1024xf32, #tpu.memory_space<vmem>>
          %dma_wait3A_416 = tpu.memref_squeeze %dma_wait3A_415 : memref<1x16x1024xf32, #tpu.memory_space<vmem>> -> memref<16x1024xf32, #tpu.memory_space<vmem>>
          tpu.wait_dma2 semaphore(%dma_wait3A_410 : memref<!tpu.dma_semaphore, #tpu.memory_space<semaphore_mem>>) src(%dma_wait3A_416 : memref<16x1024xf32, #tpu.memory_space<vmem>>) dst(%dma_wait3A_412 : memref<16x1024xf32, #tpu.memory_space<hbm>>)
        } else {
        }
        %add3A_362 = arith.constant 4 : i32
        %add3A_363 = arith.addi %add3A_287, %add3A_362 : i32
        %div3A_364 = arith.constant 4 : i32
        %div3A_365 = arith.divsi %add3A_363, %div3A_364 : i32
        %rem3A_366 = arith.constant 4 : i32
        %rem3A_367 = arith.remsi %add3A_363, %rem3A_366 : i32
        %rem3A_368 = arith.constant 5 : i32
        %rem3A_369 = arith.remsi %add3A_363, %rem3A_368 : i32
        %mul3A_370 = arith.constant 8192 : i32
        %mul3A_371 = arith.muli %rem3A_367, %mul3A_370 : i32
        %add3A_372 = arith.addi %mul3A_371, %mul3A_2 : i32
        %mul3A_373 = arith.constant 16 : i32
        %mul3A_374 = arith.muli %div3A_365, %mul3A_373 : i32
        %add3A_375 = arith.addi %add3A_372, %mul3A_374 : i32
        %dma_start3A_376 = arith.constant 0 : i32
        %dma_start3A_377 = arith.constant 0 : i32
        %dma_start3A_378 = tpu.memref_slice %arg6[%rem3A_369, %dma_start3A_376, %dma_start3A_377] : memref<5x16x1024xf32, #tpu.memory_space<vmem>> -> memref<1x16x1024xf32, #tpu.memory_space<vmem>>
        %dma_start3A_379 = tpu.memref_squeeze %dma_start3A_378 : memref<1x16x1024xf32, #tpu.memory_space<vmem>> -> memref<16x1024xf32, #tpu.memory_space<vmem>>
        %dma_start3A_380 = arith.constant 0 : i32
        %dma_start3A_381 = tpu.memref_slice %arg2[%add3A_375, %dma_start3A_380] : memref<32768x1024xf32, #tpu.memory_space<hbm>> -> memref<16x1024xf32, #tpu.memory_space<hbm>>
        %dma_start3A_382 = tpu.memref_slice %arg8[%rem3A_369] : memref<5x!tpu.dma_semaphore, #tpu.memory_space<semaphore_mem>> -> memref<1x!tpu.dma_semaphore, #tpu.memory_space<semaphore_mem>>
        %dma_start3A_383 = tpu.memref_squeeze %dma_start3A_382 : memref<1x!tpu.dma_semaphore, #tpu.memory_space<semaphore_mem>> -> memref<!tpu.dma_semaphore, #tpu.memory_space<semaphore_mem>>
        %dma_start3A_384 = arith.constant 0 : i32
        %dma_start3A_385 = arith.constant 0 : i32
        %dma_start3A_386 = tpu.memref_slice %arg6[%rem3A_369, %dma_start3A_384, %dma_start3A_385] : memref<5x16x1024xf32, #tpu.memory_space<vmem>> -> memref<1x16x1024xf32, #tpu.memory_space<vmem>>
        %dma_start3A_387 = tpu.memref_squeeze %dma_start3A_386 : memref<1x16x1024xf32, #tpu.memory_space<vmem>> -> memref<16x1024xf32, #tpu.memory_space<vmem>>
        %dma_start3A_388 = arith.constant 0 : i32
        %dma_start3A_389 = tpu.memref_slice %arg2[%add3A_375, %dma_start3A_388] : memref<32768x1024xf32, #tpu.memory_space<hbm>> -> memref<16x1024xf32, #tpu.memory_space<hbm>>
        tpu.enqueue_dma source(%dma_start3A_389 : memref<16x1024xf32, #tpu.memory_space<hbm>>) target(%dma_start3A_387 : memref<16x1024xf32, #tpu.memory_space<vmem>>) target_semaphore(%dma_start3A_383 : memref<!tpu.dma_semaphore, #tpu.memory_space<semaphore_mem>>)
      } else {
      }
      %eq3A = arith.constant 0 : i32
      %eq3A_300 = arith.cmpi eq, %rem3A_291, %eq3A : i32
      %convert_element_type3A_301 = arith.extui %eq3A_300 : i1 to i32
      %cond3A_302 = arith.constant 0 : i32
      %cond3A_303 = arith.cmpi ne, %convert_element_type3A_301, %cond3A_302 : i32
      scf.if %cond3A_303 {
        %add3A_358 = arith.constant 1 : i32
        %add3A_359 = arith.addi %div3A_289, %add3A_358 : i32
        %lt3A_360 = arith.constant 16 : i32
        %lt3A_361 = arith.cmpi slt, %add3A_359, %lt3A_360 : i32
        %convert_element_type3A_362 = arith.extui %lt3A_361 : i1 to i32
        %cond3A_363 = arith.constant 0 : i32
        %cond3A_364 = arith.cmpi ne, %convert_element_type3A_362, %cond3A_363 : i32
        scf.if %cond3A_364 {
          %add3A_384 = arith.constant 1 : i32
          %add3A_385 = arith.addi %div3A_289, %add3A_384 : i32
          %rem3A_386 = arith.constant 2 : i32
          %rem3A_387 = arith.remsi %add3A_385, %rem3A_386 : i32
          %mul3A_388 = arith.constant 16 : i32
          %mul3A_389 = arith.muli %add3A_385, %mul3A_388 : i32
          %add3A_390 = arith.addi %mul3A_2, %mul3A_389 : i32
          %dma_start3A_391 = arith.constant 0 : i32
          %dma_start3A_392 = arith.constant 0 : i32
          %dma_start3A_393 = tpu.memref_slice %arg5[%rem3A_387, %dma_start3A_391, %dma_start3A_392] : memref<2x16x1024xf32, #tpu.memory_space<vmem>> -> memref<1x16x1024xf32, #tpu.memory_space<vmem>>
          %dma_start3A_394 = tpu.memref_squeeze %dma_start3A_393 : memref<1x16x1024xf32, #tpu.memory_space<vmem>> -> memref<16x1024xf32, #tpu.memory_space<vmem>>
          %dma_start3A_395 = arith.constant 0 : i32
          %dma_start3A_396 = tpu.memref_slice %arg3[%add3A_390, %dma_start3A_395] : memref<8192x1024xf32, #tpu.memory_space<hbm>> -> memref<16x1024xf32, #tpu.memory_space<hbm>>
          %dma_start3A_397 = tpu.memref_slice %arg7[%rem3A_387] : memref<2x!tpu.dma_semaphore, #tpu.memory_space<semaphore_mem>> -> memref<1x!tpu.dma_semaphore, #tpu.memory_space<semaphore_mem>>
          %dma_start3A_398 = tpu.memref_squeeze %dma_start3A_397 : memref<1x!tpu.dma_semaphore, #tpu.memory_space<semaphore_mem>> -> memref<!tpu.dma_semaphore, #tpu.memory_space<semaphore_mem>>
          %dma_start3A_399 = arith.constant 0 : i32
          %dma_start3A_400 = arith.constant 0 : i32
          %dma_start3A_401 = tpu.memref_slice %arg5[%rem3A_387, %dma_start3A_399, %dma_start3A_400] : memref<2x16x1024xf32, #tpu.memory_space<vmem>> -> memref<1x16x1024xf32, #tpu.memory_space<vmem>>
          %dma_start3A_402 = tpu.memref_squeeze %dma_start3A_401 : memref<1x16x1024xf32, #tpu.memory_space<vmem>> -> memref<16x1024xf32, #tpu.memory_space<vmem>>
          %dma_start3A_403 = arith.constant 0 : i32
          %dma_start3A_404 = tpu.memref_slice %arg3[%add3A_390, %dma_start3A_403] : memref<8192x1024xf32, #tpu.memory_space<hbm>> -> memref<16x1024xf32, #tpu.memory_space<hbm>>
          tpu.enqueue_dma source(%dma_start3A_404 : memref<16x1024xf32, #tpu.memory_space<hbm>>) target(%dma_start3A_402 : memref<16x1024xf32, #tpu.memory_space<vmem>>) target_semaphore(%dma_start3A_398 : memref<!tpu.dma_semaphore, #tpu.memory_space<semaphore_mem>>)
        } else {
        }
        %rem3A_365 = arith.constant 2 : i32
        %rem3A_366 = arith.remsi %div3A_289, %rem3A_365 : i32
        %mul3A_367 = arith.constant 16 : i32
        %mul3A_368 = arith.muli %div3A_289, %mul3A_367 : i32
        %add3A_369 = arith.addi %mul3A_2, %mul3A_368 : i32
        %dma_wait3A_370 = arith.constant 0 : i32
        %dma_wait3A_371 = arith.constant 0 : i32
        %dma_wait3A_372 = tpu.memref_slice %arg5[%rem3A_366, %dma_wait3A_370, %dma_wait3A_371] : memref<2x16x1024xf32, #tpu.memory_space<vmem>> -> memref<1x16x1024xf32, #tpu.memory_space<vmem>>
        %dma_wait3A_373 = tpu.memref_squeeze %dma_wait3A_372 : memref<1x16x1024xf32, #tpu.memory_space<vmem>> -> memref<16x1024xf32, #tpu.memory_space<vmem>>
        %dma_wait3A_374 = arith.constant 0 : i32
        %dma_wait3A_375 = tpu.memref_slice %arg3[%add3A_369, %dma_wait3A_374] : memref<8192x1024xf32, #tpu.memory_space<hbm>> -> memref<16x1024xf32, #tpu.memory_space<hbm>>
        %dma_wait3A_376 = tpu.memref_slice %arg7[%rem3A_366] : memref<2x!tpu.dma_semaphore, #tpu.memory_space<semaphore_mem>> -> memref<1x!tpu.dma_semaphore, #tpu.memory_space<semaphore_mem>>
        %dma_wait3A_377 = tpu.memref_squeeze %dma_wait3A_376 : memref<1x!tpu.dma_semaphore, #tpu.memory_space<semaphore_mem>> -> memref<!tpu.dma_semaphore, #tpu.memory_space<semaphore_mem>>
        %dma_wait3A_378 = arith.constant 0 : i32
        %dma_wait3A_379 = arith.constant 0 : i32
        %dma_wait3A_380 = tpu.memref_slice %arg5[%rem3A_366, %dma_wait3A_378, %dma_wait3A_379] : memref<2x16x1024xf32, #tpu.memory_space<vmem>> -> memref<1x16x1024xf32, #tpu.memory_space<vmem>>
        %dma_wait3A_381 = tpu.memref_squeeze %dma_wait3A_380 : memref<1x16x1024xf32, #tpu.memory_space<vmem>> -> memref<16x1024xf32, #tpu.memory_space<vmem>>
        %dma_wait3A_382 = arith.constant 0 : i32
        %dma_wait3A_383 = tpu.memref_slice %arg3[%add3A_369, %dma_wait3A_382] : memref<8192x1024xf32, #tpu.memory_space<hbm>> -> memref<16x1024xf32, #tpu.memory_space<hbm>>
        tpu.wait_dma2 semaphore(%dma_wait3A_377 : memref<!tpu.dma_semaphore, #tpu.memory_space<semaphore_mem>>) src(%dma_wait3A_383 : memref<16x1024xf32, #tpu.memory_space<hbm>>) dst(%dma_wait3A_381 : memref<16x1024xf32, #tpu.memory_space<vmem>>)
      } else {
      }
      %div3A_304 = arith.constant 4 : i32
      %div3A_305 = arith.divsi %add3A_287, %div3A_304 : i32
      %rem3A_306 = arith.constant 4 : i32
      %rem3A_307 = arith.remsi %add3A_287, %rem3A_306 : i32
      %rem3A_308 = arith.constant 5 : i32
      %rem3A_309 = arith.remsi %add3A_287, %rem3A_308 : i32
      %mul3A_310 = arith.constant 8192 : i32
      %mul3A_311 = arith.muli %rem3A_307, %mul3A_310 : i32
      %add3A_312 = arith.addi %mul3A_311, %mul3A_2 : i32
      %mul3A_313 = arith.constant 16 : i32
      %mul3A_314 = arith.muli %div3A_305, %mul3A_313 : i32
      %add3A_315 = arith.addi %add3A_312, %mul3A_314 : i32
      %dma_wait3A_316 = arith.constant 0 : i32
      %dma_wait3A_317 = arith.constant 0 : i32
      %dma_wait3A_318 = tpu.memref_slice %arg6[%rem3A_309, %dma_wait3A_316, %dma_wait3A_317] : memref<5x16x1024xf32, #tpu.memory_space<vmem>> -> memref<1x16x1024xf32, #tpu.memory_space<vmem>>
      %dma_wait3A_319 = tpu.memref_squeeze %dma_wait3A_318 : memref<1x16x1024xf32, #tpu.memory_space<vmem>> -> memref<16x1024xf32, #tpu.memory_space<vmem>>
      %dma_wait3A_320 = arith.constant 0 : i32
      %dma_wait3A_321 = tpu.memref_slice %arg2[%add3A_315, %dma_wait3A_320] : memref<32768x1024xf32, #tpu.memory_space<hbm>> -> memref<16x1024xf32, #tpu.memory_space<hbm>>
      %dma_wait3A_322 = tpu.memref_slice %arg8[%rem3A_309] : memref<5x!tpu.dma_semaphore, #tpu.memory_space<semaphore_mem>> -> memref<1x!tpu.dma_semaphore, #tpu.memory_space<semaphore_mem>>
      %dma_wait3A_323 = tpu.memref_squeeze %dma_wait3A_322 : memref<1x!tpu.dma_semaphore, #tpu.memory_space<semaphore_mem>> -> memref<!tpu.dma_semaphore, #tpu.memory_space<semaphore_mem>>
      %dma_wait3A_324 = arith.constant 0 : i32
      %dma_wait3A_325 = arith.constant 0 : i32
      %dma_wait3A_326 = tpu.memref_slice %arg6[%rem3A_309, %dma_wait3A_324, %dma_wait3A_325] : memref<5x16x1024xf32, #tpu.memory_space<vmem>> -> memref<1x16x1024xf32, #tpu.memory_space<vmem>>
      %dma_wait3A_327 = tpu.memref_squeeze %dma_wait3A_326 : memref<1x16x1024xf32, #tpu.memory_space<vmem>> -> memref<16x1024xf32, #tpu.memory_space<vmem>>
      %dma_wait3A_328 = arith.constant 0 : i32
      %dma_wait3A_329 = tpu.memref_slice %arg2[%add3A_315, %dma_wait3A_328] : memref<32768x1024xf32, #tpu.memory_space<hbm>> -> memref<16x1024xf32, #tpu.memory_space<hbm>>
      tpu.wait_dma2 semaphore(%dma_wait3A_323 : memref<!tpu.dma_semaphore, #tpu.memory_space<semaphore_mem>>) src(%dma_wait3A_329 : memref<16x1024xf32, #tpu.memory_space<hbm>>) dst(%dma_wait3A_327 : memref<16x1024xf32, #tpu.memory_space<vmem>>)
      %parallel_loop3A = arith.constant 0 : i32
      %parallel_loop3A_330 = arith.constant 16 : i32
      %parallel_loop3A_331 = arith.constant 1 : i32
      scf.for %parallel_loop3A_358 = %parallel_loop3A to %parallel_loop3A_330 step %parallel_loop3A_331  : i32 {
        %parallel_loop3A_359 = arith.index_cast %rem3A_295 : i32 to index
        %parallel_loop3A_360 = arith.index_cast %parallel_loop3A_358 : i32 to index
        %parallel_loop3A_361 = arith.constant 0 : index
        %parallel_loop3A_362 = tpu.vector_load %arg5[%parallel_loop3A_359, %parallel_loop3A_360, %parallel_loop3A_361] {strides = array<i32>} : memref<2x16x1024xf32, #tpu.memory_space<vmem>>, vector<1x1x16xf32>,
        %parallel_loop3A_363 = vector.shape_cast %parallel_loop3A_362 : vector<1x1x16xf32> to vector<16xf32>
        %parallel_loop3A_364 = arith.index_cast %rem3A_293 : i32 to index
        %parallel_loop3A_365 = arith.index_cast %parallel_loop3A_358 : i32 to index
        %parallel_loop3A_366 = arith.constant 0 : index
        %parallel_loop3A_367 = tpu.vector_load %arg6[%parallel_loop3A_364, %parallel_loop3A_365, %parallel_loop3A_366] {strides = array<i32>} : memref<5x16x1024xf32, #tpu.memory_space<vmem>>, vector<1x1x16xf32>,
        %parallel_loop3A_368 = vector.shape_cast %parallel_loop3A_367 : vector<1x1x16xf32> to vector<16xf32>
        %parallel_loop3A_369 = vector.shape_cast %parallel_loop3A_363 : vector<16xf32> to vector<1x1x16xf32>
        tpu.vector_store %arg6[%parallel_loop3A_364, %parallel_loop3A_365, %parallel_loop3A_366], %parallel_loop3A_369 {add = true, strides = array<i32>} : memref<5x16x1024xf32, #tpu.memory_space<vmem>>, vector<1x1x16xf32>,
        %parallel_loop3A_370 = arith.index_cast %rem3A_295 : i32 to index
        %parallel_loop3A_371 = arith.index_cast %parallel_loop3A_358 : i32 to index
        %parallel_loop3A_372 = arith.constant 16 : index
        %parallel_loop3A_373 = tpu.vector_load %arg5[%parallel_loop3A_370, %parallel_loop3A_371, %parallel_loop3A_372] {strides = array<i32>} : memref<2x16x1024xf32, #tpu.memory_space<vmem>>, vector<1x1x16xf32>,
        %parallel_loop3A_374 = vector.shape_cast %parallel_loop3A_373 : vector<1x1x16xf32> to vector<16xf32>
        %parallel_loop3A_375 = arith.index_cast %rem3A_293 : i32 to index
        %parallel_loop3A_376 = arith.index_cast %parallel_loop3A_358 : i32 to index
        %parallel_loop3A_377 = arith.constant 16 : index
        %parallel_loop3A_378 = tpu.vector_load %arg6[%parallel_loop3A_375, %parallel_loop3A_376, %parallel_loop3A_377] {strides = array<i32>} : memref<5x16x1024xf32, #tpu.memory_space<vmem>>, vector<1x1x16xf32>,
        %parallel_loop3A_379 = vector.shape_cast %parallel_loop3A_378 : vector<1x1x16xf32> to vector<16xf32>
        %parallel_loop3A_380 = vector.shape_cast %parallel_loop3A_374 : vector<16xf32> to vector<1x1x16xf32>
        tpu.vector_store %arg6[%parallel_loop3A_375, %parallel_loop3A_376, %parallel_loop3A_377], %parallel_loop3A_380 {add = true, strides = array<i32>} : memref<5x16x1024xf32, #tpu.memory_space<vmem>>, vector<1x1x16xf32>,
        %parallel_loop3A_381 = arith.index_cast %rem3A_295 : i32 to index
        %parallel_loop3A_382 = arith.index_cast %parallel_loop3A_358 : i32 to index
        %parallel_loop3A_383 = arith.constant 32 : index
        %parallel_loop3A_384 = tpu.vector_load %arg5[%parallel_loop3A_381, %parallel_loop3A_382, %parallel_loop3A_383] {strides = array<i32>} : memref<2x16x1024xf32, #tpu.memory_space<vmem>>, vector<1x1x16xf32>,
        %parallel_loop3A_385 = vector.shape_cast %parallel_loop3A_384 : vector<1x1x16xf32> to vector<16xf32>
        %parallel_loop3A_386 = arith.index_cast %rem3A_293 : i32 to index
        %parallel_loop3A_387 = arith.index_cast %parallel_loop3A_358 : i32 to index
        %parallel_loop3A_388 = arith.constant 32 : index
        %parallel_loop3A_389 = tpu.vector_load %arg6[%parallel_loop3A_386, %parallel_loop3A_387, %parallel_loop3A_388] {strides = array<i32>} : memref<5x16x1024xf32, #tpu.memory_space<vmem>>, vector<1x1x16xf32>,
        %parallel_loop3A_390 = vector.shape_cast %parallel_loop3A_389 : vector<1x1x16xf32> to vector<16xf32>
        %parallel_loop3A_391 = vector.shape_cast %parallel_loop3A_385 : vector<16xf32> to vector<1x1x16xf32>
        tpu.vector_store %arg6[%parallel_loop3A_386, %parallel_loop3A_387, %parallel_loop3A_388], %parallel_loop3A_391 {add = true, strides = array<i32>} : memref<5x16x1024xf32, #tpu.memory_space<vmem>>, vector<1x1x16xf32>,
        %parallel_loop3A_392 = arith.index_cast %rem3A_295 : i32 to index
        %parallel_loop3A_393 = arith.index_cast %parallel_loop3A_358 : i32 to index
        %parallel_loop3A_394 = arith.constant 48 : index
        %parallel_loop3A_395 = tpu.vector_load %arg5[%parallel_loop3A_392, %parallel_loop3A_393, %parallel_loop3A_394] {strides = array<i32>} : memref<2x16x1024xf32, #tpu.memory_space<vmem>>, vector<1x1x16xf32>,
        %parallel_loop3A_396 = vector.shape_cast %parallel_loop3A_395 : vector<1x1x16xf32> to vector<16xf32>
        %parallel_loop3A_397 = arith.index_cast %rem3A_293 : i32 to index
        %parallel_loop3A_398 = arith.index_cast %parallel_loop3A_358 : i32 to index
        %parallel_loop3A_399 = arith.constant 48 : index
        %parallel_loop3A_400 = tpu.vector_load %arg6[%parallel_loop3A_397, %parallel_loop3A_398, %parallel_loop3A_399] {strides = array<i32>} : memref<5x16x1024xf32, #tpu.memory_space<vmem>>, vector<1x1x16xf32>,
        %parallel_loop3A_401 = vector.shape_cast %parallel_loop3A_400 : vector<1x1x16xf32> to vector<16xf32>
        %parallel_loop3A_402 = vector.shape_cast %parallel_loop3A_396 : vector<16xf32> to vector<1x1x16xf32>
        tpu.vector_store %arg6[%parallel_loop3A_397, %parallel_loop3A_398, %parallel_loop3A_399], %parallel_loop3A_402 {add = true, strides = array<i32>} : memref<5x16x1024xf32, #tpu.memory_space<vmem>>, vector<1x1x16xf32>,
        %parallel_loop3A_403 = arith.index_cast %rem3A_295 : i32 to index
        %parallel_loop3A_404 = arith.index_cast %parallel_loop3A_358 : i32 to index
        %parallel_loop3A_405 = arith.constant 64 : index
        %parallel_loop3A_406 = tpu.vector_load %arg5[%parallel_loop3A_403, %parallel_loop3A_404, %parallel_loop3A_405] {strides = array<i32>} : memref<2x16x1024xf32, #tpu.memory_space<vmem>>, vector<1x1x16xf32>,
        %parallel_loop3A_407 = vector.shape_cast %parallel_loop3A_406 : vector<1x1x16xf32> to vector<16xf32>
        %parallel_loop3A_408 = arith.index_cast %rem3A_293 : i32 to index
        %parallel_loop3A_409 = arith.index_cast %parallel_loop3A_358 : i32 to index
        %parallel_loop3A_410 = arith.constant 64 : index
        %parallel_loop3A_411 = tpu.vector_load %arg6[%parallel_loop3A_408, %parallel_loop3A_409, %parallel_loop3A_410] {strides = array<i32>} : memref<5x16x1024xf32, #tpu.memory_space<vmem>>, vector<1x1x16xf32>,
        %parallel_loop3A_412 = vector.shape_cast %parallel_loop3A_411 : vector<1x1x16xf32> to vector<16xf32>
        %parallel_loop3A_413 = vector.shape_cast %parallel_loop3A_407 : vector<16xf32> to vector<1x1x16xf32>
        tpu.vector_store %arg6[%parallel_loop3A_408, %parallel_loop3A_409, %parallel_loop3A_410], %parallel_loop3A_413 {add = true, strides = array<i32>} : memref<5x16x1024xf32, #tpu.memory_space<vmem>>, vector<1x1x16xf32>,
        %parallel_loop3A_414 = arith.index_cast %rem3A_295 : i32 to index
        %parallel_loop3A_415 = arith.index_cast %parallel_loop3A_358 : i32 to index
        %parallel_loop3A_416 = arith.constant 80 : index
        %parallel_loop3A_417 = tpu.vector_load %arg5[%parallel_loop3A_414, %parallel_loop3A_415, %parallel_loop3A_416] {strides = array<i32>} : memref<2x16x1024xf32, #tpu.memory_space<vmem>>, vector<1x1x16xf32>,
        %parallel_loop3A_418 = vector.shape_cast %parallel_loop3A_417 : vector<1x1x16xf32> to vector<16xf32>
        %parallel_loop3A_419 = arith.index_cast %rem3A_293 : i32 to index
        %parallel_loop3A_420 = arith.index_cast %parallel_loop3A_358 : i32 to index
        %parallel_loop3A_421 = arith.constant 80 : index
        %parallel_loop3A_422 = tpu.vector_load %arg6[%parallel_loop3A_419, %parallel_loop3A_420, %parallel_loop3A_421] {strides = array<i32>} : memref<5x16x1024xf32, #tpu.memory_space<vmem>>, vector<1x1x16xf32>,
        %parallel_loop3A_423 = vector.shape_cast %parallel_loop3A_422 : vector<1x1x16xf32> to vector<16xf32>
        %parallel_loop3A_424 = vector.shape_cast %parallel_loop3A_418 : vector<16xf32> to vector<1x1x16xf32>
        tpu.vector_store %arg6[%parallel_loop3A_419, %parallel_loop3A_420, %parallel_loop3A_421], %parallel_loop3A_424 {add = true, strides = array<i32>} : memref<5x16x1024xf32, #tpu.memory_space<vmem>>, vector<1x1x16xf32>,
        %parallel_loop3A_425 = arith.index_cast %rem3A_295 : i32 to index
        %parallel_loop3A_426 = arith.index_cast %parallel_loop3A_358 : i32 to index
        %parallel_loop3A_427 = arith.constant 96 : index
        %parallel_loop3A_428 = tpu.vector_load %arg5[%parallel_loop3A_425, %parallel_loop3A_426, %parallel_loop3A_427] {strides = array<i32>} : memref<2x16x1024xf32, #tpu.memory_space<vmem>>, vector<1x1x16xf32>,
        %parallel_loop3A_429 = vector.shape_cast %parallel_loop3A_428 : vector<1x1x16xf32> to vector<16xf32>
        %parallel_loop3A_430 = arith.index_cast %rem3A_293 : i32 to index
        %parallel_loop3A_431 = arith.index_cast %parallel_loop3A_358 : i32 to index
        %parallel_loop3A_432 = arith.constant 96 : index
        %parallel_loop3A_433 = tpu.vector_load %arg6[%parallel_loop3A_430, %parallel_loop3A_431, %parallel_loop3A_432] {strides = array<i32>} : memref<5x16x1024xf32, #tpu.memory_space<vmem>>, vector<1x1x16xf32>,
        %parallel_loop3A_434 = vector.shape_cast %parallel_loop3A_433 : vector<1x1x16xf32> to vector<16xf32>
        %parallel_loop3A_435 = vector.shape_cast %parallel_loop3A_429 : vector<16xf32> to vector<1x1x16xf32>
        tpu.vector_store %arg6[%parallel_loop3A_430, %parallel_loop3A_431, %parallel_loop3A_432], %parallel_loop3A_435 {add = true, strides = array<i32>} : memref<5x16x1024xf32, #tpu.memory_space<vmem>>, vector<1x1x16xf32>,
        %parallel_loop3A_436 = arith.index_cast %rem3A_295 : i32 to index
        %parallel_loop3A_437 = arith.index_cast %parallel_loop3A_358 : i32 to index
        %parallel_loop3A_438 = arith.constant 112 : index
        %parallel_loop3A_439 = tpu.vector_load %arg5[%parallel_loop3A_436, %parallel_loop3A_437, %parallel_loop3A_438] {strides = array<i32>} : memref<2x16x1024xf32, #tpu.memory_space<vmem>>, vector<1x1x16xf32>,
        %parallel_loop3A_440 = vector.shape_cast %parallel_loop3A_439 : vector<1x1x16xf32> to vector<16xf32>
        %parallel_loop3A_441 = arith.index_cast %rem3A_293 : i32 to index
        %parallel_loop3A_442 = arith.index_cast %parallel_loop3A_358 : i32 to index
        %parallel_loop3A_443 = arith.constant 112 : index
        %parallel_loop3A_444 = tpu.vector_load %arg6[%parallel_loop3A_441, %parallel_loop3A_442, %parallel_loop3A_443] {strides = array<i32>} : memref<5x16x1024xf32, #tpu.memory_space<vmem>>, vector<1x1x16xf32>,
        %parallel_loop3A_445 = vector.shape_cast %parallel_loop3A_444 : vector<1x1x16xf32> to vector<16xf32>
        %parallel_loop3A_446 = vector.shape_cast %parallel_loop3A_440 : vector<16xf32> to vector<1x1x16xf32>
        tpu.vector_store %arg6[%parallel_loop3A_441, %parallel_loop3A_442, %parallel_loop3A_443], %parallel_loop3A_446 {add = true, strides = array<i32>} : memref<5x16x1024xf32, #tpu.memory_space<vmem>>, vector<1x1x16xf32>,
        %parallel_loop3A_447 = arith.index_cast %rem3A_295 : i32 to index
        %parallel_loop3A_448 = arith.index_cast %parallel_loop3A_358 : i32 to index
        %parallel_loop3A_449 = arith.constant 128 : index
        %parallel_loop3A_450 = tpu.vector_load %arg5[%parallel_loop3A_447, %parallel_loop3A_448, %parallel_loop3A_449] {strides = array<i32>} : memref<2x16x1024xf32, #tpu.memory_space<vmem>>, vector<1x1x16xf32>,
        %parallel_loop3A_451 = vector.shape_cast %parallel_loop3A_450 : vector<1x1x16xf32> to vector<16xf32>
        %parallel_loop3A_452 = arith.index_cast %rem3A_293 : i32 to index
        %parallel_loop3A_453 = arith.index_cast %parallel_loop3A_358 : i32 to index
        %parallel_loop3A_454 = arith.constant 128 : index
        %parallel_loop3A_455 = tpu.vector_load %arg6[%parallel_loop3A_452, %parallel_loop3A_453, %parallel_loop3A_454] {strides = array<i32>} : memref<5x16x1024xf32, #tpu.memory_space<vmem>>, vector<1x1x16xf32>,
        %parallel_loop3A_456 = vector.shape_cast %parallel_loop3A_455 : vector<1x1x16xf32> to vector<16xf32>
        %parallel_loop3A_457 = vector.shape_cast %parallel_loop3A_451 : vector<16xf32> to vector<1x1x16xf32>
        tpu.vector_store %arg6[%parallel_loop3A_452, %parallel_loop3A_453, %parallel_loop3A_454], %parallel_loop3A_457 {add = true, strides = array<i32>} : memref<5x16x1024xf32, #tpu.memory_space<vmem>>, vector<1x1x16xf32>,
        %parallel_loop3A_458 = arith.index_cast %rem3A_295 : i32 to index
        %parallel_loop3A_459 = arith.index_cast %parallel_loop3A_358 : i32 to index
        %parallel_loop3A_460 = arith.constant 144 : index
        %parallel_loop3A_461 = tpu.vector_load %arg5[%parallel_loop3A_458, %parallel_loop3A_459, %parallel_loop3A_460] {strides = array<i32>} : memref<2x16x1024xf32, #tpu.memory_space<vmem>>, vector<1x1x16xf32>,
        %parallel_loop3A_462 = vector.shape_cast %parallel_loop3A_461 : vector<1x1x16xf32> to vector<16xf32>
        %parallel_loop3A_463 = arith.index_cast %rem3A_293 : i32 to index
        %parallel_loop3A_464 = arith.index_cast %parallel_loop3A_358 : i32 to index
        %parallel_loop3A_465 = arith.constant 144 : index
        %parallel_loop3A_466 = tpu.vector_load %arg6[%parallel_loop3A_463, %parallel_loop3A_464, %parallel_loop3A_465] {strides = array<i32>} : memref<5x16x1024xf32, #tpu.memory_space<vmem>>, vector<1x1x16xf32>,
        %parallel_loop3A_467 = vector.shape_cast %parallel_loop3A_466 : vector<1x1x16xf32> to vector<16xf32>
        %parallel_loop3A_468 = vector.shape_cast %parallel_loop3A_462 : vector<16xf32> to vector<1x1x16xf32>
        tpu.vector_store %arg6[%parallel_loop3A_463, %parallel_loop3A_464, %parallel_loop3A_465], %parallel_loop3A_468 {add = true, strides = array<i32>} : memref<5x16x1024xf32, #tpu.memory_space<vmem>>, vector<1x1x16xf32>,
        %parallel_loop3A_469 = arith.index_cast %rem3A_295 : i32 to index
        %parallel_loop3A_470 = arith.index_cast %parallel_loop3A_358 : i32 to index
        %parallel_loop3A_471 = arith.constant 160 : index
        %parallel_loop3A_472 = tpu.vector_load %arg5[%parallel_loop3A_469, %parallel_loop3A_470, %parallel_loop3A_471] {strides = array<i32>} : memref<2x16x1024xf32, #tpu.memory_space<vmem>>, vector<1x1x16xf32>,
        %parallel_loop3A_473 = vector.shape_cast %parallel_loop3A_472 : vector<1x1x16xf32> to vector<16xf32>
        %parallel_loop3A_474 = arith.index_cast %rem3A_293 : i32 to index
        %parallel_loop3A_475 = arith.index_cast %parallel_loop3A_358 : i32 to index
        %parallel_loop3A_476 = arith.constant 160 : index
        %parallel_loop3A_477 = tpu.vector_load %arg6[%parallel_loop3A_474, %parallel_loop3A_475, %parallel_loop3A_476] {strides = array<i32>} : memref<5x16x1024xf32, #tpu.memory_space<vmem>>, vector<1x1x16xf32>,
        %parallel_loop3A_478 = vector.shape_cast %parallel_loop3A_477 : vector<1x1x16xf32> to vector<16xf32>
        %parallel_loop3A_479 = vector.shape_cast %parallel_loop3A_473 : vector<16xf32> to vector<1x1x16xf32>
        tpu.vector_store %arg6[%parallel_loop3A_474, %parallel_loop3A_475, %parallel_loop3A_476], %parallel_loop3A_479 {add = true, strides = array<i32>} : memref<5x16x1024xf32, #tpu.memory_space<vmem>>, vector<1x1x16xf32>,
        %parallel_loop3A_480 = arith.index_cast %rem3A_295 : i32 to index
        %parallel_loop3A_481 = arith.index_cast %parallel_loop3A_358 : i32 to index
        %parallel_loop3A_482 = arith.constant 176 : index
        %parallel_loop3A_483 = tpu.vector_load %arg5[%parallel_loop3A_480, %parallel_loop3A_481, %parallel_loop3A_482] {strides = array<i32>} : memref<2x16x1024xf32, #tpu.memory_space<vmem>>, vector<1x1x16xf32>,
        %parallel_loop3A_484 = vector.shape_cast %parallel_loop3A_483 : vector<1x1x16xf32> to vector<16xf32>
        %parallel_loop3A_485 = arith.index_cast %rem3A_293 : i32 to index
        %parallel_loop3A_486 = arith.index_cast %parallel_loop3A_358 : i32 to index
        %parallel_loop3A_487 = arith.constant 176 : index
        %parallel_loop3A_488 = tpu.vector_load %arg6[%parallel_loop3A_485, %parallel_loop3A_486, %parallel_loop3A_487] {strides = array<i32>} : memref<5x16x1024xf32, #tpu.memory_space<vmem>>, vector<1x1x16xf32>,
        %parallel_loop3A_489 = vector.shape_cast %parallel_loop3A_488 : vector<1x1x16xf32> to vector<16xf32>
        %parallel_loop3A_490 = vector.shape_cast %parallel_loop3A_484 : vector<16xf32> to vector<1x1x16xf32>
        tpu.vector_store %arg6[%parallel_loop3A_485, %parallel_loop3A_486, %parallel_loop3A_487], %parallel_loop3A_490 {add = true, strides = array<i32>} : memref<5x16x1024xf32, #tpu.memory_space<vmem>>, vector<1x1x16xf32>,
        %parallel_loop3A_491 = arith.index_cast %rem3A_295 : i32 to index
        %parallel_loop3A_492 = arith.index_cast %parallel_loop3A_358 : i32 to index
        %parallel_loop3A_493 = arith.constant 192 : index
        %parallel_loop3A_494 = tpu.vector_load %arg5[%parallel_loop3A_491, %parallel_loop3A_492, %parallel_loop3A_493] {strides = array<i32>} : memref<2x16x1024xf32, #tpu.memory_space<vmem>>, vector<1x1x16xf32>,
        %parallel_loop3A_495 = vector.shape_cast %parallel_loop3A_494 : vector<1x1x16xf32> to vector<16xf32>
        %parallel_loop3A_496 = arith.index_cast %rem3A_293 : i32 to index
        %parallel_loop3A_497 = arith.index_cast %parallel_loop3A_358 : i32 to index
        %parallel_loop3A_498 = arith.constant 192 : index
        %parallel_loop3A_499 = tpu.vector_load %arg6[%parallel_loop3A_496, %parallel_loop3A_497, %parallel_loop3A_498] {strides = array<i32>} : memref<5x16x1024xf32, #tpu.memory_space<vmem>>, vector<1x1x16xf32>,
        %parallel_loop3A_500 = vector.shape_cast %parallel_loop3A_499 : vector<1x1x16xf32> to vector<16xf32>
        %parallel_loop3A_501 = vector.shape_cast %parallel_loop3A_495 : vector<16xf32> to vector<1x1x16xf32>
        tpu.vector_store %arg6[%parallel_loop3A_496, %parallel_loop3A_497, %parallel_loop3A_498], %parallel_loop3A_501 {add = true, strides = array<i32>} : memref<5x16x1024xf32, #tpu.memory_space<vmem>>, vector<1x1x16xf32>,
        %parallel_loop3A_502 = arith.index_cast %rem3A_295 : i32 to index
        %parallel_loop3A_503 = arith.index_cast %parallel_loop3A_358 : i32 to index
        %parallel_loop3A_504 = arith.constant 208 : index
        %parallel_loop3A_505 = tpu.vector_load %arg5[%parallel_loop3A_502, %parallel_loop3A_503, %parallel_loop3A_504] {strides = array<i32>} : memref<2x16x1024xf32, #tpu.memory_space<vmem>>, vector<1x1x16xf32>,
        %parallel_loop3A_506 = vector.shape_cast %parallel_loop3A_505 : vector<1x1x16xf32> to vector<16xf32>
        %parallel_loop3A_507 = arith.index_cast %rem3A_293 : i32 to index
        %parallel_loop3A_508 = arith.index_cast %parallel_loop3A_358 : i32 to index
        %parallel_loop3A_509 = arith.constant 208 : index
        %parallel_loop3A_510 = tpu.vector_load %arg6[%parallel_loop3A_507, %parallel_loop3A_508, %parallel_loop3A_509] {strides = array<i32>} : memref<5x16x1024xf32, #tpu.memory_space<vmem>>, vector<1x1x16xf32>,
        %parallel_loop3A_511 = vector.shape_cast %parallel_loop3A_510 : vector<1x1x16xf32> to vector<16xf32>
        %parallel_loop3A_512 = vector.shape_cast %parallel_loop3A_506 : vector<16xf32> to vector<1x1x16xf32>
        tpu.vector_store %arg6[%parallel_loop3A_507, %parallel_loop3A_508, %parallel_loop3A_509], %parallel_loop3A_512 {add = true, strides = array<i32>} : memref<5x16x1024xf32, #tpu.memory_space<vmem>>, vector<1x1x16xf32>,
        %parallel_loop3A_513 = arith.index_cast %rem3A_295 : i32 to index
        %parallel_loop3A_514 = arith.index_cast %parallel_loop3A_358 : i32 to index
        %parallel_loop3A_515 = arith.constant 224 : index
        %parallel_loop3A_516 = tpu.vector_load %arg5[%parallel_loop3A_513, %parallel_loop3A_514, %parallel_loop3A_515] {strides = array<i32>} : memref<2x16x1024xf32, #tpu.memory_space<vmem>>, vector<1x1x16xf32>,
        %parallel_loop3A_517 = vector.shape_cast %parallel_loop3A_516 : vector<1x1x16xf32> to vector<16xf32>
        %parallel_loop3A_518 = arith.index_cast %rem3A_293 : i32 to index
        %parallel_loop3A_519 = arith.index_cast %parallel_loop3A_358 : i32 to index
        %parallel_loop3A_520 = arith.constant 224 : index
        %parallel_loop3A_521 = tpu.vector_load %arg6[%parallel_loop3A_518, %parallel_loop3A_519, %parallel_loop3A_520] {strides = array<i32>} : memref<5x16x1024xf32, #tpu.memory_space<vmem>>, vector<1x1x16xf32>,
        %parallel_loop3A_522 = vector.shape_cast %parallel_loop3A_521 : vector<1x1x16xf32> to vector<16xf32>
        %parallel_loop3A_523 = vector.shape_cast %parallel_loop3A_517 : vector<16xf32> to vector<1x1x16xf32>
        tpu.vector_store %arg6[%parallel_loop3A_518, %parallel_loop3A_519, %parallel_loop3A_520], %parallel_loop3A_523 {add = true, strides = array<i32>} : memref<5x16x1024xf32, #tpu.memory_space<vmem>>, vector<1x1x16xf32>,
        %parallel_loop3A_524 = arith.index_cast %rem3A_295 : i32 to index
        %parallel_loop3A_525 = arith.index_cast %parallel_loop3A_358 : i32 to index
        %parallel_loop3A_526 = arith.constant 240 : index
        %parallel_loop3A_527 = tpu.vector_load %arg5[%parallel_loop3A_524, %parallel_loop3A_525, %parallel_loop3A_526] {strides = array<i32>} : memref<2x16x1024xf32, #tpu.memory_space<vmem>>, vector<1x1x16xf32>,
        %parallel_loop3A_528 = vector.shape_cast %parallel_loop3A_527 : vector<1x1x16xf32> to vector<16xf32>
        %parallel_loop3A_529 = arith.index_cast %rem3A_293 : i32 to index
        %parallel_loop3A_530 = arith.index_cast %parallel_loop3A_358 : i32 to index
        %parallel_loop3A_531 = arith.constant 240 : index
        %parallel_loop3A_532 = tpu.vector_load %arg6[%parallel_loop3A_529, %parallel_loop3A_530, %parallel_loop3A_531] {strides = array<i32>} : memref<5x16x1024xf32, #tpu.memory_space<vmem>>, vector<1x1x16xf32>,
        %parallel_loop3A_533 = vector.shape_cast %parallel_loop3A_532 : vector<1x1x16xf32> to vector<16xf32>
        %parallel_loop3A_534 = vector.shape_cast %parallel_loop3A_528 : vector<16xf32> to vector<1x1x16xf32>
        tpu.vector_store %arg6[%parallel_loop3A_529, %parallel_loop3A_530, %parallel_loop3A_531], %parallel_loop3A_534 {add = true, strides = array<i32>} : memref<5x16x1024xf32, #tpu.memory_space<vmem>>, vector<1x1x16xf32>,
        %parallel_loop3A_535 = arith.index_cast %rem3A_295 : i32 to index
        %parallel_loop3A_536 = arith.index_cast %parallel_loop3A_358 : i32 to index
        %parallel_loop3A_537 = arith.constant 256 : index
        %parallel_loop3A_538 = tpu.vector_load %arg5[%parallel_loop3A_535, %parallel_loop3A_536, %parallel_loop3A_537] {strides = array<i32>} : memref<2x16x1024xf32, #tpu.memory_space<vmem>>, vector<1x1x16xf32>,
        %parallel_loop3A_539 = vector.shape_cast %parallel_loop3A_538 : vector<1x1x16xf32> to vector<16xf32>
        %parallel_loop3A_540 = arith.index_cast %rem3A_293 : i32 to index
        %parallel_loop3A_541 = arith.index_cast %parallel_loop3A_358 : i32 to index
        %parallel_loop3A_542 = arith.constant 256 : index
        %parallel_loop3A_543 = tpu.vector_load %arg6[%parallel_loop3A_540, %parallel_loop3A_541, %parallel_loop3A_542] {strides = array<i32>} : memref<5x16x1024xf32, #tpu.memory_space<vmem>>, vector<1x1x16xf32>,
        %parallel_loop3A_544 = vector.shape_cast %parallel_loop3A_543 : vector<1x1x16xf32> to vector<16xf32>
        %parallel_loop3A_545 = vector.shape_cast %parallel_loop3A_539 : vector<16xf32> to vector<1x1x16xf32>
        tpu.vector_store %arg6[%parallel_loop3A_540, %parallel_loop3A_541, %parallel_loop3A_542], %parallel_loop3A_545 {add = true, strides = array<i32>} : memref<5x16x1024xf32, #tpu.memory_space<vmem>>, vector<1x1x16xf32>,
        %parallel_loop3A_546 = arith.index_cast %rem3A_295 : i32 to index
        %parallel_loop3A_547 = arith.index_cast %parallel_loop3A_358 : i32 to index
        %parallel_loop3A_548 = arith.constant 272 : index
        %parallel_loop3A_549 = tpu.vector_load %arg5[%parallel_loop3A_546, %parallel_loop3A_547, %parallel_loop3A_548] {strides = array<i32>} : memref<2x16x1024xf32, #tpu.memory_space<vmem>>, vector<1x1x16xf32>,
        %parallel_loop3A_550 = vector.shape_cast %parallel_loop3A_549 : vector<1x1x16xf32> to vector<16xf32>
        %parallel_loop3A_551 = arith.index_cast %rem3A_293 : i32 to index
        %parallel_loop3A_552 = arith.index_cast %parallel_loop3A_358 : i32 to index
        %parallel_loop3A_553 = arith.constant 272 : index
        %parallel_loop3A_554 = tpu.vector_load %arg6[%parallel_loop3A_551, %parallel_loop3A_552, %parallel_loop3A_553] {strides = array<i32>} : memref<5x16x1024xf32, #tpu.memory_space<vmem>>, vector<1x1x16xf32>,
        %parallel_loop3A_555 = vector.shape_cast %parallel_loop3A_554 : vector<1x1x16xf32> to vector<16xf32>
        %parallel_loop3A_556 = vector.shape_cast %parallel_loop3A_550 : vector<16xf32> to vector<1x1x16xf32>
        tpu.vector_store %arg6[%parallel_loop3A_551, %parallel_loop3A_552, %parallel_loop3A_553], %parallel_loop3A_556 {add = true, strides = array<i32>} : memref<5x16x1024xf32, #tpu.memory_space<vmem>>, vector<1x1x16xf32>,
        %parallel_loop3A_557 = arith.index_cast %rem3A_295 : i32 to index
        %parallel_loop3A_558 = arith.index_cast %parallel_loop3A_358 : i32 to index
        %parallel_loop3A_559 = arith.constant 288 : index
        %parallel_loop3A_560 = tpu.vector_load %arg5[%parallel_loop3A_557, %parallel_loop3A_558, %parallel_loop3A_559] {strides = array<i32>} : memref<2x16x1024xf32, #tpu.memory_space<vmem>>, vector<1x1x16xf32>,
        %parallel_loop3A_561 = vector.shape_cast %parallel_loop3A_560 : vector<1x1x16xf32> to vector<16xf32>
        %parallel_loop3A_562 = arith.index_cast %rem3A_293 : i32 to index
        %parallel_loop3A_563 = arith.index_cast %parallel_loop3A_358 : i32 to index
        %parallel_loop3A_564 = arith.constant 288 : index
        %parallel_loop3A_565 = tpu.vector_load %arg6[%parallel_loop3A_562, %parallel_loop3A_563, %parallel_loop3A_564] {strides = array<i32>} : memref<5x16x1024xf32, #tpu.memory_space<vmem>>, vector<1x1x16xf32>,
        %parallel_loop3A_566 = vector.shape_cast %parallel_loop3A_565 : vector<1x1x16xf32> to vector<16xf32>
        %parallel_loop3A_567 = vector.shape_cast %parallel_loop3A_561 : vector<16xf32> to vector<1x1x16xf32>
        tpu.vector_store %arg6[%parallel_loop3A_562, %parallel_loop3A_563, %parallel_loop3A_564], %parallel_loop3A_567 {add = true, strides = array<i32>} : memref<5x16x1024xf32, #tpu.memory_space<vmem>>, vector<1x1x16xf32>,
        %parallel_loop3A_568 = arith.index_cast %rem3A_295 : i32 to index
        %parallel_loop3A_569 = arith.index_cast %parallel_loop3A_358 : i32 to index
        %parallel_loop3A_570 = arith.constant 304 : index
        %parallel_loop3A_571 = tpu.vector_load %arg5[%parallel_loop3A_568, %parallel_loop3A_569, %parallel_loop3A_570] {strides = array<i32>} : memref<2x16x1024xf32, #tpu.memory_space<vmem>>, vector<1x1x16xf32>,
        %parallel_loop3A_572 = vector.shape_cast %parallel_loop3A_571 : vector<1x1x16xf32> to vector<16xf32>
        %parallel_loop3A_573 = arith.index_cast %rem3A_293 : i32 to index
        %parallel_loop3A_574 = arith.index_cast %parallel_loop3A_358 : i32 to index
        %parallel_loop3A_575 = arith.constant 304 : index
        %parallel_loop3A_576 = tpu.vector_load %arg6[%parallel_loop3A_573, %parallel_loop3A_574, %parallel_loop3A_575] {strides = array<i32>} : memref<5x16x1024xf32, #tpu.memory_space<vmem>>, vector<1x1x16xf32>,
        %parallel_loop3A_577 = vector.shape_cast %parallel_loop3A_576 : vector<1x1x16xf32> to vector<16xf32>
        %parallel_loop3A_578 = vector.shape_cast %parallel_loop3A_572 : vector<16xf32> to vector<1x1x16xf32>
        tpu.vector_store %arg6[%parallel_loop3A_573, %parallel_loop3A_574, %parallel_loop3A_575], %parallel_loop3A_578 {add = true, strides = array<i32>} : memref<5x16x1024xf32, #tpu.memory_space<vmem>>, vector<1x1x16xf32>,
        %parallel_loop3A_579 = arith.index_cast %rem3A_295 : i32 to index
        %parallel_loop3A_580 = arith.index_cast %parallel_loop3A_358 : i32 to index
        %parallel_loop3A_581 = arith.constant 320 : index
        %parallel_loop3A_582 = tpu.vector_load %arg5[%parallel_loop3A_579, %parallel_loop3A_580, %parallel_loop3A_581] {strides = array<i32>} : memref<2x16x1024xf32, #tpu.memory_space<vmem>>, vector<1x1x16xf32>,
        %parallel_loop3A_583 = vector.shape_cast %parallel_loop3A_582 : vector<1x1x16xf32> to vector<16xf32>
        %parallel_loop3A_584 = arith.index_cast %rem3A_293 : i32 to index
        %parallel_loop3A_585 = arith.index_cast %parallel_loop3A_358 : i32 to index
        %parallel_loop3A_586 = arith.constant 320 : index
        %parallel_loop3A_587 = tpu.vector_load %arg6[%parallel_loop3A_584, %parallel_loop3A_585, %parallel_loop3A_586] {strides = array<i32>} : memref<5x16x1024xf32, #tpu.memory_space<vmem>>, vector<1x1x16xf32>,
        %parallel_loop3A_588 = vector.shape_cast %parallel_loop3A_587 : vector<1x1x16xf32> to vector<16xf32>
        %parallel_loop3A_589 = vector.shape_cast %parallel_loop3A_583 : vector<16xf32> to vector<1x1x16xf32>
        tpu.vector_store %arg6[%parallel_loop3A_584, %parallel_loop3A_585, %parallel_loop3A_586], %parallel_loop3A_589 {add = true, strides = array<i32>} : memref<5x16x1024xf32, #tpu.memory_space<vmem>>, vector<1x1x16xf32>,
        %parallel_loop3A_590 = arith.index_cast %rem3A_295 : i32 to index
        %parallel_loop3A_591 = arith.index_cast %parallel_loop3A_358 : i32 to index
        %parallel_loop3A_592 = arith.constant 336 : index
        %parallel_loop3A_593 = tpu.vector_load %arg5[%parallel_loop3A_590, %parallel_loop3A_591, %parallel_loop3A_592] {strides = array<i32>} : memref<2x16x1024xf32, #tpu.memory_space<vmem>>, vector<1x1x16xf32>,
        %parallel_loop3A_594 = vector.shape_cast %parallel_loop3A_593 : vector<1x1x16xf32> to vector<16xf32>
        %parallel_loop3A_595 = arith.index_cast %rem3A_293 : i32 to index
        %parallel_loop3A_596 = arith.index_cast %parallel_loop3A_358 : i32 to index
        %parallel_loop3A_597 = arith.constant 336 : index
        %parallel_loop3A_598 = tpu.vector_load %arg6[%parallel_loop3A_595, %parallel_loop3A_596, %parallel_loop3A_597] {strides = array<i32>} : memref<5x16x1024xf32, #tpu.memory_space<vmem>>, vector<1x1x16xf32>,
        %parallel_loop3A_599 = vector.shape_cast %parallel_loop3A_598 : vector<1x1x16xf32> to vector<16xf32>
        %parallel_loop3A_600 = vector.shape_cast %parallel_loop3A_594 : vector<16xf32> to vector<1x1x16xf32>
        tpu.vector_store %arg6[%parallel_loop3A_595, %parallel_loop3A_596, %parallel_loop3A_597], %parallel_loop3A_600 {add = true, strides = array<i32>} : memref<5x16x1024xf32, #tpu.memory_space<vmem>>, vector<1x1x16xf32>,
        %parallel_loop3A_601 = arith.index_cast %rem3A_295 : i32 to index
        %parallel_loop3A_602 = arith.index_cast %parallel_loop3A_358 : i32 to index
        %parallel_loop3A_603 = arith.constant 352 : index
        %parallel_loop3A_604 = tpu.vector_load %arg5[%parallel_loop3A_601, %parallel_loop3A_602, %parallel_loop3A_603] {strides = array<i32>} : memref<2x16x1024xf32, #tpu.memory_space<vmem>>, vector<1x1x16xf32>,
        %parallel_loop3A_605 = vector.shape_cast %parallel_loop3A_604 : vector<1x1x16xf32> to vector<16xf32>
        %parallel_loop3A_606 = arith.index_cast %rem3A_293 : i32 to index
        %parallel_loop3A_607 = arith.index_cast %parallel_loop3A_358 : i32 to index
        %parallel_loop3A_608 = arith.constant 352 : index
        %parallel_loop3A_609 = tpu.vector_load %arg6[%parallel_loop3A_606, %parallel_loop3A_607, %parallel_loop3A_608] {strides = array<i32>} : memref<5x16x1024xf32, #tpu.memory_space<vmem>>, vector<1x1x16xf32>,
        %parallel_loop3A_610 = vector.shape_cast %parallel_loop3A_609 : vector<1x1x16xf32> to vector<16xf32>
        %parallel_loop3A_611 = vector.shape_cast %parallel_loop3A_605 : vector<16xf32> to vector<1x1x16xf32>
        tpu.vector_store %arg6[%parallel_loop3A_606, %parallel_loop3A_607, %parallel_loop3A_608], %parallel_loop3A_611 {add = true, strides = array<i32>} : memref<5x16x1024xf32, #tpu.memory_space<vmem>>, vector<1x1x16xf32>,
        %parallel_loop3A_612 = arith.index_cast %rem3A_295 : i32 to index
        %parallel_loop3A_613 = arith.index_cast %parallel_loop3A_358 : i32 to index
        %parallel_loop3A_614 = arith.constant 368 : index
        %parallel_loop3A_615 = tpu.vector_load %arg5[%parallel_loop3A_612, %parallel_loop3A_613, %parallel_loop3A_614] {strides = array<i32>} : memref<2x16x1024xf32, #tpu.memory_space<vmem>>, vector<1x1x16xf32>,
        %parallel_loop3A_616 = vector.shape_cast %parallel_loop3A_615 : vector<1x1x16xf32> to vector<16xf32>
        %parallel_loop3A_617 = arith.index_cast %rem3A_293 : i32 to index
        %parallel_loop3A_618 = arith.index_cast %parallel_loop3A_358 : i32 to index
        %parallel_loop3A_619 = arith.constant 368 : index
        %parallel_loop3A_620 = tpu.vector_load %arg6[%parallel_loop3A_617, %parallel_loop3A_618, %parallel_loop3A_619] {strides = array<i32>} : memref<5x16x1024xf32, #tpu.memory_space<vmem>>, vector<1x1x16xf32>,
        %parallel_loop3A_621 = vector.shape_cast %parallel_loop3A_620 : vector<1x1x16xf32> to vector<16xf32>
        %parallel_loop3A_622 = vector.shape_cast %parallel_loop3A_616 : vector<16xf32> to vector<1x1x16xf32>
        tpu.vector_store %arg6[%parallel_loop3A_617, %parallel_loop3A_618, %parallel_loop3A_619], %parallel_loop3A_622 {add = true, strides = array<i32>} : memref<5x16x1024xf32, #tpu.memory_space<vmem>>, vector<1x1x16xf32>,
        %parallel_loop3A_623 = arith.index_cast %rem3A_295 : i32 to index
        %parallel_loop3A_624 = arith.index_cast %parallel_loop3A_358 : i32 to index
        %parallel_loop3A_625 = arith.constant 384 : index
        %parallel_loop3A_626 = tpu.vector_load %arg5[%parallel_loop3A_623, %parallel_loop3A_624, %parallel_loop3A_625] {strides = array<i32>} : memref<2x16x1024xf32, #tpu.memory_space<vmem>>, vector<1x1x16xf32>,
        %parallel_loop3A_627 = vector.shape_cast %parallel_loop3A_626 : vector<1x1x16xf32> to vector<16xf32>
        %parallel_loop3A_628 = arith.index_cast %rem3A_293 : i32 to index
        %parallel_loop3A_629 = arith.index_cast %parallel_loop3A_358 : i32 to index
        %parallel_loop3A_630 = arith.constant 384 : index
        %parallel_loop3A_631 = tpu.vector_load %arg6[%parallel_loop3A_628, %parallel_loop3A_629, %parallel_loop3A_630] {strides = array<i32>} : memref<5x16x1024xf32, #tpu.memory_space<vmem>>, vector<1x1x16xf32>,
        %parallel_loop3A_632 = vector.shape_cast %parallel_loop3A_631 : vector<1x1x16xf32> to vector<16xf32>
        %parallel_loop3A_633 = vector.shape_cast %parallel_loop3A_627 : vector<16xf32> to vector<1x1x16xf32>
        tpu.vector_store %arg6[%parallel_loop3A_628, %parallel_loop3A_629, %parallel_loop3A_630], %parallel_loop3A_633 {add = true, strides = array<i32>} : memref<5x16x1024xf32, #tpu.memory_space<vmem>>, vector<1x1x16xf32>,
        %parallel_loop3A_634 = arith.index_cast %rem3A_295 : i32 to index
        %parallel_loop3A_635 = arith.index_cast %parallel_loop3A_358 : i32 to index
        %parallel_loop3A_636 = arith.constant 400 : index
        %parallel_loop3A_637 = tpu.vector_load %arg5[%parallel_loop3A_634, %parallel_loop3A_635, %parallel_loop3A_636] {strides = array<i32>} : memref<2x16x1024xf32, #tpu.memory_space<vmem>>, vector<1x1x16xf32>,
        %parallel_loop3A_638 = vector.shape_cast %parallel_loop3A_637 : vector<1x1x16xf32> to vector<16xf32>
        %parallel_loop3A_639 = arith.index_cast %rem3A_293 : i32 to index
        %parallel_loop3A_640 = arith.index_cast %parallel_loop3A_358 : i32 to index
        %parallel_loop3A_641 = arith.constant 400 : index
        %parallel_loop3A_642 = tpu.vector_load %arg6[%parallel_loop3A_639, %parallel_loop3A_640, %parallel_loop3A_641] {strides = array<i32>} : memref<5x16x1024xf32, #tpu.memory_space<vmem>>, vector<1x1x16xf32>,
        %parallel_loop3A_643 = vector.shape_cast %parallel_loop3A_642 : vector<1x1x16xf32> to vector<16xf32>
        %parallel_loop3A_644 = vector.shape_cast %parallel_loop3A_638 : vector<16xf32> to vector<1x1x16xf32>
        tpu.vector_store %arg6[%parallel_loop3A_639, %parallel_loop3A_640, %parallel_loop3A_641], %parallel_loop3A_644 {add = true, strides = array<i32>} : memref<5x16x1024xf32, #tpu.memory_space<vmem>>, vector<1x1x16xf32>,
        %parallel_loop3A_645 = arith.index_cast %rem3A_295 : i32 to index
        %parallel_loop3A_646 = arith.index_cast %parallel_loop3A_358 : i32 to index
        %parallel_loop3A_647 = arith.constant 416 : index
        %parallel_loop3A_648 = tpu.vector_load %arg5[%parallel_loop3A_645, %parallel_loop3A_646, %parallel_loop3A_647] {strides = array<i32>} : memref<2x16x1024xf32, #tpu.memory_space<vmem>>, vector<1x1x16xf32>,
        %parallel_loop3A_649 = vector.shape_cast %parallel_loop3A_648 : vector<1x1x16xf32> to vector<16xf32>
        %parallel_loop3A_650 = arith.index_cast %rem3A_293 : i32 to index
        %parallel_loop3A_651 = arith.index_cast %parallel_loop3A_358 : i32 to index
        %parallel_loop3A_652 = arith.constant 416 : index
        %parallel_loop3A_653 = tpu.vector_load %arg6[%parallel_loop3A_650, %parallel_loop3A_651, %parallel_loop3A_652] {strides = array<i32>} : memref<5x16x1024xf32, #tpu.memory_space<vmem>>, vector<1x1x16xf32>,
        %parallel_loop3A_654 = vector.shape_cast %parallel_loop3A_653 : vector<1x1x16xf32> to vector<16xf32>
        %parallel_loop3A_655 = vector.shape_cast %parallel_loop3A_649 : vector<16xf32> to vector<1x1x16xf32>
        tpu.vector_store %arg6[%parallel_loop3A_650, %parallel_loop3A_651, %parallel_loop3A_652], %parallel_loop3A_655 {add = true, strides = array<i32>} : memref<5x16x1024xf32, #tpu.memory_space<vmem>>, vector<1x1x16xf32>,
        %parallel_loop3A_656 = arith.index_cast %rem3A_295 : i32 to index
        %parallel_loop3A_657 = arith.index_cast %parallel_loop3A_358 : i32 to index
        %parallel_loop3A_658 = arith.constant 432 : index
        %parallel_loop3A_659 = tpu.vector_load %arg5[%parallel_loop3A_656, %parallel_loop3A_657, %parallel_loop3A_658] {strides = array<i32>} : memref<2x16x1024xf32, #tpu.memory_space<vmem>>, vector<1x1x16xf32>,
        %parallel_loop3A_660 = vector.shape_cast %parallel_loop3A_659 : vector<1x1x16xf32> to vector<16xf32>
        %parallel_loop3A_661 = arith.index_cast %rem3A_293 : i32 to index
        %parallel_loop3A_662 = arith.index_cast %parallel_loop3A_358 : i32 to index
        %parallel_loop3A_663 = arith.constant 432 : index
        %parallel_loop3A_664 = tpu.vector_load %arg6[%parallel_loop3A_661, %parallel_loop3A_662, %parallel_loop3A_663] {strides = array<i32>} : memref<5x16x1024xf32, #tpu.memory_space<vmem>>, vector<1x1x16xf32>,
        %parallel_loop3A_665 = vector.shape_cast %parallel_loop3A_664 : vector<1x1x16xf32> to vector<16xf32>
        %parallel_loop3A_666 = vector.shape_cast %parallel_loop3A_660 : vector<16xf32> to vector<1x1x16xf32>
        tpu.vector_store %arg6[%parallel_loop3A_661, %parallel_loop3A_662, %parallel_loop3A_663], %parallel_loop3A_666 {add = true, strides = array<i32>} : memref<5x16x1024xf32, #tpu.memory_space<vmem>>, vector<1x1x16xf32>,
        %parallel_loop3A_667 = arith.index_cast %rem3A_295 : i32 to index
        %parallel_loop3A_668 = arith.index_cast %parallel_loop3A_358 : i32 to index
        %parallel_loop3A_669 = arith.constant 448 : index
        %parallel_loop3A_670 = tpu.vector_load %arg5[%parallel_loop3A_667, %parallel_loop3A_668, %parallel_loop3A_669] {strides = array<i32>} : memref<2x16x1024xf32, #tpu.memory_space<vmem>>, vector<1x1x16xf32>,
        %parallel_loop3A_671 = vector.shape_cast %parallel_loop3A_670 : vector<1x1x16xf32> to vector<16xf32>
        %parallel_loop3A_672 = arith.index_cast %rem3A_293 : i32 to index
        %parallel_loop3A_673 = arith.index_cast %parallel_loop3A_358 : i32 to index
        %parallel_loop3A_674 = arith.constant 448 : index
        %parallel_loop3A_675 = tpu.vector_load %arg6[%parallel_loop3A_672, %parallel_loop3A_673, %parallel_loop3A_674] {strides = array<i32>} : memref<5x16x1024xf32, #tpu.memory_space<vmem>>, vector<1x1x16xf32>,
        %parallel_loop3A_676 = vector.shape_cast %parallel_loop3A_675 : vector<1x1x16xf32> to vector<16xf32>
        %parallel_loop3A_677 = vector.shape_cast %parallel_loop3A_671 : vector<16xf32> to vector<1x1x16xf32>
        tpu.vector_store %arg6[%parallel_loop3A_672, %parallel_loop3A_673, %parallel_loop3A_674], %parallel_loop3A_677 {add = true, strides = array<i32>} : memref<5x16x1024xf32, #tpu.memory_space<vmem>>, vector<1x1x16xf32>,
        %parallel_loop3A_678 = arith.index_cast %rem3A_295 : i32 to index
        %parallel_loop3A_679 = arith.index_cast %parallel_loop3A_358 : i32 to index
        %parallel_loop3A_680 = arith.constant 464 : index
        %parallel_loop3A_681 = tpu.vector_load %arg5[%parallel_loop3A_678, %parallel_loop3A_679, %parallel_loop3A_680] {strides = array<i32>} : memref<2x16x1024xf32, #tpu.memory_space<vmem>>, vector<1x1x16xf32>,
        %parallel_loop3A_682 = vector.shape_cast %parallel_loop3A_681 : vector<1x1x16xf32> to vector<16xf32>
        %parallel_loop3A_683 = arith.index_cast %rem3A_293 : i32 to index
        %parallel_loop3A_684 = arith.index_cast %parallel_loop3A_358 : i32 to index
        %parallel_loop3A_685 = arith.constant 464 : index
        %parallel_loop3A_686 = tpu.vector_load %arg6[%parallel_loop3A_683, %parallel_loop3A_684, %parallel_loop3A_685] {strides = array<i32>} : memref<5x16x1024xf32, #tpu.memory_space<vmem>>, vector<1x1x16xf32>,
        %parallel_loop3A_687 = vector.shape_cast %parallel_loop3A_686 : vector<1x1x16xf32> to vector<16xf32>
        %parallel_loop3A_688 = vector.shape_cast %parallel_loop3A_682 : vector<16xf32> to vector<1x1x16xf32>
        tpu.vector_store %arg6[%parallel_loop3A_683, %parallel_loop3A_684, %parallel_loop3A_685], %parallel_loop3A_688 {add = true, strides = array<i32>} : memref<5x16x1024xf32, #tpu.memory_space<vmem>>, vector<1x1x16xf32>,
        %parallel_loop3A_689 = arith.index_cast %rem3A_295 : i32 to index
        %parallel_loop3A_690 = arith.index_cast %parallel_loop3A_358 : i32 to index
        %parallel_loop3A_691 = arith.constant 480 : index
        %parallel_loop3A_692 = tpu.vector_load %arg5[%parallel_loop3A_689, %parallel_loop3A_690, %parallel_loop3A_691] {strides = array<i32>} : memref<2x16x1024xf32, #tpu.memory_space<vmem>>, vector<1x1x16xf32>,
        %parallel_loop3A_693 = vector.shape_cast %parallel_loop3A_692 : vector<1x1x16xf32> to vector<16xf32>
        %parallel_loop3A_694 = arith.index_cast %rem3A_293 : i32 to index
        %parallel_loop3A_695 = arith.index_cast %parallel_loop3A_358 : i32 to index
        %parallel_loop3A_696 = arith.constant 480 : index
        %parallel_loop3A_697 = tpu.vector_load %arg6[%parallel_loop3A_694, %parallel_loop3A_695, %parallel_loop3A_696] {strides = array<i32>} : memref<5x16x1024xf32, #tpu.memory_space<vmem>>, vector<1x1x16xf32>,
        %parallel_loop3A_698 = vector.shape_cast %parallel_loop3A_697 : vector<1x1x16xf32> to vector<16xf32>
        %parallel_loop3A_699 = vector.shape_cast %parallel_loop3A_693 : vector<16xf32> to vector<1x1x16xf32>
        tpu.vector_store %arg6[%parallel_loop3A_694, %parallel_loop3A_695, %parallel_loop3A_696], %parallel_loop3A_699 {add = true, strides = array<i32>} : memref<5x16x1024xf32, #tpu.memory_space<vmem>>, vector<1x1x16xf32>,
        %parallel_loop3A_700 = arith.index_cast %rem3A_295 : i32 to index
        %parallel_loop3A_701 = arith.index_cast %parallel_loop3A_358 : i32 to index
        %parallel_loop3A_702 = arith.constant 496 : index
        %parallel_loop3A_703 = tpu.vector_load %arg5[%parallel_loop3A_700, %parallel_loop3A_701, %parallel_loop3A_702] {strides = array<i32>} : memref<2x16x1024xf32, #tpu.memory_space<vmem>>, vector<1x1x16xf32>,
        %parallel_loop3A_704 = vector.shape_cast %parallel_loop3A_703 : vector<1x1x16xf32> to vector<16xf32>
        %parallel_loop3A_705 = arith.index_cast %rem3A_293 : i32 to index
        %parallel_loop3A_706 = arith.index_cast %parallel_loop3A_358 : i32 to index
        %parallel_loop3A_707 = arith.constant 496 : index
        %parallel_loop3A_708 = tpu.vector_load %arg6[%parallel_loop3A_705, %parallel_loop3A_706, %parallel_loop3A_707] {strides = array<i32>} : memref<5x16x1024xf32, #tpu.memory_space<vmem>>, vector<1x1x16xf32>,
        %parallel_loop3A_709 = vector.shape_cast %parallel_loop3A_708 : vector<1x1x16xf32> to vector<16xf32>
        %parallel_loop3A_710 = vector.shape_cast %parallel_loop3A_704 : vector<16xf32> to vector<1x1x16xf32>
        tpu.vector_store %arg6[%parallel_loop3A_705, %parallel_loop3A_706, %parallel_loop3A_707], %parallel_loop3A_710 {add = true, strides = array<i32>} : memref<5x16x1024xf32, #tpu.memory_space<vmem>>, vector<1x1x16xf32>,
        %parallel_loop3A_711 = arith.index_cast %rem3A_295 : i32 to index
        %parallel_loop3A_712 = arith.index_cast %parallel_loop3A_358 : i32 to index
        %parallel_loop3A_713 = arith.constant 512 : index
        %parallel_loop3A_714 = tpu.vector_load %arg5[%parallel_loop3A_711, %parallel_loop3A_712, %parallel_loop3A_713] {strides = array<i32>} : memref<2x16x1024xf32, #tpu.memory_space<vmem>>, vector<1x1x16xf32>,
        %parallel_loop3A_715 = vector.shape_cast %parallel_loop3A_714 : vector<1x1x16xf32> to vector<16xf32>
        %parallel_loop3A_716 = arith.index_cast %rem3A_293 : i32 to index
        %parallel_loop3A_717 = arith.index_cast %parallel_loop3A_358 : i32 to index
        %parallel_loop3A_718 = arith.constant 512 : index
        %parallel_loop3A_719 = tpu.vector_load %arg6[%parallel_loop3A_716, %parallel_loop3A_717, %parallel_loop3A_718] {strides = array<i32>} : memref<5x16x1024xf32, #tpu.memory_space<vmem>>, vector<1x1x16xf32>,
        %parallel_loop3A_720 = vector.shape_cast %parallel_loop3A_719 : vector<1x1x16xf32> to vector<16xf32>
        %parallel_loop3A_721 = vector.shape_cast %parallel_loop3A_715 : vector<16xf32> to vector<1x1x16xf32>
        tpu.vector_store %arg6[%parallel_loop3A_716, %parallel_loop3A_717, %parallel_loop3A_718], %parallel_loop3A_721 {add = true, strides = array<i32>} : memref<5x16x1024xf32, #tpu.memory_space<vmem>>, vector<1x1x16xf32>,
        %parallel_loop3A_722 = arith.index_cast %rem3A_295 : i32 to index
        %parallel_loop3A_723 = arith.index_cast %parallel_loop3A_358 : i32 to index
        %parallel_loop3A_724 = arith.constant 528 : index
        %parallel_loop3A_725 = tpu.vector_load %arg5[%parallel_loop3A_722, %parallel_loop3A_723, %parallel_loop3A_724] {strides = array<i32>} : memref<2x16x1024xf32, #tpu.memory_space<vmem>>, vector<1x1x16xf32>,
        %parallel_loop3A_726 = vector.shape_cast %parallel_loop3A_725 : vector<1x1x16xf32> to vector<16xf32>
        %parallel_loop3A_727 = arith.index_cast %rem3A_293 : i32 to index
        %parallel_loop3A_728 = arith.index_cast %parallel_loop3A_358 : i32 to index
        %parallel_loop3A_729 = arith.constant 528 : index
        %parallel_loop3A_730 = tpu.vector_load %arg6[%parallel_loop3A_727, %parallel_loop3A_728, %parallel_loop3A_729] {strides = array<i32>} : memref<5x16x1024xf32, #tpu.memory_space<vmem>>, vector<1x1x16xf32>,
        %parallel_loop3A_731 = vector.shape_cast %parallel_loop3A_730 : vector<1x1x16xf32> to vector<16xf32>
        %parallel_loop3A_732 = vector.shape_cast %parallel_loop3A_726 : vector<16xf32> to vector<1x1x16xf32>
        tpu.vector_store %arg6[%parallel_loop3A_727, %parallel_loop3A_728, %parallel_loop3A_729], %parallel_loop3A_732 {add = true, strides = array<i32>} : memref<5x16x1024xf32, #tpu.memory_space<vmem>>, vector<1x1x16xf32>,
        %parallel_loop3A_733 = arith.index_cast %rem3A_295 : i32 to index
        %parallel_loop3A_734 = arith.index_cast %parallel_loop3A_358 : i32 to index
        %parallel_loop3A_735 = arith.constant 544 : index
        %parallel_loop3A_736 = tpu.vector_load %arg5[%parallel_loop3A_733, %parallel_loop3A_734, %parallel_loop3A_735] {strides = array<i32>} : memref<2x16x1024xf32, #tpu.memory_space<vmem>>, vector<1x1x16xf32>,
        %parallel_loop3A_737 = vector.shape_cast %parallel_loop3A_736 : vector<1x1x16xf32> to vector<16xf32>
        %parallel_loop3A_738 = arith.index_cast %rem3A_293 : i32 to index
        %parallel_loop3A_739 = arith.index_cast %parallel_loop3A_358 : i32 to index
        %parallel_loop3A_740 = arith.constant 544 : index
        %parallel_loop3A_741 = tpu.vector_load %arg6[%parallel_loop3A_738, %parallel_loop3A_739, %parallel_loop3A_740] {strides = array<i32>} : memref<5x16x1024xf32, #tpu.memory_space<vmem>>, vector<1x1x16xf32>,
        %parallel_loop3A_742 = vector.shape_cast %parallel_loop3A_741 : vector<1x1x16xf32> to vector<16xf32>
        %parallel_loop3A_743 = vector.shape_cast %parallel_loop3A_737 : vector<16xf32> to vector<1x1x16xf32>
        tpu.vector_store %arg6[%parallel_loop3A_738, %parallel_loop3A_739, %parallel_loop3A_740], %parallel_loop3A_743 {add = true, strides = array<i32>} : memref<5x16x1024xf32, #tpu.memory_space<vmem>>, vector<1x1x16xf32>,
        %parallel_loop3A_744 = arith.index_cast %rem3A_295 : i32 to index
        %parallel_loop3A_745 = arith.index_cast %parallel_loop3A_358 : i32 to index
        %parallel_loop3A_746 = arith.constant 560 : index
        %parallel_loop3A_747 = tpu.vector_load %arg5[%parallel_loop3A_744, %parallel_loop3A_745, %parallel_loop3A_746] {strides = array<i32>} : memref<2x16x1024xf32, #tpu.memory_space<vmem>>, vector<1x1x16xf32>,
        %parallel_loop3A_748 = vector.shape_cast %parallel_loop3A_747 : vector<1x1x16xf32> to vector<16xf32>
        %parallel_loop3A_749 = arith.index_cast %rem3A_293 : i32 to index
        %parallel_loop3A_750 = arith.index_cast %parallel_loop3A_358 : i32 to index
        %parallel_loop3A_751 = arith.constant 560 : index
        %parallel_loop3A_752 = tpu.vector_load %arg6[%parallel_loop3A_749, %parallel_loop3A_750, %parallel_loop3A_751] {strides = array<i32>} : memref<5x16x1024xf32, #tpu.memory_space<vmem>>, vector<1x1x16xf32>,
        %parallel_loop3A_753 = vector.shape_cast %parallel_loop3A_752 : vector<1x1x16xf32> to vector<16xf32>
        %parallel_loop3A_754 = vector.shape_cast %parallel_loop3A_748 : vector<16xf32> to vector<1x1x16xf32>
        tpu.vector_store %arg6[%parallel_loop3A_749, %parallel_loop3A_750, %parallel_loop3A_751], %parallel_loop3A_754 {add = true, strides = array<i32>} : memref<5x16x1024xf32, #tpu.memory_space<vmem>>, vector<1x1x16xf32>,
        %parallel_loop3A_755 = arith.index_cast %rem3A_295 : i32 to index
        %parallel_loop3A_756 = arith.index_cast %parallel_loop3A_358 : i32 to index
        %parallel_loop3A_757 = arith.constant 576 : index
        %parallel_loop3A_758 = tpu.vector_load %arg5[%parallel_loop3A_755, %parallel_loop3A_756, %parallel_loop3A_757] {strides = array<i32>} : memref<2x16x1024xf32, #tpu.memory_space<vmem>>, vector<1x1x16xf32>,
        %parallel_loop3A_759 = vector.shape_cast %parallel_loop3A_758 : vector<1x1x16xf32> to vector<16xf32>
        %parallel_loop3A_760 = arith.index_cast %rem3A_293 : i32 to index
        %parallel_loop3A_761 = arith.index_cast %parallel_loop3A_358 : i32 to index
        %parallel_loop3A_762 = arith.constant 576 : index
        %parallel_loop3A_763 = tpu.vector_load %arg6[%parallel_loop3A_760, %parallel_loop3A_761, %parallel_loop3A_762] {strides = array<i32>} : memref<5x16x1024xf32, #tpu.memory_space<vmem>>, vector<1x1x16xf32>,
        %parallel_loop3A_764 = vector.shape_cast %parallel_loop3A_763 : vector<1x1x16xf32> to vector<16xf32>
        %parallel_loop3A_765 = vector.shape_cast %parallel_loop3A_759 : vector<16xf32> to vector<1x1x16xf32>
        tpu.vector_store %arg6[%parallel_loop3A_760, %parallel_loop3A_761, %parallel_loop3A_762], %parallel_loop3A_765 {add = true, strides = array<i32>} : memref<5x16x1024xf32, #tpu.memory_space<vmem>>, vector<1x1x16xf32>,
        %parallel_loop3A_766 = arith.index_cast %rem3A_295 : i32 to index
        %parallel_loop3A_767 = arith.index_cast %parallel_loop3A_358 : i32 to index
        %parallel_loop3A_768 = arith.constant 592 : index
        %parallel_loop3A_769 = tpu.vector_load %arg5[%parallel_loop3A_766, %parallel_loop3A_767, %parallel_loop3A_768] {strides = array<i32>} : memref<2x16x1024xf32, #tpu.memory_space<vmem>>, vector<1x1x16xf32>,
        %parallel_loop3A_770 = vector.shape_cast %parallel_loop3A_769 : vector<1x1x16xf32> to vector<16xf32>
        %parallel_loop3A_771 = arith.index_cast %rem3A_293 : i32 to index
        %parallel_loop3A_772 = arith.index_cast %parallel_loop3A_358 : i32 to index
        %parallel_loop3A_773 = arith.constant 592 : index
        %parallel_loop3A_774 = tpu.vector_load %arg6[%parallel_loop3A_771, %parallel_loop3A_772, %parallel_loop3A_773] {strides = array<i32>} : memref<5x16x1024xf32, #tpu.memory_space<vmem>>, vector<1x1x16xf32>,
        %parallel_loop3A_775 = vector.shape_cast %parallel_loop3A_774 : vector<1x1x16xf32> to vector<16xf32>
        %parallel_loop3A_776 = vector.shape_cast %parallel_loop3A_770 : vector<16xf32> to vector<1x1x16xf32>
        tpu.vector_store %arg6[%parallel_loop3A_771, %parallel_loop3A_772, %parallel_loop3A_773], %parallel_loop3A_776 {add = true, strides = array<i32>} : memref<5x16x1024xf32, #tpu.memory_space<vmem>>, vector<1x1x16xf32>,
        %parallel_loop3A_777 = arith.index_cast %rem3A_295 : i32 to index
        %parallel_loop3A_778 = arith.index_cast %parallel_loop3A_358 : i32 to index
        %parallel_loop3A_779 = arith.constant 608 : index
        %parallel_loop3A_780 = tpu.vector_load %arg5[%parallel_loop3A_777, %parallel_loop3A_778, %parallel_loop3A_779] {strides = array<i32>} : memref<2x16x1024xf32, #tpu.memory_space<vmem>>, vector<1x1x16xf32>,
        %parallel_loop3A_781 = vector.shape_cast %parallel_loop3A_780 : vector<1x1x16xf32> to vector<16xf32>
        %parallel_loop3A_782 = arith.index_cast %rem3A_293 : i32 to index
        %parallel_loop3A_783 = arith.index_cast %parallel_loop3A_358 : i32 to index
        %parallel_loop3A_784 = arith.constant 608 : index
        %parallel_loop3A_785 = tpu.vector_load %arg6[%parallel_loop3A_782, %parallel_loop3A_783, %parallel_loop3A_784] {strides = array<i32>} : memref<5x16x1024xf32, #tpu.memory_space<vmem>>, vector<1x1x16xf32>,
        %parallel_loop3A_786 = vector.shape_cast %parallel_loop3A_785 : vector<1x1x16xf32> to vector<16xf32>
        %parallel_loop3A_787 = vector.shape_cast %parallel_loop3A_781 : vector<16xf32> to vector<1x1x16xf32>
        tpu.vector_store %arg6[%parallel_loop3A_782, %parallel_loop3A_783, %parallel_loop3A_784], %parallel_loop3A_787 {add = true, strides = array<i32>} : memref<5x16x1024xf32, #tpu.memory_space<vmem>>, vector<1x1x16xf32>,
        %parallel_loop3A_788 = arith.index_cast %rem3A_295 : i32 to index
        %parallel_loop3A_789 = arith.index_cast %parallel_loop3A_358 : i32 to index
        %parallel_loop3A_790 = arith.constant 624 : index
        %parallel_loop3A_791 = tpu.vector_load %arg5[%parallel_loop3A_788, %parallel_loop3A_789, %parallel_loop3A_790] {strides = array<i32>} : memref<2x16x1024xf32, #tpu.memory_space<vmem>>, vector<1x1x16xf32>,
        %parallel_loop3A_792 = vector.shape_cast %parallel_loop3A_791 : vector<1x1x16xf32> to vector<16xf32>
        %parallel_loop3A_793 = arith.index_cast %rem3A_293 : i32 to index
        %parallel_loop3A_794 = arith.index_cast %parallel_loop3A_358 : i32 to index
        %parallel_loop3A_795 = arith.constant 624 : index
        %parallel_loop3A_796 = tpu.vector_load %arg6[%parallel_loop3A_793, %parallel_loop3A_794, %parallel_loop3A_795] {strides = array<i32>} : memref<5x16x1024xf32, #tpu.memory_space<vmem>>, vector<1x1x16xf32>,
        %parallel_loop3A_797 = vector.shape_cast %parallel_loop3A_796 : vector<1x1x16xf32> to vector<16xf32>
        %parallel_loop3A_798 = vector.shape_cast %parallel_loop3A_792 : vector<16xf32> to vector<1x1x16xf32>
        tpu.vector_store %arg6[%parallel_loop3A_793, %parallel_loop3A_794, %parallel_loop3A_795], %parallel_loop3A_798 {add = true, strides = array<i32>} : memref<5x16x1024xf32, #tpu.memory_space<vmem>>, vector<1x1x16xf32>,
        %parallel_loop3A_799 = arith.index_cast %rem3A_295 : i32 to index
        %parallel_loop3A_800 = arith.index_cast %parallel_loop3A_358 : i32 to index
        %parallel_loop3A_801 = arith.constant 640 : index
        %parallel_loop3A_802 = tpu.vector_load %arg5[%parallel_loop3A_799, %parallel_loop3A_800, %parallel_loop3A_801] {strides = array<i32>} : memref<2x16x1024xf32, #tpu.memory_space<vmem>>, vector<1x1x16xf32>,
        %parallel_loop3A_803 = vector.shape_cast %parallel_loop3A_802 : vector<1x1x16xf32> to vector<16xf32>
        %parallel_loop3A_804 = arith.index_cast %rem3A_293 : i32 to index
        %parallel_loop3A_805 = arith.index_cast %parallel_loop3A_358 : i32 to index
        %parallel_loop3A_806 = arith.constant 640 : index
        %parallel_loop3A_807 = tpu.vector_load %arg6[%parallel_loop3A_804, %parallel_loop3A_805, %parallel_loop3A_806] {strides = array<i32>} : memref<5x16x1024xf32, #tpu.memory_space<vmem>>, vector<1x1x16xf32>,
        %parallel_loop3A_808 = vector.shape_cast %parallel_loop3A_807 : vector<1x1x16xf32> to vector<16xf32>
        %parallel_loop3A_809 = vector.shape_cast %parallel_loop3A_803 : vector<16xf32> to vector<1x1x16xf32>
        tpu.vector_store %arg6[%parallel_loop3A_804, %parallel_loop3A_805, %parallel_loop3A_806], %parallel_loop3A_809 {add = true, strides = array<i32>} : memref<5x16x1024xf32, #tpu.memory_space<vmem>>, vector<1x1x16xf32>,
        %parallel_loop3A_810 = arith.index_cast %rem3A_295 : i32 to index
        %parallel_loop3A_811 = arith.index_cast %parallel_loop3A_358 : i32 to index
        %parallel_loop3A_812 = arith.constant 656 : index
        %parallel_loop3A_813 = tpu.vector_load %arg5[%parallel_loop3A_810, %parallel_loop3A_811, %parallel_loop3A_812] {strides = array<i32>} : memref<2x16x1024xf32, #tpu.memory_space<vmem>>, vector<1x1x16xf32>,
        %parallel_loop3A_814 = vector.shape_cast %parallel_loop3A_813 : vector<1x1x16xf32> to vector<16xf32>
        %parallel_loop3A_815 = arith.index_cast %rem3A_293 : i32 to index
        %parallel_loop3A_816 = arith.index_cast %parallel_loop3A_358 : i32 to index
        %parallel_loop3A_817 = arith.constant 656 : index
        %parallel_loop3A_818 = tpu.vector_load %arg6[%parallel_loop3A_815, %parallel_loop3A_816, %parallel_loop3A_817] {strides = array<i32>} : memref<5x16x1024xf32, #tpu.memory_space<vmem>>, vector<1x1x16xf32>,
        %parallel_loop3A_819 = vector.shape_cast %parallel_loop3A_818 : vector<1x1x16xf32> to vector<16xf32>
        %parallel_loop3A_820 = vector.shape_cast %parallel_loop3A_814 : vector<16xf32> to vector<1x1x16xf32>
        tpu.vector_store %arg6[%parallel_loop3A_815, %parallel_loop3A_816, %parallel_loop3A_817], %parallel_loop3A_820 {add = true, strides = array<i32>} : memref<5x16x1024xf32, #tpu.memory_space<vmem>>, vector<1x1x16xf32>,
        %parallel_loop3A_821 = arith.index_cast %rem3A_295 : i32 to index
        %parallel_loop3A_822 = arith.index_cast %parallel_loop3A_358 : i32 to index
        %parallel_loop3A_823 = arith.constant 672 : index
        %parallel_loop3A_824 = tpu.vector_load %arg5[%parallel_loop3A_821, %parallel_loop3A_822, %parallel_loop3A_823] {strides = array<i32>} : memref<2x16x1024xf32, #tpu.memory_space<vmem>>, vector<1x1x16xf32>,
        %parallel_loop3A_825 = vector.shape_cast %parallel_loop3A_824 : vector<1x1x16xf32> to vector<16xf32>
        %parallel_loop3A_826 = arith.index_cast %rem3A_293 : i32 to index
        %parallel_loop3A_827 = arith.index_cast %parallel_loop3A_358 : i32 to index
        %parallel_loop3A_828 = arith.constant 672 : index
        %parallel_loop3A_829 = tpu.vector_load %arg6[%parallel_loop3A_826, %parallel_loop3A_827, %parallel_loop3A_828] {strides = array<i32>} : memref<5x16x1024xf32, #tpu.memory_space<vmem>>, vector<1x1x16xf32>,
        %parallel_loop3A_830 = vector.shape_cast %parallel_loop3A_829 : vector<1x1x16xf32> to vector<16xf32>
        %parallel_loop3A_831 = vector.shape_cast %parallel_loop3A_825 : vector<16xf32> to vector<1x1x16xf32>
        tpu.vector_store %arg6[%parallel_loop3A_826, %parallel_loop3A_827, %parallel_loop3A_828], %parallel_loop3A_831 {add = true, strides = array<i32>} : memref<5x16x1024xf32, #tpu.memory_space<vmem>>, vector<1x1x16xf32>,
        %parallel_loop3A_832 = arith.index_cast %rem3A_295 : i32 to index
        %parallel_loop3A_833 = arith.index_cast %parallel_loop3A_358 : i32 to index
        %parallel_loop3A_834 = arith.constant 688 : index
        %parallel_loop3A_835 = tpu.vector_load %arg5[%parallel_loop3A_832, %parallel_loop3A_833, %parallel_loop3A_834] {strides = array<i32>} : memref<2x16x1024xf32, #tpu.memory_space<vmem>>, vector<1x1x16xf32>,
        %parallel_loop3A_836 = vector.shape_cast %parallel_loop3A_835 : vector<1x1x16xf32> to vector<16xf32>
        %parallel_loop3A_837 = arith.index_cast %rem3A_293 : i32 to index
        %parallel_loop3A_838 = arith.index_cast %parallel_loop3A_358 : i32 to index
        %parallel_loop3A_839 = arith.constant 688 : index
        %parallel_loop3A_840 = tpu.vector_load %arg6[%parallel_loop3A_837, %parallel_loop3A_838, %parallel_loop3A_839] {strides = array<i32>} : memref<5x16x1024xf32, #tpu.memory_space<vmem>>, vector<1x1x16xf32>,
        %parallel_loop3A_841 = vector.shape_cast %parallel_loop3A_840 : vector<1x1x16xf32> to vector<16xf32>
        %parallel_loop3A_842 = vector.shape_cast %parallel_loop3A_836 : vector<16xf32> to vector<1x1x16xf32>
        tpu.vector_store %arg6[%parallel_loop3A_837, %parallel_loop3A_838, %parallel_loop3A_839], %parallel_loop3A_842 {add = true, strides = array<i32>} : memref<5x16x1024xf32, #tpu.memory_space<vmem>>, vector<1x1x16xf32>,
        %parallel_loop3A_843 = arith.index_cast %rem3A_295 : i32 to index
        %parallel_loop3A_844 = arith.index_cast %parallel_loop3A_358 : i32 to index
        %parallel_loop3A_845 = arith.constant 704 : index
        %parallel_loop3A_846 = tpu.vector_load %arg5[%parallel_loop3A_843, %parallel_loop3A_844, %parallel_loop3A_845] {strides = array<i32>} : memref<2x16x1024xf32, #tpu.memory_space<vmem>>, vector<1x1x16xf32>,
        %parallel_loop3A_847 = vector.shape_cast %parallel_loop3A_846 : vector<1x1x16xf32> to vector<16xf32>
        %parallel_loop3A_848 = arith.index_cast %rem3A_293 : i32 to index
        %parallel_loop3A_849 = arith.index_cast %parallel_loop3A_358 : i32 to index
        %parallel_loop3A_850 = arith.constant 704 : index
        %parallel_loop3A_851 = tpu.vector_load %arg6[%parallel_loop3A_848, %parallel_loop3A_849, %parallel_loop3A_850] {strides = array<i32>} : memref<5x16x1024xf32, #tpu.memory_space<vmem>>, vector<1x1x16xf32>,
        %parallel_loop3A_852 = vector.shape_cast %parallel_loop3A_851 : vector<1x1x16xf32> to vector<16xf32>
        %parallel_loop3A_853 = vector.shape_cast %parallel_loop3A_847 : vector<16xf32> to vector<1x1x16xf32>
        tpu.vector_store %arg6[%parallel_loop3A_848, %parallel_loop3A_849, %parallel_loop3A_850], %parallel_loop3A_853 {add = true, strides = array<i32>} : memref<5x16x1024xf32, #tpu.memory_space<vmem>>, vector<1x1x16xf32>,
        %parallel_loop3A_854 = arith.index_cast %rem3A_295 : i32 to index
        %parallel_loop3A_855 = arith.index_cast %parallel_loop3A_358 : i32 to index
        %parallel_loop3A_856 = arith.constant 720 : index
        %parallel_loop3A_857 = tpu.vector_load %arg5[%parallel_loop3A_854, %parallel_loop3A_855, %parallel_loop3A_856] {strides = array<i32>} : memref<2x16x1024xf32, #tpu.memory_space<vmem>>, vector<1x1x16xf32>,
        %parallel_loop3A_858 = vector.shape_cast %parallel_loop3A_857 : vector<1x1x16xf32> to vector<16xf32>
        %parallel_loop3A_859 = arith.index_cast %rem3A_293 : i32 to index
        %parallel_loop3A_860 = arith.index_cast %parallel_loop3A_358 : i32 to index
        %parallel_loop3A_861 = arith.constant 720 : index
        %parallel_loop3A_862 = tpu.vector_load %arg6[%parallel_loop3A_859, %parallel_loop3A_860, %parallel_loop3A_861] {strides = array<i32>} : memref<5x16x1024xf32, #tpu.memory_space<vmem>>, vector<1x1x16xf32>,
        %parallel_loop3A_863 = vector.shape_cast %parallel_loop3A_862 : vector<1x1x16xf32> to vector<16xf32>
        %parallel_loop3A_864 = vector.shape_cast %parallel_loop3A_858 : vector<16xf32> to vector<1x1x16xf32>
        tpu.vector_store %arg6[%parallel_loop3A_859, %parallel_loop3A_860, %parallel_loop3A_861], %parallel_loop3A_864 {add = true, strides = array<i32>} : memref<5x16x1024xf32, #tpu.memory_space<vmem>>, vector<1x1x16xf32>,
        %parallel_loop3A_865 = arith.index_cast %rem3A_295 : i32 to index
        %parallel_loop3A_866 = arith.index_cast %parallel_loop3A_358 : i32 to index
        %parallel_loop3A_867 = arith.constant 736 : index
        %parallel_loop3A_868 = tpu.vector_load %arg5[%parallel_loop3A_865, %parallel_loop3A_866, %parallel_loop3A_867] {strides = array<i32>} : memref<2x16x1024xf32, #tpu.memory_space<vmem>>, vector<1x1x16xf32>,
        %parallel_loop3A_869 = vector.shape_cast %parallel_loop3A_868 : vector<1x1x16xf32> to vector<16xf32>
        %parallel_loop3A_870 = arith.index_cast %rem3A_293 : i32 to index
        %parallel_loop3A_871 = arith.index_cast %parallel_loop3A_358 : i32 to index
        %parallel_loop3A_872 = arith.constant 736 : index
        %parallel_loop3A_873 = tpu.vector_load %arg6[%parallel_loop3A_870, %parallel_loop3A_871, %parallel_loop3A_872] {strides = array<i32>} : memref<5x16x1024xf32, #tpu.memory_space<vmem>>, vector<1x1x16xf32>,
        %parallel_loop3A_874 = vector.shape_cast %parallel_loop3A_873 : vector<1x1x16xf32> to vector<16xf32>
        %parallel_loop3A_875 = vector.shape_cast %parallel_loop3A_869 : vector<16xf32> to vector<1x1x16xf32>
        tpu.vector_store %arg6[%parallel_loop3A_870, %parallel_loop3A_871, %parallel_loop3A_872], %parallel_loop3A_875 {add = true, strides = array<i32>} : memref<5x16x1024xf32, #tpu.memory_space<vmem>>, vector<1x1x16xf32>,
        %parallel_loop3A_876 = arith.index_cast %rem3A_295 : i32 to index
        %parallel_loop3A_877 = arith.index_cast %parallel_loop3A_358 : i32 to index
        %parallel_loop3A_878 = arith.constant 752 : index
        %parallel_loop3A_879 = tpu.vector_load %arg5[%parallel_loop3A_876, %parallel_loop3A_877, %parallel_loop3A_878] {strides = array<i32>} : memref<2x16x1024xf32, #tpu.memory_space<vmem>>, vector<1x1x16xf32>,
        %parallel_loop3A_880 = vector.shape_cast %parallel_loop3A_879 : vector<1x1x16xf32> to vector<16xf32>
        %parallel_loop3A_881 = arith.index_cast %rem3A_293 : i32 to index
        %parallel_loop3A_882 = arith.index_cast %parallel_loop3A_358 : i32 to index
        %parallel_loop3A_883 = arith.constant 752 : index
        %parallel_loop3A_884 = tpu.vector_load %arg6[%parallel_loop3A_881, %parallel_loop3A_882, %parallel_loop3A_883] {strides = array<i32>} : memref<5x16x1024xf32, #tpu.memory_space<vmem>>, vector<1x1x16xf32>,
        %parallel_loop3A_885 = vector.shape_cast %parallel_loop3A_884 : vector<1x1x16xf32> to vector<16xf32>
        %parallel_loop3A_886 = vector.shape_cast %parallel_loop3A_880 : vector<16xf32> to vector<1x1x16xf32>
        tpu.vector_store %arg6[%parallel_loop3A_881, %parallel_loop3A_882, %parallel_loop3A_883], %parallel_loop3A_886 {add = true, strides = array<i32>} : memref<5x16x1024xf32, #tpu.memory_space<vmem>>, vector<1x1x16xf32>,
        %parallel_loop3A_887 = arith.index_cast %rem3A_295 : i32 to index
        %parallel_loop3A_888 = arith.index_cast %parallel_loop3A_358 : i32 to index
        %parallel_loop3A_889 = arith.constant 768 : index
        %parallel_loop3A_890 = tpu.vector_load %arg5[%parallel_loop3A_887, %parallel_loop3A_888, %parallel_loop3A_889] {strides = array<i32>} : memref<2x16x1024xf32, #tpu.memory_space<vmem>>, vector<1x1x16xf32>,
        %parallel_loop3A_891 = vector.shape_cast %parallel_loop3A_890 : vector<1x1x16xf32> to vector<16xf32>
        %parallel_loop3A_892 = arith.index_cast %rem3A_293 : i32 to index
        %parallel_loop3A_893 = arith.index_cast %parallel_loop3A_358 : i32 to index
        %parallel_loop3A_894 = arith.constant 768 : index
        %parallel_loop3A_895 = tpu.vector_load %arg6[%parallel_loop3A_892, %parallel_loop3A_893, %parallel_loop3A_894] {strides = array<i32>} : memref<5x16x1024xf32, #tpu.memory_space<vmem>>, vector<1x1x16xf32>,
        %parallel_loop3A_896 = vector.shape_cast %parallel_loop3A_895 : vector<1x1x16xf32> to vector<16xf32>
        %parallel_loop3A_897 = vector.shape_cast %parallel_loop3A_891 : vector<16xf32> to vector<1x1x16xf32>
        tpu.vector_store %arg6[%parallel_loop3A_892, %parallel_loop3A_893, %parallel_loop3A_894], %parallel_loop3A_897 {add = true, strides = array<i32>} : memref<5x16x1024xf32, #tpu.memory_space<vmem>>, vector<1x1x16xf32>,
        %parallel_loop3A_898 = arith.index_cast %rem3A_295 : i32 to index
        %parallel_loop3A_899 = arith.index_cast %parallel_loop3A_358 : i32 to index
        %parallel_loop3A_900 = arith.constant 784 : index
        %parallel_loop3A_901 = tpu.vector_load %arg5[%parallel_loop3A_898, %parallel_loop3A_899, %parallel_loop3A_900] {strides = array<i32>} : memref<2x16x1024xf32, #tpu.memory_space<vmem>>, vector<1x1x16xf32>,
        %parallel_loop3A_902 = vector.shape_cast %parallel_loop3A_901 : vector<1x1x16xf32> to vector<16xf32>
        %parallel_loop3A_903 = arith.index_cast %rem3A_293 : i32 to index
        %parallel_loop3A_904 = arith.index_cast %parallel_loop3A_358 : i32 to index
        %parallel_loop3A_905 = arith.constant 784 : index
        %parallel_loop3A_906 = tpu.vector_load %arg6[%parallel_loop3A_903, %parallel_loop3A_904, %parallel_loop3A_905] {strides = array<i32>} : memref<5x16x1024xf32, #tpu.memory_space<vmem>>, vector<1x1x16xf32>,
        %parallel_loop3A_907 = vector.shape_cast %parallel_loop3A_906 : vector<1x1x16xf32> to vector<16xf32>
        %parallel_loop3A_908 = vector.shape_cast %parallel_loop3A_902 : vector<16xf32> to vector<1x1x16xf32>
        tpu.vector_store %arg6[%parallel_loop3A_903, %parallel_loop3A_904, %parallel_loop3A_905], %parallel_loop3A_908 {add = true, strides = array<i32>} : memref<5x16x1024xf32, #tpu.memory_space<vmem>>, vector<1x1x16xf32>,
        %parallel_loop3A_909 = arith.index_cast %rem3A_295 : i32 to index
        %parallel_loop3A_910 = arith.index_cast %parallel_loop3A_358 : i32 to index
        %parallel_loop3A_911 = arith.constant 800 : index
        %parallel_loop3A_912 = tpu.vector_load %arg5[%parallel_loop3A_909, %parallel_loop3A_910, %parallel_loop3A_911] {strides = array<i32>} : memref<2x16x1024xf32, #tpu.memory_space<vmem>>, vector<1x1x16xf32>,
        %parallel_loop3A_913 = vector.shape_cast %parallel_loop3A_912 : vector<1x1x16xf32> to vector<16xf32>
        %parallel_loop3A_914 = arith.index_cast %rem3A_293 : i32 to index
        %parallel_loop3A_915 = arith.index_cast %parallel_loop3A_358 : i32 to index
        %parallel_loop3A_916 = arith.constant 800 : index
        %parallel_loop3A_917 = tpu.vector_load %arg6[%parallel_loop3A_914, %parallel_loop3A_915, %parallel_loop3A_916] {strides = array<i32>} : memref<5x16x1024xf32, #tpu.memory_space<vmem>>, vector<1x1x16xf32>,
        %parallel_loop3A_918 = vector.shape_cast %parallel_loop3A_917 : vector<1x1x16xf32> to vector<16xf32>
        %parallel_loop3A_919 = vector.shape_cast %parallel_loop3A_913 : vector<16xf32> to vector<1x1x16xf32>
        tpu.vector_store %arg6[%parallel_loop3A_914, %parallel_loop3A_915, %parallel_loop3A_916], %parallel_loop3A_919 {add = true, strides = array<i32>} : memref<5x16x1024xf32, #tpu.memory_space<vmem>>, vector<1x1x16xf32>,
        %parallel_loop3A_920 = arith.index_cast %rem3A_295 : i32 to index
        %parallel_loop3A_921 = arith.index_cast %parallel_loop3A_358 : i32 to index
        %parallel_loop3A_922 = arith.constant 816 : index
        %parallel_loop3A_923 = tpu.vector_load %arg5[%parallel_loop3A_920, %parallel_loop3A_921, %parallel_loop3A_922] {strides = array<i32>} : memref<2x16x1024xf32, #tpu.memory_space<vmem>>, vector<1x1x16xf32>,
        %parallel_loop3A_924 = vector.shape_cast %parallel_loop3A_923 : vector<1x1x16xf32> to vector<16xf32>
        %parallel_loop3A_925 = arith.index_cast %rem3A_293 : i32 to index
        %parallel_loop3A_926 = arith.index_cast %parallel_loop3A_358 : i32 to index
        %parallel_loop3A_927 = arith.constant 816 : index
        %parallel_loop3A_928 = tpu.vector_load %arg6[%parallel_loop3A_925, %parallel_loop3A_926, %parallel_loop3A_927] {strides = array<i32>} : memref<5x16x1024xf32, #tpu.memory_space<vmem>>, vector<1x1x16xf32>,
        %parallel_loop3A_929 = vector.shape_cast %parallel_loop3A_928 : vector<1x1x16xf32> to vector<16xf32>
        %parallel_loop3A_930 = vector.shape_cast %parallel_loop3A_924 : vector<16xf32> to vector<1x1x16xf32>
        tpu.vector_store %arg6[%parallel_loop3A_925, %parallel_loop3A_926, %parallel_loop3A_927], %parallel_loop3A_930 {add = true, strides = array<i32>} : memref<5x16x1024xf32, #tpu.memory_space<vmem>>, vector<1x1x16xf32>,
        %parallel_loop3A_931 = arith.index_cast %rem3A_295 : i32 to index
        %parallel_loop3A_932 = arith.index_cast %parallel_loop3A_358 : i32 to index
        %parallel_loop3A_933 = arith.constant 832 : index
        %parallel_loop3A_934 = tpu.vector_load %arg5[%parallel_loop3A_931, %parallel_loop3A_932, %parallel_loop3A_933] {strides = array<i32>} : memref<2x16x1024xf32, #tpu.memory_space<vmem>>, vector<1x1x16xf32>,
        %parallel_loop3A_935 = vector.shape_cast %parallel_loop3A_934 : vector<1x1x16xf32> to vector<16xf32>
        %parallel_loop3A_936 = arith.index_cast %rem3A_293 : i32 to index
        %parallel_loop3A_937 = arith.index_cast %parallel_loop3A_358 : i32 to index
        %parallel_loop3A_938 = arith.constant 832 : index
        %parallel_loop3A_939 = tpu.vector_load %arg6[%parallel_loop3A_936, %parallel_loop3A_937, %parallel_loop3A_938] {strides = array<i32>} : memref<5x16x1024xf32, #tpu.memory_space<vmem>>, vector<1x1x16xf32>,
        %parallel_loop3A_940 = vector.shape_cast %parallel_loop3A_939 : vector<1x1x16xf32> to vector<16xf32>
        %parallel_loop3A_941 = vector.shape_cast %parallel_loop3A_935 : vector<16xf32> to vector<1x1x16xf32>
        tpu.vector_store %arg6[%parallel_loop3A_936, %parallel_loop3A_937, %parallel_loop3A_938], %parallel_loop3A_941 {add = true, strides = array<i32>} : memref<5x16x1024xf32, #tpu.memory_space<vmem>>, vector<1x1x16xf32>,
        %parallel_loop3A_942 = arith.index_cast %rem3A_295 : i32 to index
        %parallel_loop3A_943 = arith.index_cast %parallel_loop3A_358 : i32 to index
        %parallel_loop3A_944 = arith.constant 848 : index
        %parallel_loop3A_945 = tpu.vector_load %arg5[%parallel_loop3A_942, %parallel_loop3A_943, %parallel_loop3A_944] {strides = array<i32>} : memref<2x16x1024xf32, #tpu.memory_space<vmem>>, vector<1x1x16xf32>,
        %parallel_loop3A_946 = vector.shape_cast %parallel_loop3A_945 : vector<1x1x16xf32> to vector<16xf32>
        %parallel_loop3A_947 = arith.index_cast %rem3A_293 : i32 to index
        %parallel_loop3A_948 = arith.index_cast %parallel_loop3A_358 : i32 to index
        %parallel_loop3A_949 = arith.constant 848 : index
        %parallel_loop3A_950 = tpu.vector_load %arg6[%parallel_loop3A_947, %parallel_loop3A_948, %parallel_loop3A_949] {strides = array<i32>} : memref<5x16x1024xf32, #tpu.memory_space<vmem>>, vector<1x1x16xf32>,
        %parallel_loop3A_951 = vector.shape_cast %parallel_loop3A_950 : vector<1x1x16xf32> to vector<16xf32>
        %parallel_loop3A_952 = vector.shape_cast %parallel_loop3A_946 : vector<16xf32> to vector<1x1x16xf32>
        tpu.vector_store %arg6[%parallel_loop3A_947, %parallel_loop3A_948, %parallel_loop3A_949], %parallel_loop3A_952 {add = true, strides = array<i32>} : memref<5x16x1024xf32, #tpu.memory_space<vmem>>, vector<1x1x16xf32>,
        %parallel_loop3A_953 = arith.index_cast %rem3A_295 : i32 to index
        %parallel_loop3A_954 = arith.index_cast %parallel_loop3A_358 : i32 to index
        %parallel_loop3A_955 = arith.constant 864 : index
        %parallel_loop3A_956 = tpu.vector_load %arg5[%parallel_loop3A_953, %parallel_loop3A_954, %parallel_loop3A_955] {strides = array<i32>} : memref<2x16x1024xf32, #tpu.memory_space<vmem>>, vector<1x1x16xf32>,
        %parallel_loop3A_957 = vector.shape_cast %parallel_loop3A_956 : vector<1x1x16xf32> to vector<16xf32>
        %parallel_loop3A_958 = arith.index_cast %rem3A_293 : i32 to index
        %parallel_loop3A_959 = arith.index_cast %parallel_loop3A_358 : i32 to index
        %parallel_loop3A_960 = arith.constant 864 : index
        %parallel_loop3A_961 = tpu.vector_load %arg6[%parallel_loop3A_958, %parallel_loop3A_959, %parallel_loop3A_960] {strides = array<i32>} : memref<5x16x1024xf32, #tpu.memory_space<vmem>>, vector<1x1x16xf32>,
        %parallel_loop3A_962 = vector.shape_cast %parallel_loop3A_961 : vector<1x1x16xf32> to vector<16xf32>
        %parallel_loop3A_963 = vector.shape_cast %parallel_loop3A_957 : vector<16xf32> to vector<1x1x16xf32>
        tpu.vector_store %arg6[%parallel_loop3A_958, %parallel_loop3A_959, %parallel_loop3A_960], %parallel_loop3A_963 {add = true, strides = array<i32>} : memref<5x16x1024xf32, #tpu.memory_space<vmem>>, vector<1x1x16xf32>,
        %parallel_loop3A_964 = arith.index_cast %rem3A_295 : i32 to index
        %parallel_loop3A_965 = arith.index_cast %parallel_loop3A_358 : i32 to index
        %parallel_loop3A_966 = arith.constant 880 : index
        %parallel_loop3A_967 = tpu.vector_load %arg5[%parallel_loop3A_964, %parallel_loop3A_965, %parallel_loop3A_966] {strides = array<i32>} : memref<2x16x1024xf32, #tpu.memory_space<vmem>>, vector<1x1x16xf32>,
        %parallel_loop3A_968 = vector.shape_cast %parallel_loop3A_967 : vector<1x1x16xf32> to vector<16xf32>
        %parallel_loop3A_969 = arith.index_cast %rem3A_293 : i32 to index
        %parallel_loop3A_970 = arith.index_cast %parallel_loop3A_358 : i32 to index
        %parallel_loop3A_971 = arith.constant 880 : index
        %parallel_loop3A_972 = tpu.vector_load %arg6[%parallel_loop3A_969, %parallel_loop3A_970, %parallel_loop3A_971] {strides = array<i32>} : memref<5x16x1024xf32, #tpu.memory_space<vmem>>, vector<1x1x16xf32>,
        %parallel_loop3A_973 = vector.shape_cast %parallel_loop3A_972 : vector<1x1x16xf32> to vector<16xf32>
        %parallel_loop3A_974 = vector.shape_cast %parallel_loop3A_968 : vector<16xf32> to vector<1x1x16xf32>
        tpu.vector_store %arg6[%parallel_loop3A_969, %parallel_loop3A_970, %parallel_loop3A_971], %parallel_loop3A_974 {add = true, strides = array<i32>} : memref<5x16x1024xf32, #tpu.memory_space<vmem>>, vector<1x1x16xf32>,
        %parallel_loop3A_975 = arith.index_cast %rem3A_295 : i32 to index
        %parallel_loop3A_976 = arith.index_cast %parallel_loop3A_358 : i32 to index
        %parallel_loop3A_977 = arith.constant 896 : index
        %parallel_loop3A_978 = tpu.vector_load %arg5[%parallel_loop3A_975, %parallel_loop3A_976, %parallel_loop3A_977] {strides = array<i32>} : memref<2x16x1024xf32, #tpu.memory_space<vmem>>, vector<1x1x16xf32>,
        %parallel_loop3A_979 = vector.shape_cast %parallel_loop3A_978 : vector<1x1x16xf32> to vector<16xf32>
        %parallel_loop3A_980 = arith.index_cast %rem3A_293 : i32 to index
        %parallel_loop3A_981 = arith.index_cast %parallel_loop3A_358 : i32 to index
        %parallel_loop3A_982 = arith.constant 896 : index
        %parallel_loop3A_983 = tpu.vector_load %arg6[%parallel_loop3A_980, %parallel_loop3A_981, %parallel_loop3A_982] {strides = array<i32>} : memref<5x16x1024xf32, #tpu.memory_space<vmem>>, vector<1x1x16xf32>,
        %parallel_loop3A_984 = vector.shape_cast %parallel_loop3A_983 : vector<1x1x16xf32> to vector<16xf32>
        %parallel_loop3A_985 = vector.shape_cast %parallel_loop3A_979 : vector<16xf32> to vector<1x1x16xf32>
        tpu.vector_store %arg6[%parallel_loop3A_980, %parallel_loop3A_981, %parallel_loop3A_982], %parallel_loop3A_985 {add = true, strides = array<i32>} : memref<5x16x1024xf32, #tpu.memory_space<vmem>>, vector<1x1x16xf32>,
        %parallel_loop3A_986 = arith.index_cast %rem3A_295 : i32 to index
        %parallel_loop3A_987 = arith.index_cast %parallel_loop3A_358 : i32 to index
        %parallel_loop3A_988 = arith.constant 912 : index
        %parallel_loop3A_989 = tpu.vector_load %arg5[%parallel_loop3A_986, %parallel_loop3A_987, %parallel_loop3A_988] {strides = array<i32>} : memref<2x16x1024xf32, #tpu.memory_space<vmem>>, vector<1x1x16xf32>,
        %parallel_loop3A_990 = vector.shape_cast %parallel_loop3A_989 : vector<1x1x16xf32> to vector<16xf32>
        %parallel_loop3A_991 = arith.index_cast %rem3A_293 : i32 to index
        %parallel_loop3A_992 = arith.index_cast %parallel_loop3A_358 : i32 to index
        %parallel_loop3A_993 = arith.constant 912 : index
        %parallel_loop3A_994 = tpu.vector_load %arg6[%parallel_loop3A_991, %parallel_loop3A_992, %parallel_loop3A_993] {strides = array<i32>} : memref<5x16x1024xf32, #tpu.memory_space<vmem>>, vector<1x1x16xf32>,
        %parallel_loop3A_995 = vector.shape_cast %parallel_loop3A_994 : vector<1x1x16xf32> to vector<16xf32>
        %parallel_loop3A_996 = vector.shape_cast %parallel_loop3A_990 : vector<16xf32> to vector<1x1x16xf32>
        tpu.vector_store %arg6[%parallel_loop3A_991, %parallel_loop3A_992, %parallel_loop3A_993], %parallel_loop3A_996 {add = true, strides = array<i32>} : memref<5x16x1024xf32, #tpu.memory_space<vmem>>, vector<1x1x16xf32>,
        %parallel_loop3A_997 = arith.index_cast %rem3A_295 : i32 to index
        %parallel_loop3A_998 = arith.index_cast %parallel_loop3A_358 : i32 to index
        %parallel_loop3A_999 = arith.constant 928 : index
        %parallel_loop3A_1000 = tpu.vector_load %arg5[%parallel_loop3A_997, %parallel_loop3A_998, %parallel_loop3A_999] {strides = array<i32>} : memref<2x16x1024xf32, #tpu.memory_space<vmem>>, vector<1x1x16xf32>,
        %parallel_loop3A_1001 = vector.shape_cast %parallel_loop3A_1000 : vector<1x1x16xf32> to vector<16xf32>
        %parallel_loop3A_1002 = arith.index_cast %rem3A_293 : i32 to index
        %parallel_loop3A_1003 = arith.index_cast %parallel_loop3A_358 : i32 to index
        %parallel_loop3A_1004 = arith.constant 928 : index
        %parallel_loop3A_1005 = tpu.vector_load %arg6[%parallel_loop3A_1002, %parallel_loop3A_1003, %parallel_loop3A_1004] {strides = array<i32>} : memref<5x16x1024xf32, #tpu.memory_space<vmem>>, vector<1x1x16xf32>,
        %parallel_loop3A_1006 = vector.shape_cast %parallel_loop3A_1005 : vector<1x1x16xf32> to vector<16xf32>
        %parallel_loop3A_1007 = vector.shape_cast %parallel_loop3A_1001 : vector<16xf32> to vector<1x1x16xf32>
        tpu.vector_store %arg6[%parallel_loop3A_1002, %parallel_loop3A_1003, %parallel_loop3A_1004], %parallel_loop3A_1007 {add = true, strides = array<i32>} : memref<5x16x1024xf32, #tpu.memory_space<vmem>>, vector<1x1x16xf32>,
        %parallel_loop3A_1008 = arith.index_cast %rem3A_295 : i32 to index
        %parallel_loop3A_1009 = arith.index_cast %parallel_loop3A_358 : i32 to index
        %parallel_loop3A_1010 = arith.constant 944 : index
        %parallel_loop3A_1011 = tpu.vector_load %arg5[%parallel_loop3A_1008, %parallel_loop3A_1009, %parallel_loop3A_1010] {strides = array<i32>} : memref<2x16x1024xf32, #tpu.memory_space<vmem>>, vector<1x1x16xf32>,
        %parallel_loop3A_1012 = vector.shape_cast %parallel_loop3A_1011 : vector<1x1x16xf32> to vector<16xf32>
        %parallel_loop3A_1013 = arith.index_cast %rem3A_293 : i32 to index
        %parallel_loop3A_1014 = arith.index_cast %parallel_loop3A_358 : i32 to index
        %parallel_loop3A_1015 = arith.constant 944 : index
        %parallel_loop3A_1016 = tpu.vector_load %arg6[%parallel_loop3A_1013, %parallel_loop3A_1014, %parallel_loop3A_1015] {strides = array<i32>} : memref<5x16x1024xf32, #tpu.memory_space<vmem>>, vector<1x1x16xf32>,
        %parallel_loop3A_1017 = vector.shape_cast %parallel_loop3A_1016 : vector<1x1x16xf32> to vector<16xf32>
        %parallel_loop3A_1018 = vector.shape_cast %parallel_loop3A_1012 : vector<16xf32> to vector<1x1x16xf32>
        tpu.vector_store %arg6[%parallel_loop3A_1013, %parallel_loop3A_1014, %parallel_loop3A_1015], %parallel_loop3A_1018 {add = true, strides = array<i32>} : memref<5x16x1024xf32, #tpu.memory_space<vmem>>, vector<1x1x16xf32>,
        %parallel_loop3A_1019 = arith.index_cast %rem3A_295 : i32 to index
        %parallel_loop3A_1020 = arith.index_cast %parallel_loop3A_358 : i32 to index
        %parallel_loop3A_1021 = arith.constant 960 : index
        %parallel_loop3A_1022 = tpu.vector_load %arg5[%parallel_loop3A_1019, %parallel_loop3A_1020, %parallel_loop3A_1021] {strides = array<i32>} : memref<2x16x1024xf32, #tpu.memory_space<vmem>>, vector<1x1x16xf32>,
        %parallel_loop3A_1023 = vector.shape_cast %parallel_loop3A_1022 : vector<1x1x16xf32> to vector<16xf32>
        %parallel_loop3A_1024 = arith.index_cast %rem3A_293 : i32 to index
        %parallel_loop3A_1025 = arith.index_cast %parallel_loop3A_358 : i32 to index
        %parallel_loop3A_1026 = arith.constant 960 : index
        %parallel_loop3A_1027 = tpu.vector_load %arg6[%parallel_loop3A_1024, %parallel_loop3A_1025, %parallel_loop3A_1026] {strides = array<i32>} : memref<5x16x1024xf32, #tpu.memory_space<vmem>>, vector<1x1x16xf32>,
        %parallel_loop3A_1028 = vector.shape_cast %parallel_loop3A_1027 : vector<1x1x16xf32> to vector<16xf32>
        %parallel_loop3A_1029 = vector.shape_cast %parallel_loop3A_1023 : vector<16xf32> to vector<1x1x16xf32>
        tpu.vector_store %arg6[%parallel_loop3A_1024, %parallel_loop3A_1025, %parallel_loop3A_1026], %parallel_loop3A_1029 {add = true, strides = array<i32>} : memref<5x16x1024xf32, #tpu.memory_space<vmem>>, vector<1x1x16xf32>,
        %parallel_loop3A_1030 = arith.index_cast %rem3A_295 : i32 to index
        %parallel_loop3A_1031 = arith.index_cast %parallel_loop3A_358 : i32 to index
        %parallel_loop3A_1032 = arith.constant 976 : index
        %parallel_loop3A_1033 = tpu.vector_load %arg5[%parallel_loop3A_1030, %parallel_loop3A_1031, %parallel_loop3A_1032] {strides = array<i32>} : memref<2x16x1024xf32, #tpu.memory_space<vmem>>, vector<1x1x16xf32>,
        %parallel_loop3A_1034 = vector.shape_cast %parallel_loop3A_1033 : vector<1x1x16xf32> to vector<16xf32>
        %parallel_loop3A_1035 = arith.index_cast %rem3A_293 : i32 to index
        %parallel_loop3A_1036 = arith.index_cast %parallel_loop3A_358 : i32 to index
        %parallel_loop3A_1037 = arith.constant 976 : index
        %parallel_loop3A_1038 = tpu.vector_load %arg6[%parallel_loop3A_1035, %parallel_loop3A_1036, %parallel_loop3A_1037] {strides = array<i32>} : memref<5x16x1024xf32, #tpu.memory_space<vmem>>, vector<1x1x16xf32>,
        %parallel_loop3A_1039 = vector.shape_cast %parallel_loop3A_1038 : vector<1x1x16xf32> to vector<16xf32>
        %parallel_loop3A_1040 = vector.shape_cast %parallel_loop3A_1034 : vector<16xf32> to vector<1x1x16xf32>
        tpu.vector_store %arg6[%parallel_loop3A_1035, %parallel_loop3A_1036, %parallel_loop3A_1037], %parallel_loop3A_1040 {add = true, strides = array<i32>} : memref<5x16x1024xf32, #tpu.memory_space<vmem>>, vector<1x1x16xf32>,
        %parallel_loop3A_1041 = arith.index_cast %rem3A_295 : i32 to index
        %parallel_loop3A_1042 = arith.index_cast %parallel_loop3A_358 : i32 to index
        %parallel_loop3A_1043 = arith.constant 992 : index
        %parallel_loop3A_1044 = tpu.vector_load %arg5[%parallel_loop3A_1041, %parallel_loop3A_1042, %parallel_loop3A_1043] {strides = array<i32>} : memref<2x16x1024xf32, #tpu.memory_space<vmem>>, vector<1x1x16xf32>,
        %parallel_loop3A_1045 = vector.shape_cast %parallel_loop3A_1044 : vector<1x1x16xf32> to vector<16xf32>
        %parallel_loop3A_1046 = arith.index_cast %rem3A_293 : i32 to index
        %parallel_loop3A_1047 = arith.index_cast %parallel_loop3A_358 : i32 to index
        %parallel_loop3A_1048 = arith.constant 992 : index
        %parallel_loop3A_1049 = tpu.vector_load %arg6[%parallel_loop3A_1046, %parallel_loop3A_1047, %parallel_loop3A_1048] {strides = array<i32>} : memref<5x16x1024xf32, #tpu.memory_space<vmem>>, vector<1x1x16xf32>,
        %parallel_loop3A_1050 = vector.shape_cast %parallel_loop3A_1049 : vector<1x1x16xf32> to vector<16xf32>
        %parallel_loop3A_1051 = vector.shape_cast %parallel_loop3A_1045 : vector<16xf32> to vector<1x1x16xf32>
        tpu.vector_store %arg6[%parallel_loop3A_1046, %parallel_loop3A_1047, %parallel_loop3A_1048], %parallel_loop3A_1051 {add = true, strides = array<i32>} : memref<5x16x1024xf32, #tpu.memory_space<vmem>>, vector<1x1x16xf32>,
        %parallel_loop3A_1052 = arith.index_cast %rem3A_295 : i32 to index
        %parallel_loop3A_1053 = arith.index_cast %parallel_loop3A_358 : i32 to index
        %parallel_loop3A_1054 = arith.constant 1008 : index
        %parallel_loop3A_1055 = tpu.vector_load %arg5[%parallel_loop3A_1052, %parallel_loop3A_1053, %parallel_loop3A_1054] {strides = array<i32>} : memref<2x16x1024xf32, #tpu.memory_space<vmem>>, vector<1x1x16xf32>,
        %parallel_loop3A_1056 = vector.shape_cast %parallel_loop3A_1055 : vector<1x1x16xf32> to vector<16xf32>
        %parallel_loop3A_1057 = arith.index_cast %rem3A_293 : i32 to index
        %parallel_loop3A_1058 = arith.index_cast %parallel_loop3A_358 : i32 to index
        %parallel_loop3A_1059 = arith.constant 1008 : index
        %parallel_loop3A_1060 = tpu.vector_load %arg6[%parallel_loop3A_1057, %parallel_loop3A_1058, %parallel_loop3A_1059] {strides = array<i32>} : memref<5x16x1024xf32, #tpu.memory_space<vmem>>, vector<1x1x16xf32>,
        %parallel_loop3A_1061 = vector.shape_cast %parallel_loop3A_1060 : vector<1x1x16xf32> to vector<16xf32>
        %parallel_loop3A_1062 = vector.shape_cast %parallel_loop3A_1056 : vector<16xf32> to vector<1x1x16xf32>
        tpu.vector_store %arg6[%parallel_loop3A_1057, %parallel_loop3A_1058, %parallel_loop3A_1059], %parallel_loop3A_1062 {add = true, strides = array<i32>} : memref<5x16x1024xf32, #tpu.memory_space<vmem>>, vector<1x1x16xf32>,
      } {sc.loop_unroll_factor = 4 : i64, sc.parallel_access}
      %div3A_332 = arith.constant 4 : i32
      %div3A_333 = arith.divsi %add3A_287, %div3A_332 : i32
      %rem3A_334 = arith.constant 4 : i32
      %rem3A_335 = arith.remsi %add3A_287, %rem3A_334 : i32
      %rem3A_336 = arith.constant 5 : i32
      %rem3A_337 = arith.remsi %add3A_287, %rem3A_336 : i32
      %mul3A_338 = arith.constant 8192 : i32
      %mul3A_339 = arith.muli %rem3A_335, %mul3A_338 : i32
      %add3A_340 = arith.addi %mul3A_339, %mul3A_2 : i32
      %mul3A_341 = arith.constant 16 : i32
      %mul3A_342 = arith.muli %div3A_333, %mul3A_341 : i32
      %add3A_343 = arith.addi %add3A_340, %mul3A_342 : i32
      %dma_start3A_344 = arith.constant 0 : i32
      %dma_start3A_345 = arith.constant 0 : i32
      %dma_start3A_346 = tpu.memref_slice %arg6[%rem3A_337, %dma_start3A_344, %dma_start3A_345] : memref<5x16x1024xf32, #tpu.memory_space<vmem>> -> memref<1x16x1024xf32, #tpu.memory_space<vmem>>
      %dma_start3A_347 = tpu.memref_squeeze %dma_start3A_346 : memref<1x16x1024xf32, #tpu.memory_space<vmem>> -> memref<16x1024xf32, #tpu.memory_space<vmem>>
      %dma_start3A_348 = arith.constant 0 : i32
      %dma_start3A_349 = tpu.memref_slice %arg4[%add3A_343, %dma_start3A_348] : memref<32768x1024xf32, #tpu.memory_space<hbm>> -> memref<16x1024xf32, #tpu.memory_space<hbm>>
      %dma_start3A_350 = tpu.memref_slice %arg9[%rem3A_337] : memref<5x!tpu.dma_semaphore, #tpu.memory_space<semaphore_mem>> -> memref<1x!tpu.dma_semaphore, #tpu.memory_space<semaphore_mem>>
      %dma_start3A_351 = tpu.memref_squeeze %dma_start3A_350 : memref<1x!tpu.dma_semaphore, #tpu.memory_space<semaphore_mem>> -> memref<!tpu.dma_semaphore, #tpu.memory_space<semaphore_mem>>
      %dma_start3A_352 = arith.constant 0 : i32
      %dma_start3A_353 = tpu.memref_slice %arg4[%add3A_343, %dma_start3A_352] : memref<32768x1024xf32, #tpu.memory_space<hbm>> -> memref<16x1024xf32, #tpu.memory_space<hbm>>
      %dma_start3A_354 = arith.constant 0 : i32
      %dma_start3A_355 = arith.constant 0 : i32
      %dma_start3A_356 = tpu.memref_slice %arg6[%rem3A_337, %dma_start3A_354, %dma_start3A_355] : memref<5x16x1024xf32, #tpu.memory_space<vmem>> -> memref<1x16x1024xf32, #tpu.memory_space<vmem>>
      %dma_start3A_357 = tpu.memref_squeeze %dma_start3A_356 : memref<1x16x1024xf32, #tpu.memory_space<vmem>> -> memref<16x1024xf32, #tpu.memory_space<vmem>>
      tpu.enqueue_dma source(%dma_start3A_357 : memref<16x1024xf32, #tpu.memory_space<vmem>>) target(%dma_start3A_353 : memref<16x1024xf32, #tpu.memory_space<hbm>>) target_semaphore(%dma_start3A_351 : memref<!tpu.dma_semaphore, #tpu.memory_space<semaphore_mem>>)
    }
    %scan3A_138 = arith.constant 64 : i32
    %div3A_139 = arith.constant 59 : i32
    %div3A_140 = arith.constant 4 : i32
    %div3A_141 = arith.divsi %div3A_139, %div3A_140 : i32
    %rem3A_142 = arith.constant 59 : i32
    %rem3A_143 = arith.constant 4 : i32
    %rem3A_144 = arith.remsi %rem3A_142, %rem3A_143 : i32
    %rem3A_145 = arith.constant 59 : i32
    %rem3A_146 = arith.constant 5 : i32
    %rem3A_147 = arith.remsi %rem3A_145, %rem3A_146 : i32
    %mul3A_148 = arith.constant 8192 : i32
    %mul3A_149 = arith.muli %rem3A_144, %mul3A_148 : i32
    %add3A_150 = arith.addi %mul3A_149, %mul3A_2 : i32
    %mul3A_151 = arith.constant 16 : i32
    %mul3A_152 = arith.muli %div3A_141, %mul3A_151 : i32
    %add3A_153 = arith.addi %add3A_150, %mul3A_152 : i32
    %dma_wait3A = arith.constant 0 : i32
    %dma_wait3A_154 = arith.constant 0 : i32
    %dma_wait3A_155 = tpu.memref_slice %arg6[%rem3A_147, %dma_wait3A, %dma_wait3A_154] : memref<5x16x1024xf32, #tpu.memory_space<vmem>> -> memref<1x16x1024xf32, #tpu.memory_space<vmem>>
    %dma_wait3A_156 = tpu.memref_squeeze %dma_wait3A_155 : memref<1x16x1024xf32, #tpu.memory_space<vmem>> -> memref<16x1024xf32, #tpu.memory_space<vmem>>
    %dma_wait3A_157 = arith.constant 0 : i32
    %dma_wait3A_158 = tpu.memref_slice %arg4[%add3A_153, %dma_wait3A_157] : memref<32768x1024xf32, #tpu.memory_space<hbm>> -> memref<16x1024xf32, #tpu.memory_space<hbm>>
    %dma_wait3A_159 = tpu.memref_slice %arg9[%rem3A_147] : memref<5x!tpu.dma_semaphore, #tpu.memory_space<semaphore_mem>> -> memref<1x!tpu.dma_semaphore, #tpu.memory_space<semaphore_mem>>
    %dma_wait3A_160 = tpu.memref_squeeze %dma_wait3A_159 : memref<1x!tpu.dma_semaphore, #tpu.memory_space<semaphore_mem>> -> memref<!tpu.dma_semaphore, #tpu.memory_space<semaphore_mem>>
    %dma_wait3A_161 = arith.constant 0 : i32
    %dma_wait3A_162 = tpu.memref_slice %arg4[%add3A_153, %dma_wait3A_161] : memref<32768x1024xf32, #tpu.memory_space<hbm>> -> memref<16x1024xf32, #tpu.memory_space<hbm>>
    %dma_wait3A_163 = arith.constant 0 : i32
    %dma_wait3A_164 = arith.constant 0 : i32
    %dma_wait3A_165 = tpu.memref_slice %arg6[%rem3A_147, %dma_wait3A_163, %dma_wait3A_164] : memref<5x16x1024xf32, #tpu.memory_space<vmem>> -> memref<1x16x1024xf32, #tpu.memory_space<vmem>>
    %dma_wait3A_166 = tpu.memref_squeeze %dma_wait3A_165 : memref<1x16x1024xf32, #tpu.memory_space<vmem>> -> memref<16x1024xf32, #tpu.memory_space<vmem>>
    tpu.wait_dma2 semaphore(%dma_wait3A_160 : memref<!tpu.dma_semaphore, #tpu.memory_space<semaphore_mem>>) src(%dma_wait3A_166 : memref<16x1024xf32, #tpu.memory_space<vmem>>) dst(%dma_wait3A_162 : memref<16x1024xf32, #tpu.memory_space<hbm>>)
    %div3A_167 = arith.constant 60 : i32
    %div3A_168 = arith.constant 4 : i32
    %div3A_169 = arith.divsi %div3A_167, %div3A_168 : i32
    %rem3A_170 = arith.constant 60 : i32
    %rem3A_171 = arith.constant 4 : i32
    %rem3A_172 = arith.remsi %rem3A_170, %rem3A_171 : i32
    %rem3A_173 = arith.constant 60 : i32
    %rem3A_174 = arith.constant 5 : i32
    %rem3A_175 = arith.remsi %rem3A_173, %rem3A_174 : i32
    %mul3A_176 = arith.constant 8192 : i32
    %mul3A_177 = arith.muli %rem3A_172, %mul3A_176 : i32
    %add3A_178 = arith.addi %mul3A_177, %mul3A_2 : i32
    %mul3A_179 = arith.constant 16 : i32
    %mul3A_180 = arith.muli %div3A_169, %mul3A_179 : i32
    %add3A_181 = arith.addi %add3A_178, %mul3A_180 : i32
    %dma_wait3A_182 = arith.constant 0 : i32
    %dma_wait3A_183 = arith.constant 0 : i32
    %dma_wait3A_184 = tpu.memref_slice %arg6[%rem3A_175, %dma_wait3A_182, %dma_wait3A_183] : memref<5x16x1024xf32, #tpu.memory_space<vmem>> -> memref<1x16x1024xf32, #tpu.memory_space<vmem>>
    %dma_wait3A_185 = tpu.memref_squeeze %dma_wait3A_184 : memref<1x16x1024xf32, #tpu.memory_space<vmem>> -> memref<16x1024xf32, #tpu.memory_space<vmem>>
    %dma_wait3A_186 = arith.constant 0 : i32
    %dma_wait3A_187 = tpu.memref_slice %arg4[%add3A_181, %dma_wait3A_186] : memref<32768x1024xf32, #tpu.memory_space<hbm>> -> memref<16x1024xf32, #tpu.memory_space<hbm>>
    %dma_wait3A_188 = tpu.memref_slice %arg9[%rem3A_175] : memref<5x!tpu.dma_semaphore, #tpu.memory_space<semaphore_mem>> -> memref<1x!tpu.dma_semaphore, #tpu.memory_space<semaphore_mem>>
    %dma_wait3A_189 = tpu.memref_squeeze %dma_wait3A_188 : memref<1x!tpu.dma_semaphore, #tpu.memory_space<semaphore_mem>> -> memref<!tpu.dma_semaphore, #tpu.memory_space<semaphore_mem>>
    %dma_wait3A_190 = arith.constant 0 : i32
    %dma_wait3A_191 = tpu.memref_slice %arg4[%add3A_181, %dma_wait3A_190] : memref<32768x1024xf32, #tpu.memory_space<hbm>> -> memref<16x1024xf32, #tpu.memory_space<hbm>>
    %dma_wait3A_192 = arith.constant 0 : i32
    %dma_wait3A_193 = arith.constant 0 : i32
    %dma_wait3A_194 = tpu.memref_slice %arg6[%rem3A_175, %dma_wait3A_192, %dma_wait3A_193] : memref<5x16x1024xf32, #tpu.memory_space<vmem>> -> memref<1x16x1024xf32, #tpu.memory_space<vmem>>
    %dma_wait3A_195 = tpu.memref_squeeze %dma_wait3A_194 : memref<1x16x1024xf32, #tpu.memory_space<vmem>> -> memref<16x1024xf32, #tpu.memory_space<vmem>>
    tpu.wait_dma2 semaphore(%dma_wait3A_189 : memref<!tpu.dma_semaphore, #tpu.memory_space<semaphore_mem>>) src(%dma_wait3A_195 : memref<16x1024xf32, #tpu.memory_space<vmem>>) dst(%dma_wait3A_191 : memref<16x1024xf32, #tpu.memory_space<hbm>>)
    %div3A_196 = arith.constant 61 : i32
    %div3A_197 = arith.constant 4 : i32
    %div3A_198 = arith.divsi %div3A_196, %div3A_197 : i32
    %rem3A_199 = arith.constant 61 : i32
    %rem3A_200 = arith.constant 4 : i32
    %rem3A_201 = arith.remsi %rem3A_199, %rem3A_200 : i32
    %rem3A_202 = arith.constant 61 : i32
    %rem3A_203 = arith.constant 5 : i32
    %rem3A_204 = arith.remsi %rem3A_202, %rem3A_203 : i32
    %mul3A_205 = arith.constant 8192 : i32
    %mul3A_206 = arith.muli %rem3A_201, %mul3A_205 : i32
    %add3A_207 = arith.addi %mul3A_206, %mul3A_2 : i32
    %mul3A_208 = arith.constant 16 : i32
    %mul3A_209 = arith.muli %div3A_198, %mul3A_208 : i32
    %add3A_210 = arith.addi %add3A_207, %mul3A_209 : i32
    %dma_wait3A_211 = arith.constant 0 : i32
    %dma_wait3A_212 = arith.constant 0 : i32
    %dma_wait3A_213 = tpu.memref_slice %arg6[%rem3A_204, %dma_wait3A_211, %dma_wait3A_212] : memref<5x16x1024xf32, #tpu.memory_space<vmem>> -> memref<1x16x1024xf32, #tpu.memory_space<vmem>>
    %dma_wait3A_214 = tpu.memref_squeeze %dma_wait3A_213 : memref<1x16x1024xf32, #tpu.memory_space<vmem>> -> memref<16x1024xf32, #tpu.memory_space<vmem>>
    %dma_wait3A_215 = arith.constant 0 : i32
    %dma_wait3A_216 = tpu.memref_slice %arg4[%add3A_210, %dma_wait3A_215] : memref<32768x1024xf32, #tpu.memory_space<hbm>> -> memref<16x1024xf32, #tpu.memory_space<hbm>>
    %dma_wait3A_217 = tpu.memref_slice %arg9[%rem3A_204] : memref<5x!tpu.dma_semaphore, #tpu.memory_space<semaphore_mem>> -> memref<1x!tpu.dma_semaphore, #tpu.memory_space<semaphore_mem>>
    %dma_wait3A_218 = tpu.memref_squeeze %dma_wait3A_217 : memref<1x!tpu.dma_semaphore, #tpu.memory_space<semaphore_mem>> -> memref<!tpu.dma_semaphore, #tpu.memory_space<semaphore_mem>>
    %dma_wait3A_219 = arith.constant 0 : i32
    %dma_wait3A_220 = tpu.memref_slice %arg4[%add3A_210, %dma_wait3A_219] : memref<32768x1024xf32, #tpu.memory_space<hbm>> -> memref<16x1024xf32, #tpu.memory_space<hbm>>
    %dma_wait3A_221 = arith.constant 0 : i32
    %dma_wait3A_222 = arith.constant 0 : i32
    %dma_wait3A_223 = tpu.memref_slice %arg6[%rem3A_204, %dma_wait3A_221, %dma_wait3A_222] : memref<5x16x1024xf32, #tpu.memory_space<vmem>> -> memref<1x16x1024xf32, #tpu.memory_space<vmem>>
    %dma_wait3A_224 = tpu.memref_squeeze %dma_wait3A_223 : memref<1x16x1024xf32, #tpu.memory_space<vmem>> -> memref<16x1024xf32, #tpu.memory_space<vmem>>
    tpu.wait_dma2 semaphore(%dma_wait3A_218 : memref<!tpu.dma_semaphore, #tpu.memory_space<semaphore_mem>>) src(%dma_wait3A_224 : memref<16x1024xf32, #tpu.memory_space<vmem>>) dst(%dma_wait3A_220 : memref<16x1024xf32, #tpu.memory_space<hbm>>)
    %div3A_225 = arith.constant 62 : i32
    %div3A_226 = arith.constant 4 : i32
    %div3A_227 = arith.divsi %div3A_225, %div3A_226 : i32
    %rem3A_228 = arith.constant 62 : i32
    %rem3A_229 = arith.constant 4 : i32
    %rem3A_230 = arith.remsi %rem3A_228, %rem3A_229 : i32
    %rem3A_231 = arith.constant 62 : i32
    %rem3A_232 = arith.constant 5 : i32
    %rem3A_233 = arith.remsi %rem3A_231, %rem3A_232 : i32
    %mul3A_234 = arith.constant 8192 : i32
    %mul3A_235 = arith.muli %rem3A_230, %mul3A_234 : i32
    %add3A_236 = arith.addi %mul3A_235, %mul3A_2 : i32
    %mul3A_237 = arith.constant 16 : i32
    %mul3A_238 = arith.muli %div3A_227, %mul3A_237 : i32
    %add3A_239 = arith.addi %add3A_236, %mul3A_238 : i32
    %dma_wait3A_240 = arith.constant 0 : i32
    %dma_wait3A_241 = arith.constant 0 : i32
    %dma_wait3A_242 = tpu.memref_slice %arg6[%rem3A_233, %dma_wait3A_240, %dma_wait3A_241] : memref<5x16x1024xf32, #tpu.memory_space<vmem>> -> memref<1x16x1024xf32, #tpu.memory_space<vmem>>
    %dma_wait3A_243 = tpu.memref_squeeze %dma_wait3A_242 : memref<1x16x1024xf32, #tpu.memory_space<vmem>> -> memref<16x1024xf32, #tpu.memory_space<vmem>>
    %dma_wait3A_244 = arith.constant 0 : i32
    %dma_wait3A_245 = tpu.memref_slice %arg4[%add3A_239, %dma_wait3A_244] : memref<32768x1024xf32, #tpu.memory_space<hbm>> -> memref<16x1024xf32, #tpu.memory_space<hbm>>
    %dma_wait3A_246 = tpu.memref_slice %arg9[%rem3A_233] : memref<5x!tpu.dma_semaphore, #tpu.memory_space<semaphore_mem>> -> memref<1x!tpu.dma_semaphore, #tpu.memory_space<semaphore_mem>>
    %dma_wait3A_247 = tpu.memref_squeeze %dma_wait3A_246 : memref<1x!tpu.dma_semaphore, #tpu.memory_space<semaphore_mem>> -> memref<!tpu.dma_semaphore, #tpu.memory_space<semaphore_mem>>
    %dma_wait3A_248 = arith.constant 0 : i32
    %dma_wait3A_249 = tpu.memref_slice %arg4[%add3A_239, %dma_wait3A_248] : memref<32768x1024xf32, #tpu.memory_space<hbm>> -> memref<16x1024xf32, #tpu.memory_space<hbm>>
    %dma_wait3A_250 = arith.constant 0 : i32
    %dma_wait3A_251 = arith.constant 0 : i32
    %dma_wait3A_252 = tpu.memref_slice %arg6[%rem3A_233, %dma_wait3A_250, %dma_wait3A_251] : memref<5x16x1024xf32, #tpu.memory_space<vmem>> -> memref<1x16x1024xf32, #tpu.memory_space<vmem>>
    %dma_wait3A_253 = tpu.memref_squeeze %dma_wait3A_252 : memref<1x16x1024xf32, #tpu.memory_space<vmem>> -> memref<16x1024xf32, #tpu.memory_space<vmem>>
    tpu.wait_dma2 semaphore(%dma_wait3A_247 : memref<!tpu.dma_semaphore, #tpu.memory_space<semaphore_mem>>) src(%dma_wait3A_253 : memref<16x1024xf32, #tpu.memory_space<vmem>>) dst(%dma_wait3A_249 : memref<16x1024xf32, #tpu.memory_space<hbm>>)
    %div3A_254 = arith.constant 63 : i32
    %div3A_255 = arith.constant 4 : i32
    %div3A_256 = arith.divsi %div3A_254, %div3A_255 : i32
    %rem3A_257 = arith.constant 63 : i32
    %rem3A_258 = arith.constant 4 : i32
    %rem3A_259 = arith.remsi %rem3A_257, %rem3A_258 : i32
    %rem3A_260 = arith.constant 63 : i32
    %rem3A_261 = arith.constant 5 : i32
    %rem3A_262 = arith.remsi %rem3A_260, %rem3A_261 : i32
    %mul3A_263 = arith.constant 8192 : i32
    %mul3A_264 = arith.muli %rem3A_259, %mul3A_263 : i32
    %add3A_265 = arith.addi %mul3A_264, %mul3A_2 : i32
    %mul3A_266 = arith.constant 16 : i32
    %mul3A_267 = arith.muli %div3A_256, %mul3A_266 : i32
    %add3A_268 = arith.addi %add3A_265, %mul3A_267 : i32
    %dma_wait3A_269 = arith.constant 0 : i32
    %dma_wait3A_270 = arith.constant 0 : i32
    %dma_wait3A_271 = tpu.memref_slice %arg6[%rem3A_262, %dma_wait3A_269, %dma_wait3A_270] : memref<5x16x1024xf32, #tpu.memory_space<vmem>> -> memref<1x16x1024xf32, #tpu.memory_space<vmem>>
    %dma_wait3A_272 = tpu.memref_squeeze %dma_wait3A_271 : memref<1x16x1024xf32, #tpu.memory_space<vmem>> -> memref<16x1024xf32, #tpu.memory_space<vmem>>
    %dma_wait3A_273 = arith.constant 0 : i32
    %dma_wait3A_274 = tpu.memref_slice %arg4[%add3A_268, %dma_wait3A_273] : memref<32768x1024xf32, #tpu.memory_space<hbm>> -> memref<16x1024xf32, #tpu.memory_space<hbm>>
    %dma_wait3A_275 = tpu.memref_slice %arg9[%rem3A_262] : memref<5x!tpu.dma_semaphore, #tpu.memory_space<semaphore_mem>> -> memref<1x!tpu.dma_semaphore, #tpu.memory_space<semaphore_mem>>
    %dma_wait3A_276 = tpu.memref_squeeze %dma_wait3A_275 : memref<1x!tpu.dma_semaphore, #tpu.memory_space<semaphore_mem>> -> memref<!tpu.dma_semaphore, #tpu.memory_space<semaphore_mem>>
    %dma_wait3A_277 = arith.constant 0 : i32
    %dma_wait3A_278 = tpu.memref_slice %arg4[%add3A_268, %dma_wait3A_277] : memref<32768x1024xf32, #tpu.memory_space<hbm>> -> memref<16x1024xf32, #tpu.memory_space<hbm>>
    %dma_wait3A_279 = arith.constant 0 : i32
    %dma_wait3A_280 = arith.constant 0 : i32
    %dma_wait3A_281 = tpu.memref_slice %arg6[%rem3A_262, %dma_wait3A_279, %dma_wait3A_280] : memref<5x16x1024xf32, #tpu.memory_space<vmem>> -> memref<1x16x1024xf32, #tpu.memory_space<vmem>>
    %dma_wait3A_282 = tpu.memref_squeeze %dma_wait3A_281 : memref<1x16x1024xf32, #tpu.memory_space<vmem>> -> memref<16x1024xf32, #tpu.memory_space<vmem>>
    tpu.wait_dma2 semaphore(%dma_wait3A_276 : memref<!tpu.dma_semaphore, #tpu.memory_space<semaphore_mem>>) src(%dma_wait3A_282 : memref<16x1024xf32, #tpu.memory_space<vmem>>) dst(%dma_wait3A_278 : memref<16x1024xf32, #tpu.memory_space<hbm>>)
    return
  }
}

</mosaic_0001>

<sc_bundles>
// kernel: kernel.3.cloned.1.call-start
scs
__scs_entry_jumppad:
0x0: {  	(pc) =	sbr.rel $0x88, $3  }
0x1: {  	(tag) =	ssettag $0x0;
	lr =	simm.s32 $0x1  }
0x2: {  	[smem:$0x3F9F] =	sst lr;
	_ =	strace $0xD0000000  }
0x3: {  	_ = 	snop  }
0x4: {  	_ = 	snop  }
0x5: {  	_ = 	snop  }
0x6: {  	_ = 	snop  }
0x7: {  	_ = 	snop  }
__scs_overlays_trampoline_lowered:
0x8: {  	[smem:$0x3FAE] =	sst s0  }
0x9: {  	[smem:$0x3FAF] =	sst s1  }
0xa: {  	[smem:$0x3FB0] =	sst s2  }
0xb: {  	[smem:$0x3FB1] =	sst s3  }
0xc: {  	[smem:$0x3FB2] =	sst s4  }
0xd: {  	[smem:$0x3FB3] =	sst s5  }
0xe: {  	[smem:$0x3FB4] =	sst s6  }
0xf: {  	[smem:$0x3FB5] =	sst s7  }
0x10: {  	[smem:$0x3FB6] =	sst s8  }
0x11: {  	[smem:$0x3FB7] =	sst s9;
	s0 =	simm.s32 @!p0 $0x0  }
0x12: {  	s1 =	sld [smem:$0x3F9D];
	s0 =	simm.s32 @p0 $0x1  }
0x13: {  	[smem:$0x3FB8] =	sst s0;
	s0 =	simm.s32 @!p1 $0x0  }
0x14: {  	s2 =	sld [smem:$0x3F9C];
	s0 =	simm.s32 @p1 $0x1  }
0x15: {  	[smem:$0x3FB9] =	sst s0;
	s0 =	simm.s32 @!p2 $0x0  }
0x16: {  	s3 =	sld [smem:$0x3FDB];
	s0 =	simm.s32 @p2 $0x1  }
0x17: {  	s4 =	simm.s32 $0x1BF5;
	[smem:$0x3FBB] =	sst s0  }
0x18: {  	s0 =	sld [smem:$0x3F9E];
	_ =	swait.ge [sflag:s4], $0x0  }
0x19: {  	s7 =	sld [smem:$0x3F9F]  }
0x1a: {  	s8 =	sadd.s32 $0xFFFFE003, lr  }
0x1b: {  	s9 =	sadd.s32 $0xFFFFFEF7, lr;
	s5 =	simm.s32 $0xFFFFFFFF;
	p2 =	slt.u32 s8, $0xFFFFF086  }
0x1c: {  	p1 =	slt.u32 s9, $0xF7A;
	s5 =	simm.s32 @!p2 $0x0  }
0x1d: {  	s5 =	simm.s32 @p1 $0x1;
	p0 =	seq.s32 s7, s2  }
0x1e: {  	s7 =	smul.u32 @!p0 $0xF7A, s2;
	p2 =	seq.s32 @!p0 s5, $0x0  }
0x1f: {  	s9 =	smul.u32 $0xF7A, s1;
	s8 =	simm.s32 @!p0 $0x1BF5;
	p2 =	por !p2, p0  }
0x20: {  	[sflag:s8] =	ssyncset.s32 @!p0 $0xFFFFF086;
	s6 =	sadd.s32 @!p0 s3, s7;
	s7 =	simm.s32 @!p0 $0x108  }
0x21: {  	s3 =	sadd.s32 s3, s9;
	s6 =	sadd.s32 @!p0 $0x88, s6;
	s7 =	simm.s32 @p2 $0x1082  }
0x22: {  	[simem:s7], [sflag:s8] =	dma.local @!p0 [hbm:s6], $0xF7A  }
0x23: {  	s9 =	sor.u32 $0xD0000000, s2;
	s6 =	simm.s32 $0x108;
	_ =	swait.ge @!p0 [sflag:s8], $0x0  }
0x24: {  	s3 =	sadd.s32 $0x88, s3;
	s6 =	simm.s32 @!p1 $0x1082;
	[sflag:s4] =	ssyncset.s32 $0xFFFFF086  }
0x25: {  	[simem:s6], [sflag:s4] =	dma.local [hbm:s3], $0xF7A  }
0x26: {  	[smem:$0x3F9F] =	sst s1;
	(tag) =	ssettag s2;
	_ =	strace s9  }
0x27: {  	s1 =	sld [smem:$0x3FAF]  }
0x28: {  	s2 =	sld [smem:$0x3FB0]  }
0x29: {  	s4 =	sld [smem:$0x3FB2]  }
0x2a: {  	p0 =	seq.s32 s5, $0x0;
	s5 =	sld [smem:$0x3FB3]  }
0x2b: {  	s6 =	sld [smem:$0x3FB4]  }
0x2c: {  	s7 =	sld [smem:$0x3FB5]  }
0x2d: {  	s3 =	simm.s32 $0x108;
	s8 =	sld [smem:$0x3FB6]  }
0x2e: {  	s3 =	simm.s32 @!p0 $0x1082;
	s9 =	sld [smem:$0x3FB7]  }
0x2f: {  	lr =	sadd.s32 s0, s3;
	s0 =	sld [smem:$0x3FAE]  }
0x30: {  	s3 =	sld [smem:$0x3FB1]  }
0x31: {  	[smem:$0x3FBA] =	sst s10  }
0x32: {  	s10 =	sld [smem:$0x3FB8];
	_ =	sdelay $0x3  }
0x33: {  	p0 =	seq.s32 s10, $0x1;
	s10 =	sld [smem:$0x3FBA];
	_ =	sdelay $0x3  }
0x34: {  	[smem:$0x3FBA] =	sst s10  }
0x35: {  	s10 =	sld [smem:$0x3FB9];
	_ =	sdelay $0x3  }
0x36: {  	p1 =	seq.s32 s10, $0x1;
	s10 =	sld [smem:$0x3FBA];
	_ =	sdelay $0x3  }
0x37: {  	[smem:$0x3FBA] =	sst s10  }
0x38: {  	s10 =	sld [smem:$0x3FBB]  }
0x39: {  	_ = 	snop;
	(pc) =	sbr.ind lr, $3  }
0x3a: {  	_ = 	snop  }
0x3b: {  	_ = 	snop  }
0x3c: {  	p2 =	seq.s32 s10, $0x1;
	s10 =	sld [smem:$0x3FBA]  }
0x3d: {  	_ =	shalt  }
0x3e: {  	_ =	shalt  }
0x3f: {  	_ =	shalt  }
0x40: {  	_ =	shalt  }
0x41: {  	_ =	shalt  }
0x42: {  	_ =	shalt  }
0x43: {  	_ =	shalt  }
0x44: {  	_ =	shalt  }
0x45: {  	_ =	shalt  }
0x46: {  	_ =	shalt  }
0x47: {  	_ =	shalt  }
0x48: {  	_ =	shalt  }
0x49: {  	_ =	shalt  }
0x4a: {  	_ =	shalt  }
0x4b: {  	_ =	shalt  }
0x4c: {  	_ =	shalt  }
0x4d: {  	_ =	shalt  }
0x4e: {  	_ =	shalt  }
0x4f: {  	_ =	shalt  }
0x50: {  	_ =	shalt  }
0x51: {  	_ =	shalt  }
0x52: {  	_ =	shalt  }
0x53: {  	_ =	shalt  }
0x54: {  	_ =	shalt  }
0x55: {  	_ =	shalt  }
0x56: {  	_ =	shalt  }
0x57: {  	_ =	shalt  }
0x58: {  	_ =	shalt  }
0x59: {  	_ =	shalt  }
0x5a: {  	_ =	shalt  }
0x5b: {  	_ =	shalt  }
0x5c: {  	_ =	shalt  }
0x5d: {  	_ =	shalt  }
0x5e: {  	_ =	shalt  }
0x5f: {  	_ =	shalt  }
0x60: {  	_ =	shalt  }
0x61: {  	_ =	shalt  }
0x62: {  	_ =	shalt  }
0x63: {  	_ =	shalt  }
0x64: {  	_ =	shalt  }
0x65: {  	_ =	shalt  }
0x66: {  	_ =	shalt  }
0x67: {  	_ =	shalt  }
0x68: {  	_ =	shalt  }
0x69: {  	_ =	shalt  }
0x6a: {  	_ =	shalt  }
0x6b: {  	_ =	shalt  }
0x6c: {  	_ =	shalt  }
0x6d: {  	_ =	shalt  }
0x6e: {  	_ =	shalt  }
0x6f: {  	_ =	shalt  }
0x70: {  	_ =	shalt  }
0x71: {  	_ =	shalt  }
0x72: {  	_ =	shalt  }
0x73: {  	_ =	shalt  }
0x74: {  	_ =	shalt  }
0x75: {  	_ =	shalt  }
0x76: {  	_ =	shalt  }
0x77: {  	_ =	shalt  }
0x78: {  	_ =	shalt  }
0x79: {  	_ =	shalt  }
0x7a: {  	_ =	shalt  }
0x7b: {  	_ =	shalt  }
0x7c: {  	_ =	shalt  }
0x7d: {  	_ =	shalt  }
0x7e: {  	_ =	shalt  }
0x7f: {  	_ =	shalt  }
0x80: {  	_ =	shalt  }
0x81: {  	_ =	shalt  }
0x82: {  	_ =	shalt  }
0x83: {  	_ =	shalt  }
0x84: {  	_ =	shalt  }
0x85: {  	_ =	shalt  }
0x86: {  	_ =	shalt  }
0x87: {  	_ =	shalt  }
.Lfunc_end0:
.L_simem_size_0:
called_computation_lowered:
.L_overlay_start_0:
0x88: {  	s2 =	sld [smem:$0x3FD9]  }
0x89: {  	s3 =	sld [smem:$0x3FFE];
	_ =	sdelay $0x1  }
0x8a: {  	s1 =	srdreg.scid  }
0x8b: {  	s0 =	sand.u32 $0x1, s1  }
0x8c: {  	s18 =	sshll.u32 s0, $0xA;
	s2 =	sadd.s32 s3, s2  }
0x8d: {  	s2 =	sadd.s32 s2, s18  }
0x8e: {  	[smem:$0x3FC6] =	sst s2  }
0x8f: {  	_ = 	snop  }
0x90: {  	s2 =	sld [smem:$0x3FC9]  }
0x91: {  	s19 =	sld [smem:$0x3FC8]  }
0x92: {  	s4 =	sld [smem:$0x3FD0];
	(tm) =	ssettm $0x1  }
0x93: {  	s5 =	sld [smem:$0x3FFB];
	_ =	sdelay $0x3  }
0x94: {  	_ =	strace s5  }
0x95: {  	s5 =	sld [smem:$0x3FFC];
	_ =	sdelay $0x3  }
0x96: {  	_ =	strace s5  }
0x97: {  	s5 =	sld [smem:$0x3FFD];
	_ =	sdelay $0x3  }
0x98: {  	_ =	strace s5  }
0x99: {  	_ =	strace $0x8FFFFFFF  }
0x9a: {  	s20 =	sld [smem:$0x3FDB];
	_ =	sdelay $0x1  }
0x9b: {  	s6 =	simm.s32 $_scs_section_size  }
0x9c: {  	s7 =	simm.s32 $_size__tile_overlayer_lowered;
	s8 =	simm.s32 $_tile_overlayer_lowered  }
0x9d: {  	s23 =	simm.s32 $0x1BFF;
	s22 =	sshll.u32 s8, $0x1;
	s5 =	sadd.s32 s6, s20  }
0x9e: {  	s9 =	simm.s32 $0x0;
	s21 =	sshll.u32 s7, $0x1;
	s7 =	sadd.s32 s22, s5  }
0x9f: {  	[timem:s9], [sflag:s23] =	dma.local [hbm:s7], s21  }
0xa0: {  	_ =	swait.ge [sflag:s23], s21  }
0xa1: {  	s6 =	ssub.s32 $0x0, s21;
	[sflag:s23] =	ssyncset.done $0x0  }
0xa2: {  	[sflag:s23] =	ssyncadd.s32 s6;
	_ =	sdelay $0x1  }
0xa3: {  	s24 =	simm.s32 $0x1B8B  }
0xa4: {  	_ =	swait.ge [sflag:s24], $0x1  }
0xa5: {  	[sflag:s24] =	ssyncset.done $0x0  }
0xa6: {  	s25 =	simm.s32 $0x1B8E;
	[sflag:s24] =	ssyncadd.s32 $0xFFFFFFFF  }
0xa7: {  	s26 =	simm.s32 $execute0_lowered;
	[smem:$0x3FD2] =	sst s25  }
0xa8: {  	s6 =	sshll.u32 s26, $0x1;
	_ =	strace $0x80000046;
	[dreg:$0x1] =	wrdreg $0xFFFFFFFF  }
0xa9: {  	s28 =	simm.s32 $_size_execute0_lowered;
	s5 =	sadd.s32 s5, s6;
	[dreg:$0x0] =	wrdreg $0x0  }
0xaa: {  	s6 =	sshll.u32 s28, $0x1;
	[dreg:$0x2] =	wrdreg s5  }
0xab: {  	[dreg:$0x3] =	wrdreg s6  }
0xac: {  	[dreg:$0x4] =	wrdreg $0xC0  }
0xad: {  	_ =	task [dreg:s9], $0x5FFFF  }
0xae: {  	[dreg:$0x1] =	wrdreg $0xFFFFFFFF  }
0xaf: {  	[dreg:$0x0] =	wrdreg $0x60  }
0xb0: {  	[dreg:$0x2] =	wrdreg s2  }
0xb1: {  	[dreg:$0x3] =	wrdreg s19  }
0xb2: {  	[dreg:$0x4] =	wrdreg s4  }
0xb3: {  	[dreg:$0x5] =	wrdreg $0x9  }
0xb4: {  	_ =	task.clear_ibuf [dreg:s9], $0x6FFFF;
	_ =	strace $0x90000046  }
0xb5: {  	s29 =	simm.s32 $0x9;
	_ =	strace $0x80000048  }
0xb6: {  	_ =	swait.ge [sflag:s29], $0x1  }
0xb7: {  	[sflag:s29] =	ssyncadd.s32 $0xFFFFFFFF  }
0xb8: {  	_ =	strace $0x90000048  }
0xb9: {  	_ =	sfence  }
0xba: {  	s30 =	sld [smem:$0x0];
	_ =	sdelay $0x2  }
0xbb: {  	s31 =	sshll.u32 s1, $0xD;
	s1 =	sshrl.u32 s1, $0x2  }
0xbc: {  	s3 =	sand.u32 $0x4000, s31;
	s1 =	sadd.s32 s1, s30  }
0xbd: {  	s0 =	sor.u32 s3, s0;
	s1 =	sshll.u32 s1, $0x11  }
0xbe: {  	s0 =	sor.u32 s1, s0  }
0xbf: {  	s0 =	sadd.s32 $0x8F2B, s0  }
0xc0: {  	[sflag:s0] =	ssyncadd.remote.s32 $0x1  }
0xc1: {  	_ =	sfence.sel $0xFFFF  }
0xc2: {  	[dreg:$0x0] =	wrdreg $0xFFFFFFFF;
	(pc) =	sbr.abs _section_cstart, $3  }
0xc3: {  	[dreg:$0x1] =	wrdreg $0xFFFFFFFF  }
0xc4: {  	_ =	task.clear_ibuf [dreg:s9], $0x2FFFF;
	_ =	strace $0x9FFFFFFF  }
0xc5: {  	(tm) =	ssettm $0x7FFFFFFF  }
tec
execute0_lowered:
.L_overlay_start_1:
0x0: {  	(tag) =	ssettag $0x1  }
0x1: {  	s0 =	rddreg [dreg:$0x0];
	s3 =	srdreg.scid  }
0x2: {  	s1 =	rddreg [dreg:$0x1];
	s6 =	stileid.u32;
	s3 =	sand.u32 $0x1, s3  }
0x3: {  	s6 =	sshll.u32 s6, $0x10;
	s4 =	ssub.s32 $0x2, s3;
	s3 =	sshll.u32 s3, $0xF  }
0x4: {  	s5 =	rddreg [dreg:$0x2];
	s7 =	sshrl.u32 s4, $0x1;
	s6 =	sor.u32 s3, s6  }
0x5: {  	s2 =	simm.s32 $0x0;
	s7 =	ssub.s32 s4, s7;
	s4 =	sadd.s32 s0, s6  }
0x6: {  	[smem:$0x7FF] =	sst s2;
	s0 =	sadd.s32 $0x100000, s4  }
0x7: {  	_ =	strace $0x80000047;
	s29 =	sadd.s32 $0x200000, s4;
	[dreg:$0x4] =	wrdreg s0  }
0x8: {  	s18 =	simm.s32 $0xB;
	s30 =	sadd.s32 $0x300000, s4;
	[dreg:$0x5] =	wrdreg s29  }
0x9: {  	s19 =	simm.s32 $0x0;
	s31 =	smax.u32 s7, $0x1;
	[dreg:$0x6] =	wrdreg s30  }
0xa: {  	s3 =	sadd.s32 s1, s6;
	s8 =	sadd.s32 s5, s6;
	[dreg:$0x7] =	wrdreg s31  }
.LBB2_1:
0xb: {  	[tilespmem:s2], [sflag:$0x1] =	stream.linear.gather [hbm4b:s3+s2], $0x4000, $0x38;
	[tilespmem:$0x1C000] =	vst v63  }
0xc: {  	s0 =	simm.s32 $0x8000  }
0xd: {  	[tilespmem:s0], [sflag:$0x3] =	stream.linear.gather [hbm4b:s4+s2], $0x4000, $0x38;
	[tilespmem:$0x1C000] =	vst v63  }
0xe: {  	s26 =	rddreg [dreg:$0x4];
	s1 =	simm.s32 $0xC000  }
0xf: {  	[tilespmem:s1], [sflag:$0x4] =	stream.linear.gather [hbm4b:s26+s2], $0x4000, $0x38;
	[tilespmem:$0x1C000] =	vst v63  }
0x10: {  	s28 =	rddreg [dreg:$0x5];
	s29 =	simm.s32 $0x10000  }
0x11: {  	[tilespmem:s29], [sflag:$0x5] =	stream.linear.gather [hbm4b:s28+s2], $0x4000, $0x38;
	[tilespmem:$0x1C000] =	vst v63  }
0x12: {  	s30 =	rddreg [dreg:$0x6];
	s31 =	simm.s32 $0x14000;
	s20 =	simm.s32 $0x0  }
0x13: {  	[tilespmem:s31], [sflag:$0x6] =	stream.linear.gather [hbm4b:s30+s2], $0x4000, $0x38;
	[tilespmem:$0x1C000] =	vst v63  }
.LBB2_2:
0x14: {  	p0 =	sgt.u32 s20, $0x3B  }
.Ltmp0:
0x15: {  	_ = 	snop;
	(pc) =	sbr.rel @p0 .LBB2_11-.Ltmp0, $3  }
0x16: {  	_ =	sdelay $0x1  }
0x17: {  	s21 =	sshrl.u32 s20, $0x2  }
0x18: {  	s22 =	sand.u32 $0x3, s20;
	s0 =	sand.u32 $0x1, s21  }
0x19: {  	p0 =	seq.s32 s20, $0x0  }
0x1a: {  	s1 =	sadd.s32 @!p0 $0xFFFFFFFF, s20  }
0x1b: {  	s5 =	sand.u32 @!p0 $0xFF, s1  }
0x1c: {  	s5 =	smul.u32 @!p0 $0xCD, s5;
	_ =	sdelay $0x1  }
0x1d: {  	s5 =	sshrl.u32 @!p0 s5, $0xA  }
0x1e: {  	s5 =	smul.u32 @!p0 $0x5, s5  }
0x1f: {  	s6 =	sadd.s32 $0x4, s20  }
0x20: {  	s7 =	smul.u32 $0xCD, s6;
	s1 =	ssub.s32 @!p0 s1, s5  }
0x21: {  	s1 =	sor.u32 @!p0 $0x8, s1  }
0x22: {  	s29 =	sshrl.u32 s7, $0xA;
	s1 =	sand.u32 @!p0 $0xFF, s1  }
0x23: {  	s5 =	sand.u32 $0x3F, s29;
	_ =	swait.ge @!p0 [sflag:s1], $0x4000  }
0x24: {  	s5 =	smul.u32 $0x5, s5;
	[sflag:s1] =	ssyncset.done @!p0 $0x0  }
0x25: {  	[sflag:s1] =	ssyncadd.s32 @!p0 $0xFFFFC000;
	p0 =	seq.s32 s22, $0x0  }
.Ltmp1:
0x26: {  	s30 =	sshll.u32 s20, $0x14;
	s5 =	ssub.s32 s6, s5;
	(pc) =	sbr.rel @!p0 .LBB2_6-.Ltmp1, $4  }
0x27: {  	s6 =	sshll.u32 s6, $0x9;
	s5 =	sand.u32 $0xFF, s5;
	s1 =	sand.u32 $0x300000, s30  }
0x28: {  	s6 =	sand.u32 $0xF800, s6;
	s31 =	sshll.u32 s5, $0xE;
	s1 =	sadd.s32 s1, s4  }
0x29: {  	s5 =	sadd.s32 $0x3, s5;
	s7 =	sadd.s32 $0x8000, s31;
	s1 =	sadd.s32 s6, s1  }
0x2a: {  	[tilespmem:s7], [sflag:s5] =	stream.linear.gather [hbm4b:s1+s2], $0x4000, $0x38;
	[tilespmem:$0x1C000] =	vst v63  }
.Ltmp2:
0x2b: {  	(pc) =	sbr.rel .LBB2_5-.Ltmp2, $4  }
0x2c: {  	s1 =	sadd.s32 $0x1, s21  }
0x2d: {  	s5 =	sshll.u32 s1, $0xB;
	s1 =	sand.u32 $0x1, s1  }
0x2e: {  	s6 =	sshll.u32 s1, $0xE;
	s1 =	sadd.s32 $0x1, s1;
	s5 =	sadd.s32 s5, s3  }
0x2f: {  	[tilespmem:s6], [sflag:s1] =	stream.linear.gather [hbm4b:s5+s2], $0x4000, $0x38;
	[tilespmem:$0x1C000] =	vst v63  }
.LBB2_11:
0x30: {  	p0 =	seq.s32 s22, $0x0  }
.Ltmp3:
0x31: {  	_ = 	snop;
	(pc) =	sbr.rel @!p0 .LBB2_6-.Ltmp3, $1  }
0x32: {  	_ =	sdelay $0x3  }
.LBB2_5:
0x33: {  	s1 =	sadd.s32 $0x1, s0  }
0x34: {  	_ =	swait.ge [sflag:s1], $0x4000  }
0x35: {  	[sflag:s1] =	ssyncset.done $0x0  }
0x36: {  	[sflag:s1] =	ssyncadd.s32 $0xFFFFC000  }
.LBB2_6:
0x37: {  	s1 =	smul.u32 $0xCD, s20;
	_ =	sdelay $0x1  }
0x38: {  	s1 =	sshrl.u32 s1, $0xA  }
0x39: {  	s1 =	sand.u32 $0x3F, s1  }
0x3a: {  	s1 =	smul.u32 $0x5, s1;
	_ =	sdelay $0x1  }
0x3b: {  	s1 =	ssub.s32 s20, s1  }
0x3c: {  	s23 =	sand.u32 $0xFF, s1  }
0x3d: {  	s30 =	simm.s32 $0x0;
	s5 =	sadd.s32 $0x3, s23  }
0x3e: {  	s14 =	sand.u32 $0x2000, s30;
	s1 =	sshll.u32 s0, $0xE;
	_ =	swait.ge [sflag:s5], $0x4000  }
0x3f: {  	s6 =	sand.u32 $0x200, s30;
	s7 =	sadd.s32 s14, s1;
	[sflag:s5] =	ssyncset.done $0x0  }
0x40: {  	s26 =	sadd.s32 s6, s7;
	[sflag:s5] =	ssyncadd.s32 $0xFFFFC000  }
0x41: {  	v0 =	vld [tilespmem:s26+$0x0]  }
0x42: {  	s15 =	sshll.u32 s23, $0xE  }
0x43: {  	s24 =	sadd.s32 $0x8000, s15  }
0x44: {  	s0 =	sadd.s32 s14, s24  }
0x45: {  	s25 =	sadd.s32 s6, s0  }
0x46: {  	[tilespmem:s25+$0x0] =	vst.add.f32.msk $0xffff, v0  }
0x47: {  	v0 =	vld [tilespmem:s26+$0x10]  }
0x48: {  	s9 =	sor.u32 $0x180, s6  }
0x49: {  	s10 =	sor.u32 $0x80, s6;
	s16 =	sadd.s32 s9, s7  }
0x4a: {  	s28 =	sadd.s32 s10, s7;
	v1 =	vld [tilespmem:s16+$0x0]  }
0x4b: {  	v2 =	vld [tilespmem:s28+$0x0]  }
0x4c: {  	s11 =	sor.u32 $0x100, s6;
	[tilespmem:s25+$0x10] =	vst.add.f32.msk $0xffff, v0  }
0x4d: {  	s29 =	sadd.s32 s11, s7;
	v0 =	vld [tilespmem:s26+$0x20]  }
0x4e: {  	s17 =	sadd.s32 s9, s0;
	v3 =	vld [tilespmem:s29+$0x0]  }
0x4f: {  	s31 =	sadd.s32 s10, s0;
	[tilespmem:s17+$0x0] =	vst.add.f32.msk $0xffff, v1  }
0x50: {  	[tilespmem:s31+$0x0] =	vst.add.f32.msk $0xffff, v2  }
0x51: {  	v1 =	vld [tilespmem:s28+$0x10]  }
0x52: {  	[tilespmem:s25+$0x20] =	vst.add.f32.msk $0xffff, v0  }
0x53: {  	s0 =	sadd.s32 s11, s0;
	v0 =	vld [tilespmem:s26+$0x30]  }
0x54: {  	[tilespmem:s0+$0x0] =	vst.add.f32.msk $0xffff, v3  }
0x55: {  	v2 =	vld [tilespmem:s29+$0x10]  }
0x56: {  	[tilespmem:s31+$0x10] =	vst.add.f32.msk $0xffff, v1  }
0x57: {  	v1 =	vld [tilespmem:s28+$0x20]  }
0x58: {  	[tilespmem:s25+$0x30] =	vst.add.f32.msk $0xffff, v0  }
0x59: {  	v0 =	vld [tilespmem:s26+$0x40]  }
0x5a: {  	[tilespmem:s0+$0x10] =	vst.add.f32.msk $0xffff, v2  }
0x5b: {  	v2 =	vld [tilespmem:s29+$0x20]  }
0x5c: {  	[tilespmem:s31+$0x20] =	vst.add.f32.msk $0xffff, v1  }
0x5d: {  	v1 =	vld [tilespmem:s28+$0x30]  }
0x5e: {  	[tilespmem:s25+$0x40] =	vst.add.f32.msk $0xffff, v0  }
0x5f: {  	v0 =	vld [tilespmem:s26+$0x50]  }
0x60: {  	[tilespmem:s0+$0x20] =	vst.add.f32.msk $0xffff, v2  }
0x61: {  	v2 =	vld [tilespmem:s29+$0x30]  }
0x62: {  	[tilespmem:s31+$0x30] =	vst.add.f32.msk $0xffff, v1  }
0x63: {  	v1 =	vld [tilespmem:s28+$0x40]  }
0x64: {  	[tilespmem:s25+$0x50] =	vst.add.f32.msk $0xffff, v0  }
0x65: {  	v0 =	vld [tilespmem:s26+$0x60]  }
0x66: {  	[tilespmem:s0+$0x30] =	vst.add.f32.msk $0xffff, v2  }
0x67: {  	v2 =	vld [tilespmem:s29+$0x40]  }
0x68: {  	[tilespmem:s31+$0x40] =	vst.add.f32.msk $0xffff, v1  }
0x69: {  	v1 =	vld [tilespmem:s28+$0x50]  }
0x6a: {  	[tilespmem:s25+$0x60] =	vst.add.f32.msk $0xffff, v0  }
0x6b: {  	v0 =	vld [tilespmem:s16+$0x10]  }
0x6c: {  	[tilespmem:s0+$0x40] =	vst.add.f32.msk $0xffff, v2  }
0x6d: {  	v2 =	vld [tilespmem:s29+$0x50]  }
0x6e: {  	[tilespmem:s31+$0x50] =	vst.add.f32.msk $0xffff, v1  }
0x6f: {  	v1 =	vld [tilespmem:s28+$0x60]  }
0x70: {  	[tilespmem:s17+$0x10] =	vst.add.f32.msk $0xffff, v0  }
0x71: {  	v0 =	vld [tilespmem:s16+$0x20]  }
0x72: {  	[tilespmem:s0+$0x50] =	vst.add.f32.msk $0xffff, v2  }
0x73: {  	v2 =	vld [tilespmem:s29+$0x60]  }
0x74: {  	[tilespmem:s31+$0x60] =	vst.add.f32.msk $0xffff, v1  }
0x75: {  	v3 =	vld [tilespmem:s26+$0x70]  }
0x76: {  	[tilespmem:s17+$0x20] =	vst.add.f32.msk $0xffff, v0  }
0x77: {  	v0 =	vld [tilespmem:s16+$0x30]  }
0x78: {  	[tilespmem:s0+$0x60] =	vst.add.f32.msk $0xffff, v2  }
0x79: {  	v1 =	vld [tilespmem:s28+$0x70]  }
0x7a: {  	v2 =	vld [tilespmem:s29+$0x70]  }
0x7b: {  	[tilespmem:s25+$0x70] =	vst.add.f32.msk $0xffff, v3  }
0x7c: {  	[tilespmem:s17+$0x30] =	vst.add.f32.msk $0xffff, v0  }
0x7d: {  	v0 =	vld [tilespmem:s16+$0x40]  }
0x7e: {  	[tilespmem:s31+$0x70] =	vst.add.f32.msk $0xffff, v1  }
0x7f: {  	[tilespmem:s0+$0x70] =	vst.add.f32.msk $0xffff, v2  }
0x80: {  	v1 =	vld [tilespmem:s28+$0x400]  }
0x81: {  	v2 =	vld [tilespmem:s29+$0x400]  }
0x82: {  	[tilespmem:s17+$0x40] =	vst.add.f32.msk $0xffff, v0  }
0x83: {  	v0 =	vld [tilespmem:s16+$0x50]  }
0x84: {  	v3 =	vld [tilespmem:s26+$0x400]  }
0x85: {  	[tilespmem:s31+$0x400] =	vst.add.f32.msk $0xffff, v1  }
0x86: {  	[tilespmem:s0+$0x400] =	vst.add.f32.msk $0xffff, v2  }
0x87: {  	v1 =	vld [tilespmem:s28+$0x410]  }
0x88: {  	[tilespmem:s17+$0x50] =	vst.add.f32.msk $0xffff, v0  }
0x89: {  	v0 =	vld [tilespmem:s16+$0x60]  }
0x8a: {  	[tilespmem:s25+$0x400] =	vst.add.f32.msk $0xffff, v3  }
0x8b: {  	v2 =	vld [tilespmem:s29+$0x410]  }
0x8c: {  	v3 =	vld [tilespmem:s26+$0x410]  }
0x8d: {  	[tilespmem:s31+$0x410] =	vst.add.f32.msk $0xffff, v1  }
0x8e: {  	[tilespmem:s17+$0x60] =	vst.add.f32.msk $0xffff, v0  }
0x8f: {  	v0 =	vld [tilespmem:s16+$0x70]  }
0x90: {  	[tilespmem:s0+$0x410] =	vst.add.f32.msk $0xffff, v2  }
0x91: {  	[tilespmem:s25+$0x410] =	vst.add.f32.msk $0xffff, v3  }
0x92: {  	v1 =	vld [tilespmem:s28+$0x420]  }
0x93: {  	v2 =	vld [tilespmem:s29+$0x420]  }
0x94: {  	[tilespmem:s17+$0x70] =	vst.add.f32.msk $0xffff, v0  }
0x95: {  	v0 =	vld [tilespmem:s16+$0x400]  }
0x96: {  	v3 =	vld [tilespmem:s26+$0x420]  }
0x97: {  	[tilespmem:s31+$0x420] =	vst.add.f32.msk $0xffff, v1  }
0x98: {  	[tilespmem:s0+$0x420] =	vst.add.f32.msk $0xffff, v2  }
0x99: {  	v1 =	vld [tilespmem:s28+$0x430]  }
0x9a: {  	[tilespmem:s17+$0x400] =	vst.add.f32.msk $0xffff, v0  }
0x9b: {  	v0 =	vld [tilespmem:s16+$0x410]  }
0x9c: {  	[tilespmem:s25+$0x420] =	vst.add.f32.msk $0xffff, v3  }
0x9d: {  	v2 =	vld [tilespmem:s29+$0x430]  }
0x9e: {  	v3 =	vld [tilespmem:s26+$0x430]  }
0x9f: {  	[tilespmem:s31+$0x430] =	vst.add.f32.msk $0xffff, v1  }
0xa0: {  	[tilespmem:s17+$0x410] =	vst.add.f32.msk $0xffff, v0  }
0xa1: {  	v0 =	vld [tilespmem:s16+$0x420]  }
0xa2: {  	[tilespmem:s0+$0x430] =	vst.add.f32.msk $0xffff, v2  }
0xa3: {  	[tilespmem:s25+$0x430] =	vst.add.f32.msk $0xffff, v3  }
0xa4: {  	v1 =	vld [tilespmem:s28+$0x440]  }
0xa5: {  	v2 =	vld [tilespmem:s29+$0x440]  }
0xa6: {  	[tilespmem:s17+$0x420] =	vst.add.f32.msk $0xffff, v0  }
0xa7: {  	v0 =	vld [tilespmem:s16+$0x430]  }
0xa8: {  	v3 =	vld [tilespmem:s26+$0x440]  }
0xa9: {  	[tilespmem:s31+$0x440] =	vst.add.f32.msk $0xffff, v1  }
0xaa: {  	[tilespmem:s0+$0x440] =	vst.add.f32.msk $0xffff, v2  }
0xab: {  	v1 =	vld [tilespmem:s28+$0x450]  }
0xac: {  	[tilespmem:s17+$0x430] =	vst.add.f32.msk $0xffff, v0  }
0xad: {  	v0 =	vld [tilespmem:s16+$0x440]  }
0xae: {  	[tilespmem:s25+$0x440] =	vst.add.f32.msk $0xffff, v3  }
0xaf: {  	v2 =	vld [tilespmem:s29+$0x450]  }
0xb0: {  	v3 =	vld [tilespmem:s26+$0x450]  }
0xb1: {  	[tilespmem:s31+$0x450] =	vst.add.f32.msk $0xffff, v1  }
0xb2: {  	[tilespmem:s17+$0x440] =	vst.add.f32.msk $0xffff, v0  }
0xb3: {  	v0 =	vld [tilespmem:s16+$0x450]  }
0xb4: {  	[tilespmem:s0+$0x450] =	vst.add.f32.msk $0xffff, v2  }
0xb5: {  	[tilespmem:s25+$0x450] =	vst.add.f32.msk $0xffff, v3  }
0xb6: {  	v1 =	vld [tilespmem:s28+$0x460]  }
0xb7: {  	v2 =	vld [tilespmem:s29+$0x460]  }
0xb8: {  	[tilespmem:s17+$0x450] =	vst.add.f32.msk $0xffff, v0  }
0xb9: {  	v0 =	vld [tilespmem:s16+$0x460]  }
0xba: {  	v3 =	vld [tilespmem:s26+$0x460]  }
0xbb: {  	[tilespmem:s31+$0x460] =	vst.add.f32.msk $0xffff, v1  }
0xbc: {  	[tilespmem:s0+$0x460] =	vst.add.f32.msk $0xffff, v2  }
0xbd: {  	v1 =	vld [tilespmem:s28+$0x470]  }
0xbe: {  	[tilespmem:s17+$0x460] =	vst.add.f32.msk $0xffff, v0  }
0xbf: {  	v0 =	vld [tilespmem:s16+$0x470]  }
0xc0: {  	[tilespmem:s25+$0x460] =	vst.add.f32.msk $0xffff, v3  }
0xc1: {  	v2 =	vld [tilespmem:s29+$0x470]  }
0xc2: {  	v3 =	vld [tilespmem:s26+$0x470]  }
0xc3: {  	[tilespmem:s31+$0x470] =	vst.add.f32.msk $0xffff, v1  }
0xc4: {  	[tilespmem:s17+$0x470] =	vst.add.f32.msk $0xffff, v0  }
0xc5: {  	v0 =	vld [tilespmem:s16+$0x800]  }
0xc6: {  	[tilespmem:s0+$0x470] =	vst.add.f32.msk $0xffff, v2  }
0xc7: {  	[tilespmem:s25+$0x470] =	vst.add.f32.msk $0xffff, v3  }
0xc8: {  	v1 =	vld [tilespmem:s28+$0x800]  }
0xc9: {  	v2 =	vld [tilespmem:s29+$0x800]  }
0xca: {  	[tilespmem:s17+$0x800] =	vst.add.f32.msk $0xffff, v0  }
0xcb: {  	v0 =	vld [tilespmem:s16+$0x810]  }
0xcc: {  	v3 =	vld [tilespmem:s26+$0x800]  }
0xcd: {  	[tilespmem:s31+$0x800] =	vst.add.f32.msk $0xffff, v1  }
0xce: {  	[tilespmem:s0+$0x800] =	vst.add.f32.msk $0xffff, v2  }
0xcf: {  	v1 =	vld [tilespmem:s28+$0x810]  }
0xd0: {  	[tilespmem:s17+$0x810] =	vst.add.f32.msk $0xffff, v0  }
0xd1: {  	v0 =	vld [tilespmem:s16+$0x820]  }
0xd2: {  	[tilespmem:s25+$0x800] =	vst.add.f32.msk $0xffff, v3  }
0xd3: {  	v2 =	vld [tilespmem:s29+$0x810]  }
0xd4: {  	v3 =	vld [tilespmem:s26+$0x810]  }
0xd5: {  	[tilespmem:s31+$0x810] =	vst.add.f32.msk $0xffff, v1  }
0xd6: {  	[tilespmem:s17+$0x820] =	vst.add.f32.msk $0xffff, v0  }
0xd7: {  	v0 =	vld [tilespmem:s16+$0x830]  }
0xd8: {  	[tilespmem:s0+$0x810] =	vst.add.f32.msk $0xffff, v2  }
0xd9: {  	[tilespmem:s25+$0x810] =	vst.add.f32.msk $0xffff, v3  }
0xda: {  	v1 =	vld [tilespmem:s28+$0x820]  }
0xdb: {  	v2 =	vld [tilespmem:s29+$0x820]  }
0xdc: {  	[tilespmem:s17+$0x830] =	vst.add.f32.msk $0xffff, v0  }
0xdd: {  	v0 =	vld [tilespmem:s16+$0x840]  }
0xde: {  	v3 =	vld [tilespmem:s26+$0x820]  }
0xdf: {  	[tilespmem:s31+$0x820] =	vst.add.f32.msk $0xffff, v1  }
0xe0: {  	[tilespmem:s0+$0x820] =	vst.add.f32.msk $0xffff, v2  }
0xe1: {  	v1 =	vld [tilespmem:s28+$0x830]  }
0xe2: {  	[tilespmem:s17+$0x840] =	vst.add.f32.msk $0xffff, v0  }
0xe3: {  	v0 =	vld [tilespmem:s16+$0x850]  }
0xe4: {  	[tilespmem:s25+$0x820] =	vst.add.f32.msk $0xffff, v3  }
0xe5: {  	v2 =	vld [tilespmem:s29+$0x830]  }
0xe6: {  	v3 =	vld [tilespmem:s26+$0x830]  }
0xe7: {  	[tilespmem:s31+$0x830] =	vst.add.f32.msk $0xffff, v1  }
0xe8: {  	[tilespmem:s17+$0x850] =	vst.add.f32.msk $0xffff, v0  }
0xe9: {  	v0 =	vld [tilespmem:s16+$0x860]  }
0xea: {  	[tilespmem:s0+$0x830] =	vst.add.f32.msk $0xffff, v2  }
0xeb: {  	[tilespmem:s25+$0x830] =	vst.add.f32.msk $0xffff, v3  }
0xec: {  	v1 =	vld [tilespmem:s28+$0x840]  }
0xed: {  	v2 =	vld [tilespmem:s29+$0x840]  }
0xee: {  	[tilespmem:s17+$0x860] =	vst.add.f32.msk $0xffff, v0  }
0xef: {  	v0 =	vld [tilespmem:s16+$0x870]  }
0xf0: {  	v3 =	vld [tilespmem:s26+$0x840]  }
0xf1: {  	[tilespmem:s31+$0x840] =	vst.add.f32.msk $0xffff, v1  }
0xf2: {  	[tilespmem:s0+$0x840] =	vst.add.f32.msk $0xffff, v2  }
0xf3: {  	v1 =	vld [tilespmem:s28+$0x850]  }
0xf4: {  	[tilespmem:s17+$0x870] =	vst.add.f32.msk $0xffff, v0  }
0xf5: {  	v0 =	vld [tilespmem:s16+$0xC00]  }
0xf6: {  	[tilespmem:s25+$0x840] =	vst.add.f32.msk $0xffff, v3  }
0xf7: {  	v2 =	vld [tilespmem:s29+$0x850]  }
0xf8: {  	v3 =	vld [tilespmem:s26+$0x850]  }
0xf9: {  	[tilespmem:s31+$0x850] =	vst.add.f32.msk $0xffff, v1  }
0xfa: {  	[tilespmem:s17+$0xC00] =	vst.add.f32.msk $0xffff, v0  }
0xfb: {  	v0 =	vld [tilespmem:s16+$0xC10]  }
0xfc: {  	[tilespmem:s0+$0x850] =	vst.add.f32.msk $0xffff, v2  }
0xfd: {  	[tilespmem:s25+$0x850] =	vst.add.f32.msk $0xffff, v3  }
0xfe: {  	v1 =	vld [tilespmem:s28+$0x860]  }
0xff: {  	v2 =	vld [tilespmem:s29+$0x860]  }
0x100: {  	[tilespmem:s17+$0xC10] =	vst.add.f32.msk $0xffff, v0  }
0x101: {  	v0 =	vld [tilespmem:s16+$0xC20]  }
0x102: {  	v3 =	vld [tilespmem:s26+$0x860]  }
0x103: {  	[tilespmem:s31+$0x860] =	vst.add.f32.msk $0xffff, v1  }
0x104: {  	[tilespmem:s0+$0x860] =	vst.add.f32.msk $0xffff, v2  }
0x105: {  	v1 =	vld [tilespmem:s28+$0x870]  }
0x106: {  	[tilespmem:s17+$0xC20] =	vst.add.f32.msk $0xffff, v0  }
0x107: {  	v0 =	vld [tilespmem:s16+$0xC30]  }
0x108: {  	[tilespmem:s25+$0x860] =	vst.add.f32.msk $0xffff, v3  }
0x109: {  	v2 =	vld [tilespmem:s29+$0x870]  }
0x10a: {  	v3 =	vld [tilespmem:s26+$0x870]  }
0x10b: {  	[tilespmem:s31+$0x870] =	vst.add.f32.msk $0xffff, v1  }
0x10c: {  	[tilespmem:s17+$0xC30] =	vst.add.f32.msk $0xffff, v0  }
0x10d: {  	v0 =	vld [tilespmem:s16+$0xC40]  }
0x10e: {  	[tilespmem:s0+$0x870] =	vst.add.f32.msk $0xffff, v2  }
0x10f: {  	[tilespmem:s25+$0x870] =	vst.add.f32.msk $0xffff, v3  }
0x110: {  	v1 =	vld [tilespmem:s28+$0xC00]  }
0x111: {  	v2 =	vld [tilespmem:s29+$0xC00]  }
0x112: {  	[tilespmem:s17+$0xC40] =	vst.add.f32.msk $0xffff, v0  }
0x113: {  	v0 =	vld [tilespmem:s16+$0xC50]  }
0x114: {  	v3 =	vld [tilespmem:s26+$0xC00]  }
0x115: {  	[tilespmem:s31+$0xC00] =	vst.add.f32.msk $0xffff, v1  }
0x116: {  	[tilespmem:s0+$0xC00] =	vst.add.f32.msk $0xffff, v2  }
0x117: {  	v1 =	vld [tilespmem:s28+$0xC10]  }
0x118: {  	[tilespmem:s17+$0xC50] =	vst.add.f32.msk $0xffff, v0  }
0x119: {  	v0 =	vld [tilespmem:s16+$0xC60]  }
0x11a: {  	[tilespmem:s25+$0xC00] =	vst.add.f32.msk $0xffff, v3  }
0x11b: {  	v2 =	vld [tilespmem:s29+$0xC10]  }
0x11c: {  	v3 =	vld [tilespmem:s26+$0xC10]  }
0x11d: {  	[tilespmem:s31+$0xC10] =	vst.add.f32.msk $0xffff, v1  }
0x11e: {  	[tilespmem:s17+$0xC60] =	vst.add.f32.msk $0xffff, v0  }
0x11f: {  	v0 =	vld [tilespmem:s16+$0xC70]  }
0x120: {  	[tilespmem:s0+$0xC10] =	vst.add.f32.msk $0xffff, v2  }
0x121: {  	[tilespmem:s25+$0xC10] =	vst.add.f32.msk $0xffff, v3  }
0x122: {  	v1 =	vld [tilespmem:s28+$0xC20]  }
0x123: {  	v2 =	vld [tilespmem:s29+$0xC20]  }
0x124: {  	[tilespmem:s17+$0xC70] =	vst.add.f32.msk $0xffff, v0  }
0x125: {  	v0 =	vld [tilespmem:s16+$0x1000]  }
0x126: {  	v3 =	vld [tilespmem:s26+$0xC20]  }
0x127: {  	[tilespmem:s31+$0xC20] =	vst.add.f32.msk $0xffff, v1  }
0x128: {  	[tilespmem:s0+$0xC20] =	vst.add.f32.msk $0xffff, v2  }
0x129: {  	v1 =	vld [tilespmem:s28+$0xC30]  }
0x12a: {  	[tilespmem:s17+$0x1000] =	vst.add.f32.msk $0xffff, v0  }
0x12b: {  	v0 =	vld [tilespmem:s16+$0x1010]  }
0x12c: {  	[tilespmem:s25+$0xC20] =	vst.add.f32.msk $0xffff, v3  }
0x12d: {  	v2 =	vld [tilespmem:s29+$0xC30]  }
0x12e: {  	v3 =	vld [tilespmem:s26+$0xC30]  }
0x12f: {  	[tilespmem:s31+$0xC30] =	vst.add.f32.msk $0xffff, v1  }
0x130: {  	[tilespmem:s17+$0x1010] =	vst.add.f32.msk $0xffff, v0  }
0x131: {  	v0 =	vld [tilespmem:s16+$0x1020]  }
0x132: {  	[tilespmem:s0+$0xC30] =	vst.add.f32.msk $0xffff, v2  }
0x133: {  	[tilespmem:s25+$0xC30] =	vst.add.f32.msk $0xffff, v3  }
0x134: {  	v1 =	vld [tilespmem:s28+$0xC40]  }
0x135: {  	v2 =	vld [tilespmem:s29+$0xC40]  }
0x136: {  	[tilespmem:s17+$0x1020] =	vst.add.f32.msk $0xffff, v0  }
0x137: {  	v0 =	vld [tilespmem:s16+$0x1030]  }
0x138: {  	v3 =	vld [tilespmem:s26+$0xC40]  }
0x139: {  	[tilespmem:s31+$0xC40] =	vst.add.f32.msk $0xffff, v1  }
0x13a: {  	[tilespmem:s0+$0xC40] =	vst.add.f32.msk $0xffff, v2  }
0x13b: {  	v1 =	vld [tilespmem:s28+$0xC50]  }
0x13c: {  	[tilespmem:s17+$0x1030] =	vst.add.f32.msk $0xffff, v0  }
0x13d: {  	v0 =	vld [tilespmem:s16+$0x1040]  }
0x13e: {  	[tilespmem:s25+$0xC40] =	vst.add.f32.msk $0xffff, v3  }
0x13f: {  	v2 =	vld [tilespmem:s29+$0xC50]  }
0x140: {  	v3 =	vld [tilespmem:s26+$0xC50]  }
0x141: {  	[tilespmem:s31+$0xC50] =	vst.add.f32.msk $0xffff, v1  }
0x142: {  	[tilespmem:s17+$0x1040] =	vst.add.f32.msk $0xffff, v0  }
0x143: {  	v0 =	vld [tilespmem:s16+$0x1050]  }
0x144: {  	[tilespmem:s0+$0xC50] =	vst.add.f32.msk $0xffff, v2  }
0x145: {  	[tilespmem:s25+$0xC50] =	vst.add.f32.msk $0xffff, v3  }
0x146: {  	v1 =	vld [tilespmem:s28+$0xC60]  }
0x147: {  	v2 =	vld [tilespmem:s29+$0xC60]  }
0x148: {  	[tilespmem:s17+$0x1050] =	vst.add.f32.msk $0xffff, v0  }
0x149: {  	v0 =	vld [tilespmem:s16+$0x1060]  }
0x14a: {  	v3 =	vld [tilespmem:s26+$0xC60]  }
0x14b: {  	[tilespmem:s31+$0xC60] =	vst.add.f32.msk $0xffff, v1  }
0x14c: {  	[tilespmem:s0+$0xC60] =	vst.add.f32.msk $0xffff, v2  }
0x14d: {  	v1 =	vld [tilespmem:s28+$0xC70]  }
0x14e: {  	[tilespmem:s17+$0x1060] =	vst.add.f32.msk $0xffff, v0  }
0x14f: {  	v0 =	vld [tilespmem:s16+$0x1070]  }
0x150: {  	[tilespmem:s25+$0xC60] =	vst.add.f32.msk $0xffff, v3  }
0x151: {  	v2 =	vld [tilespmem:s29+$0xC70]  }
0x152: {  	[tilespmem:s31+$0xC70] =	vst.add.f32.msk $0xffff, v1  }
0x153: {  	v1 =	vld [tilespmem:s28+$0x1000]  }
0x154: {  	[tilespmem:s17+$0x1070] =	vst.add.f32.msk $0xffff, v0  }
0x155: {  	v0 =	vld [tilespmem:s16+$0x1400]  }
0x156: {  	[tilespmem:s0+$0xC70] =	vst.add.f32.msk $0xffff, v2  }
0x157: {  	v2 =	vld [tilespmem:s29+$0x1000]  }
0x158: {  	[tilespmem:s31+$0x1000] =	vst.add.f32.msk $0xffff, v1  }
0x159: {  	v1 =	vld [tilespmem:s28+$0x1010]  }
0x15a: {  	[tilespmem:s17+$0x1400] =	vst.add.f32.msk $0xffff, v0  }
0x15b: {  	v0 =	vld [tilespmem:s16+$0x1410]  }
0x15c: {  	[tilespmem:s0+$0x1000] =	vst.add.f32.msk $0xffff, v2  }
0x15d: {  	v2 =	vld [tilespmem:s29+$0x1010]  }
0x15e: {  	[tilespmem:s31+$0x1010] =	vst.add.f32.msk $0xffff, v1  }
0x15f: {  	v1 =	vld [tilespmem:s28+$0x1020]  }
0x160: {  	[tilespmem:s17+$0x1410] =	vst.add.f32.msk $0xffff, v0  }
0x161: {  	v0 =	vld [tilespmem:s16+$0x1420]  }
0x162: {  	[tilespmem:s0+$0x1010] =	vst.add.f32.msk $0xffff, v2  }
0x163: {  	v2 =	vld [tilespmem:s29+$0x1020]  }
0x164: {  	[tilespmem:s31+$0x1020] =	vst.add.f32.msk $0xffff, v1  }
0x165: {  	v1 =	vld [tilespmem:s28+$0x1030]  }
0x166: {  	[tilespmem:s17+$0x1420] =	vst.add.f32.msk $0xffff, v0  }
0x167: {  	v0 =	vld [tilespmem:s16+$0x1430]  }
0x168: {  	[tilespmem:s0+$0x1020] =	vst.add.f32.msk $0xffff, v2  }
0x169: {  	v2 =	vld [tilespmem:s29+$0x1030]  }
0x16a: {  	[tilespmem:s31+$0x1030] =	vst.add.f32.msk $0xffff, v1  }
0x16b: {  	v1 =	vld [tilespmem:s28+$0x1040]  }
0x16c: {  	[tilespmem:s17+$0x1430] =	vst.add.f32.msk $0xffff, v0  }
0x16d: {  	v0 =	vld [tilespmem:s16+$0x1440]  }
0x16e: {  	[tilespmem:s0+$0x1030] =	vst.add.f32.msk $0xffff, v2  }
0x16f: {  	v2 =	vld [tilespmem:s29+$0x1040]  }
0x170: {  	v3 =	vld [tilespmem:s26+$0xC70]  }
0x171: {  	[tilespmem:s31+$0x1040] =	vst.add.f32.msk $0xffff, v1  }
0x172: {  	[tilespmem:s17+$0x1440] =	vst.add.f32.msk $0xffff, v0  }
0x173: {  	v0 =	vld [tilespmem:s16+$0x1450]  }
0x174: {  	[tilespmem:s0+$0x1040] =	vst.add.f32.msk $0xffff, v2  }
0x175: {  	v1 =	vld [tilespmem:s28+$0x1050]  }
0x176: {  	v2 =	vld [tilespmem:s29+$0x1050]  }
0x177: {  	[tilespmem:s25+$0xC70] =	vst.add.f32.msk $0xffff, v3  }
0x178: {  	[tilespmem:s17+$0x1450] =	vst.add.f32.msk $0xffff, v0  }
0x179: {  	v0 =	vld [tilespmem:s16+$0x1460]  }
0x17a: {  	[tilespmem:s31+$0x1050] =	vst.add.f32.msk $0xffff, v1  }
0x17b: {  	[tilespmem:s0+$0x1050] =	vst.add.f32.msk $0xffff, v2  }
0x17c: {  	v1 =	vld [tilespmem:s28+$0x1060]  }
0x17d: {  	v2 =	vld [tilespmem:s29+$0x1060]  }
0x17e: {  	[tilespmem:s17+$0x1460] =	vst.add.f32.msk $0xffff, v0  }
0x17f: {  	v0 =	vld [tilespmem:s16+$0x1470]  }
0x180: {  	v3 =	vld [tilespmem:s26+$0x1000]  }
0x181: {  	[tilespmem:s31+$0x1060] =	vst.add.f32.msk $0xffff, v1  }
0x182: {  	[tilespmem:s0+$0x1060] =	vst.add.f32.msk $0xffff, v2  }
0x183: {  	v1 =	vld [tilespmem:s29+$0x1070]  }
0x184: {  	[tilespmem:s17+$0x1470] =	vst.add.f32.msk $0xffff, v0  }
0x185: {  	v0 =	vld [tilespmem:s16+$0x1800]  }
0x186: {  	[tilespmem:s25+$0x1000] =	vst.add.f32.msk $0xffff, v3  }
0x187: {  	v3 =	vld [tilespmem:s26+$0x1010]  }
0x188: {  	[tilespmem:s0+$0x1070] =	vst.add.f32.msk $0xffff, v1  }
0x189: {  	v1 =	vld [tilespmem:s29+$0x1400]  }
0x18a: {  	[tilespmem:s17+$0x1800] =	vst.add.f32.msk $0xffff, v0  }
0x18b: {  	v0 =	vld [tilespmem:s16+$0x1810]  }
0x18c: {  	[tilespmem:s25+$0x1010] =	vst.add.f32.msk $0xffff, v3  }
0x18d: {  	v3 =	vld [tilespmem:s26+$0x1020]  }
0x18e: {  	[tilespmem:s0+$0x1400] =	vst.add.f32.msk $0xffff, v1  }
0x18f: {  	v1 =	vld [tilespmem:s29+$0x1410]  }
0x190: {  	[tilespmem:s17+$0x1810] =	vst.add.f32.msk $0xffff, v0  }
0x191: {  	v0 =	vld [tilespmem:s16+$0x1820]  }
0x192: {  	[tilespmem:s25+$0x1020] =	vst.add.f32.msk $0xffff, v3  }
0x193: {  	v3 =	vld [tilespmem:s26+$0x1030]  }
0x194: {  	[tilespmem:s0+$0x1410] =	vst.add.f32.msk $0xffff, v1  }
0x195: {  	v1 =	vld [tilespmem:s29+$0x1420]  }
0x196: {  	[tilespmem:s17+$0x1820] =	vst.add.f32.msk $0xffff, v0  }
0x197: {  	v0 =	vld [tilespmem:s16+$0x1830]  }
0x198: {  	[tilespmem:s25+$0x1030] =	vst.add.f32.msk $0xffff, v3  }
0x199: {  	v3 =	vld [tilespmem:s26+$0x1040]  }
0x19a: {  	[tilespmem:s0+$0x1420] =	vst.add.f32.msk $0xffff, v1  }
0x19b: {  	v1 =	vld [tilespmem:s29+$0x1430]  }
0x19c: {  	[tilespmem:s17+$0x1830] =	vst.add.f32.msk $0xffff, v0  }
0x19d: {  	v0 =	vld [tilespmem:s16+$0x1840]  }
0x19e: {  	[tilespmem:s25+$0x1040] =	vst.add.f32.msk $0xffff, v3  }
0x19f: {  	v3 =	vld [tilespmem:s26+$0x1050]  }
0x1a0: {  	[tilespmem:s0+$0x1430] =	vst.add.f32.msk $0xffff, v1  }
0x1a1: {  	v1 =	vld [tilespmem:s29+$0x1440]  }
0x1a2: {  	[tilespmem:s17+$0x1840] =	vst.add.f32.msk $0xffff, v0  }
0x1a3: {  	v0 =	vld [tilespmem:s16+$0x1850]  }
0x1a4: {  	[tilespmem:s25+$0x1050] =	vst.add.f32.msk $0xffff, v3  }
0x1a5: {  	v3 =	vld [tilespmem:s26+$0x1060]  }
0x1a6: {  	[tilespmem:s0+$0x1440] =	vst.add.f32.msk $0xffff, v1  }
0x1a7: {  	v1 =	vld [tilespmem:s29+$0x1450]  }
0x1a8: {  	[tilespmem:s17+$0x1850] =	vst.add.f32.msk $0xffff, v0  }
0x1a9: {  	v0 =	vld [tilespmem:s16+$0x1860]  }
0x1aa: {  	[tilespmem:s25+$0x1060] =	vst.add.f32.msk $0xffff, v3  }
0x1ab: {  	v3 =	vld [tilespmem:s26+$0x1070]  }
0x1ac: {  	[tilespmem:s0+$0x1450] =	vst.add.f32.msk $0xffff, v1  }
0x1ad: {  	v1 =	vld [tilespmem:s29+$0x1460]  }
0x1ae: {  	[tilespmem:s17+$0x1860] =	vst.add.f32.msk $0xffff, v0  }
0x1af: {  	v0 =	vld [tilespmem:s28+$0x1070]  }
0x1b0: {  	[tilespmem:s25+$0x1070] =	vst.add.f32.msk $0xffff, v3  }
0x1b1: {  	v2 =	vld [tilespmem:s16+$0x1870]  }
0x1b2: {  	[tilespmem:s0+$0x1460] =	vst.add.f32.msk $0xffff, v1  }
0x1b3: {  	v1 =	vld [tilespmem:s29+$0x1470]  }
0x1b4: {  	[tilespmem:s31+$0x1070] =	vst.add.f32.msk $0xffff, v0  }
0x1b5: {  	v0 =	vld [tilespmem:s28+$0x1400]  }
0x1b6: {  	[tilespmem:s17+$0x1870] =	vst.add.f32.msk $0xffff, v2  }
0x1b7: {  	v2 =	vld [tilespmem:s26+$0x1400]  }
0x1b8: {  	[tilespmem:s0+$0x1470] =	vst.add.f32.msk $0xffff, v1  }
0x1b9: {  	v1 =	vld [tilespmem:s29+$0x1800]  }
0x1ba: {  	[tilespmem:s31+$0x1400] =	vst.add.f32.msk $0xffff, v0  }
0x1bb: {  	v0 =	vld [tilespmem:s28+$0x1410]  }
0x1bc: {  	[tilespmem:s25+$0x1400] =	vst.add.f32.msk $0xffff, v2  }
0x1bd: {  	v2 =	vld [tilespmem:s26+$0x1410]  }
0x1be: {  	[tilespmem:s0+$0x1800] =	vst.add.f32.msk $0xffff, v1  }
0x1bf: {  	v1 =	vld [tilespmem:s29+$0x1810]  }
0x1c0: {  	[tilespmem:s31+$0x1410] =	vst.add.f32.msk $0xffff, v0  }
0x1c1: {  	v0 =	vld [tilespmem:s28+$0x1420]  }
0x1c2: {  	[tilespmem:s25+$0x1410] =	vst.add.f32.msk $0xffff, v2  }
0x1c3: {  	v2 =	vld [tilespmem:s26+$0x1420]  }
0x1c4: {  	[tilespmem:s0+$0x1810] =	vst.add.f32.msk $0xffff, v1  }
0x1c5: {  	v1 =	vld [tilespmem:s29+$0x1820]  }
0x1c6: {  	[tilespmem:s31+$0x1420] =	vst.add.f32.msk $0xffff, v0  }
0x1c7: {  	v0 =	vld [tilespmem:s28+$0x1430]  }
0x1c8: {  	[tilespmem:s25+$0x1420] =	vst.add.f32.msk $0xffff, v2  }
0x1c9: {  	v2 =	vld [tilespmem:s26+$0x1430]  }
0x1ca: {  	[tilespmem:s0+$0x1820] =	vst.add.f32.msk $0xffff, v1  }
0x1cb: {  	v1 =	vld [tilespmem:s29+$0x1830]  }
0x1cc: {  	[tilespmem:s31+$0x1430] =	vst.add.f32.msk $0xffff, v0  }
0x1cd: {  	v0 =	vld [tilespmem:s28+$0x1440]  }
0x1ce: {  	[tilespmem:s25+$0x1430] =	vst.add.f32.msk $0xffff, v2  }
0x1cf: {  	v2 =	vld [tilespmem:s26+$0x1440]  }
0x1d0: {  	[tilespmem:s0+$0x1830] =	vst.add.f32.msk $0xffff, v1  }
0x1d1: {  	v1 =	vld [tilespmem:s29+$0x1840]  }
0x1d2: {  	[tilespmem:s31+$0x1440] =	vst.add.f32.msk $0xffff, v0  }
0x1d3: {  	v0 =	vld [tilespmem:s28+$0x1450]  }
0x1d4: {  	[tilespmem:s25+$0x1440] =	vst.add.f32.msk $0xffff, v2  }
0x1d5: {  	v2 =	vld [tilespmem:s26+$0x1450]  }
0x1d6: {  	[tilespmem:s0+$0x1840] =	vst.add.f32.msk $0xffff, v1  }
0x1d7: {  	v1 =	vld [tilespmem:s29+$0x1850]  }
0x1d8: {  	[tilespmem:s31+$0x1450] =	vst.add.f32.msk $0xffff, v0  }
0x1d9: {  	v0 =	vld [tilespmem:s28+$0x1460]  }
0x1da: {  	[tilespmem:s25+$0x1450] =	vst.add.f32.msk $0xffff, v2  }
0x1db: {  	v2 =	vld [tilespmem:s26+$0x1460]  }
0x1dc: {  	[tilespmem:s0+$0x1850] =	vst.add.f32.msk $0xffff, v1  }
0x1dd: {  	v1 =	vld [tilespmem:s29+$0x1860]  }
0x1de: {  	[tilespmem:s31+$0x1460] =	vst.add.f32.msk $0xffff, v0  }
0x1df: {  	v0 =	vld [tilespmem:s28+$0x1470]  }
0x1e0: {  	[tilespmem:s25+$0x1460] =	vst.add.f32.msk $0xffff, v2  }
0x1e1: {  	v2 =	vld [tilespmem:s26+$0x1470]  }
0x1e2: {  	[tilespmem:s0+$0x1860] =	vst.add.f32.msk $0xffff, v1  }
0x1e3: {  	v1 =	vld [tilespmem:s29+$0x1870]  }
0x1e4: {  	[tilespmem:s31+$0x1470] =	vst.add.f32.msk $0xffff, v0  }
0x1e5: {  	v0 =	vld [tilespmem:s28+$0x1800]  }
0x1e6: {  	[tilespmem:s25+$0x1470] =	vst.add.f32.msk $0xffff, v2  }
0x1e7: {  	v2 =	vld [tilespmem:s26+$0x1800]  }
0x1e8: {  	[tilespmem:s0+$0x1870] =	vst.add.f32.msk $0xffff, v1  }
0x1e9: {  	v3 =	vld [tilespmem:s16+$0x1C00]  }
0x1ea: {  	[tilespmem:s31+$0x1800] =	vst.add.f32.msk $0xffff, v0  }
0x1eb: {  	v0 =	vld [tilespmem:s28+$0x1810]  }
0x1ec: {  	[tilespmem:s25+$0x1800] =	vst.add.f32.msk $0xffff, v2  }
0x1ed: {  	v2 =	vld [tilespmem:s26+$0x1810]  }
0x1ee: {  	[tilespmem:s17+$0x1C00] =	vst.add.f32.msk $0xffff, v3  }
0x1ef: {  	v3 =	vld [tilespmem:s16+$0x1C10]  }
0x1f0: {  	[tilespmem:s31+$0x1810] =	vst.add.f32.msk $0xffff, v0  }
0x1f1: {  	v0 =	vld [tilespmem:s28+$0x1820]  }
0x1f2: {  	[tilespmem:s25+$0x1810] =	vst.add.f32.msk $0xffff, v2  }
0x1f3: {  	v2 =	vld [tilespmem:s26+$0x1820]  }
0x1f4: {  	[tilespmem:s17+$0x1C10] =	vst.add.f32.msk $0xffff, v3  }
0x1f5: {  	v3 =	vld [tilespmem:s16+$0x1C20]  }
0x1f6: {  	[tilespmem:s31+$0x1820] =	vst.add.f32.msk $0xffff, v0  }
0x1f7: {  	v0 =	vld [tilespmem:s28+$0x1830]  }
0x1f8: {  	[tilespmem:s25+$0x1820] =	vst.add.f32.msk $0xffff, v2  }
0x1f9: {  	v2 =	vld [tilespmem:s26+$0x1830]  }
0x1fa: {  	[tilespmem:s17+$0x1C20] =	vst.add.f32.msk $0xffff, v3  }
0x1fb: {  	v3 =	vld [tilespmem:s16+$0x1C30]  }
0x1fc: {  	[tilespmem:s31+$0x1830] =	vst.add.f32.msk $0xffff, v0  }
0x1fd: {  	v0 =	vld [tilespmem:s28+$0x1840]  }
0x1fe: {  	[tilespmem:s25+$0x1830] =	vst.add.f32.msk $0xffff, v2  }
0x1ff: {  	v2 =	vld [tilespmem:s26+$0x1840]  }
0x200: {  	[tilespmem:s17+$0x1C30] =	vst.add.f32.msk $0xffff, v3  }
0x201: {  	v3 =	vld [tilespmem:s16+$0x1C40]  }
0x202: {  	[tilespmem:s31+$0x1840] =	vst.add.f32.msk $0xffff, v0  }
0x203: {  	v0 =	vld [tilespmem:s28+$0x1850]  }
0x204: {  	[tilespmem:s25+$0x1840] =	vst.add.f32.msk $0xffff, v2  }
0x205: {  	v2 =	vld [tilespmem:s26+$0x1850]  }
0x206: {  	[tilespmem:s17+$0x1C40] =	vst.add.f32.msk $0xffff, v3  }
0x207: {  	v3 =	vld [tilespmem:s16+$0x1C50]  }
0x208: {  	[tilespmem:s31+$0x1850] =	vst.add.f32.msk $0xffff, v0  }
0x209: {  	v0 =	vld [tilespmem:s28+$0x1860]  }
0x20a: {  	[tilespmem:s25+$0x1850] =	vst.add.f32.msk $0xffff, v2  }
0x20b: {  	v2 =	vld [tilespmem:s26+$0x1860]  }
0x20c: {  	[tilespmem:s17+$0x1C50] =	vst.add.f32.msk $0xffff, v3  }
0x20d: {  	v3 =	vld [tilespmem:s16+$0x1C60]  }
0x20e: {  	[tilespmem:s31+$0x1860] =	vst.add.f32.msk $0xffff, v0  }
0x20f: {  	v0 =	vld [tilespmem:s28+$0x1870]  }
0x210: {  	[tilespmem:s25+$0x1860] =	vst.add.f32.msk $0xffff, v2  }
0x211: {  	v2 =	vld [tilespmem:s26+$0x1870]  }
0x212: {  	[tilespmem:s17+$0x1C60] =	vst.add.f32.msk $0xffff, v3  }
0x213: {  	v3 =	vld [tilespmem:s16+$0x1C70]  }
0x214: {  	[tilespmem:s31+$0x1870] =	vst.add.f32.msk $0xffff, v0  }
0x215: {  	v0 =	vld [tilespmem:s28+$0x1C00]  }
0x216: {  	[tilespmem:s25+$0x1870] =	vst.add.f32.msk $0xffff, v2  }
0x217: {  	v2 =	vld [tilespmem:s29+$0x1C00]  }
0x218: {  	v4 =	vld [tilespmem:s26+$0x1C00]  }
0x219: {  	[tilespmem:s17+$0x1C70] =	vst.add.f32.msk $0xffff, v3  }
0x21a: {  	[tilespmem:s31+$0x1C00] =	vst.add.f32.msk $0xffff, v0  }
0x21b: {  	v1 =	vld [tilespmem:s28+$0x1C10]  }
0x21c: {  	[tilespmem:s0+$0x1C00] =	vst.add.f32.msk $0xffff, v2  }
0x21d: {  	[tilespmem:s25+$0x1C00] =	vst.add.f32.msk $0xffff, v4  }
0x21e: {  	s10 =	simm.s32 $0x0;
	s11 =	simm.s32 $0x1000;
	v0 =	vld [tilespmem:s29+$0x1C10]  }
.LBB2_7:
0x21f: {  	s6 =	sand.u32 $0x2000, s11;
	v2 =	vld [tilespmem:s26+$0x1C10];
	s30 =	sadd.s32 $0x200, s30  }
0x220: {  	s10 =	sadd.s32 $0x4, s10;
	s15 =	sand.u32 $0x200, s30;
	s14 =	sadd.s32 s6, s1;
	[tilespmem:s31+$0x1C10] =	vst.add.f32.msk $0xffff, v1  }
0x221: {  	p0 =	slt.u32 s10, $0xC;
	s5 =	sadd.s32 s15, s14;
	s13 =	sor.u32 $0x80, s15;
	v1 =	vld [tilespmem:s28+$0x1C20]  }
0x222: {  	s17 =	sor.u32 $0x100, s15;
	v3 =	vld [tilespmem:s5+$0x0];
	s9 =	sadd.s32 s13, s14  }
0x223: {  	s7 =	sadd.s32 s17, s14;
	[tilespmem:s0+$0x1C10] =	vst.add.f32.msk $0xffff, v0  }
0x224: {  	[tilespmem:s25+$0x1C10] =	vst.add.f32.msk $0xffff, v2  }
0x225: {  	s16 =	sadd.s32 s6, s24;
	v0 =	vld [tilespmem:s29+$0x1C20]  }
0x226: {  	s12 =	sadd.s32 s15, s16;
	s6 =	sadd.s32 s13, s16;
	s13 =	sadd.s32 s17, s16;
	v2 =	vld [tilespmem:s26+$0x1C20]  }
0x227: {  	[tilespmem:s12+$0x0] =	vst.add.f32.msk $0xffff, v3  }
0x228: {  	v3 =	vld [tilespmem:s5+$0x10]  }
0x229: {  	[tilespmem:s31+$0x1C20] =	vst.add.f32.msk $0xffff, v1  }
0x22a: {  	[tilespmem:s0+$0x1C20] =	vst.add.f32.msk $0xffff, v0  }
0x22b: {  	[tilespmem:s25+$0x1C20] =	vst.add.f32.msk $0xffff, v2  }
0x22c: {  	v0 =	vld [tilespmem:s28+$0x1C30]  }
0x22d: {  	[tilespmem:s12+$0x10] =	vst.add.f32.msk $0xffff, v3  }
0x22e: {  	v1 =	vld [tilespmem:s5+$0x20]  }
0x22f: {  	v2 =	vld [tilespmem:s29+$0x1C30]  }
0x230: {  	v3 =	vld [tilespmem:s26+$0x1C30]  }
0x231: {  	[tilespmem:s31+$0x1C30] =	vst.add.f32.msk $0xffff, v0  }
0x232: {  	v0 =	vld [tilespmem:s28+$0x1C40]  }
0x233: {  	[tilespmem:s12+$0x20] =	vst.add.f32.msk $0xffff, v1  }
0x234: {  	v1 =	vld [tilespmem:s5+$0x30]  }
0x235: {  	[tilespmem:s0+$0x1C30] =	vst.add.f32.msk $0xffff, v2  }
0x236: {  	[tilespmem:s25+$0x1C30] =	vst.add.f32.msk $0xffff, v3  }
0x237: {  	v2 =	vld [tilespmem:s29+$0x1C40]  }
0x238: {  	v3 =	vld [tilespmem:s26+$0x1C40]  }
0x239: {  	[tilespmem:s12+$0x30] =	vst.add.f32.msk $0xffff, v1  }
0x23a: {  	v1 =	vld [tilespmem:s5+$0x40]  }
0x23b: {  	[tilespmem:s31+$0x1C40] =	vst.add.f32.msk $0xffff, v0  }
0x23c: {  	[tilespmem:s0+$0x1C40] =	vst.add.f32.msk $0xffff, v2  }
0x23d: {  	[tilespmem:s25+$0x1C40] =	vst.add.f32.msk $0xffff, v3  }
0x23e: {  	v0 =	vld [tilespmem:s28+$0x1C50]  }
0x23f: {  	[tilespmem:s12+$0x40] =	vst.add.f32.msk $0xffff, v1  }
0x240: {  	v2 =	vld [tilespmem:s5+$0x50]  }
0x241: {  	v3 =	vld [tilespmem:s29+$0x1C50]  }
0x242: {  	v1 =	vld [tilespmem:s26+$0x1C50]  }
0x243: {  	[tilespmem:s31+$0x1C50] =	vst.add.f32.msk $0xffff, v0  }
0x244: {  	v0 =	vld [tilespmem:s28+$0x1C60]  }
0x245: {  	s15 =	sor.u32 $0x180, s15;
	[tilespmem:s12+$0x50] =	vst.add.f32.msk $0xffff, v2  }
0x246: {  	s14 =	sadd.s32 s15, s14;
	v2 =	vld [tilespmem:s5+$0x60]  }
0x247: {  	v4 =	vld [tilespmem:s14+$0x0]  }
0x248: {  	v5 =	vld [tilespmem:s9+$0x0]  }
0x249: {  	v6 =	vld [tilespmem:s7+$0x0]  }
0x24a: {  	[tilespmem:s0+$0x1C50] =	vst.add.f32.msk $0xffff, v3  }
0x24b: {  	s15 =	sadd.s32 s15, s16;
	[tilespmem:s12+$0x60] =	vst.add.f32.msk $0xffff, v2  }
0x24c: {  	[tilespmem:s15+$0x0] =	vst.add.f32.msk $0xffff, v4  }
0x24d: {  	v2 =	vld [tilespmem:s14+$0x10]  }
0x24e: {  	[tilespmem:s6+$0x0] =	vst.add.f32.msk $0xffff, v5  }
0x24f: {  	[tilespmem:s13+$0x0] =	vst.add.f32.msk $0xffff, v6  }
0x250: {  	v3 =	vld [tilespmem:s9+$0x10]  }
0x251: {  	v4 =	vld [tilespmem:s7+$0x10]  }
0x252: {  	[tilespmem:s15+$0x10] =	vst.add.f32.msk $0xffff, v2  }
0x253: {  	v2 =	vld [tilespmem:s14+$0x20]  }
0x254: {  	v5 =	vld [tilespmem:s5+$0x70]  }
0x255: {  	[tilespmem:s6+$0x10] =	vst.add.f32.msk $0xffff, v3  }
0x256: {  	[tilespmem:s13+$0x10] =	vst.add.f32.msk $0xffff, v4  }
0x257: {  	v3 =	vld [tilespmem:s9+$0x20]  }
0x258: {  	[tilespmem:s15+$0x20] =	vst.add.f32.msk $0xffff, v2  }
0x259: {  	v2 =	vld [tilespmem:s14+$0x30]  }
0x25a: {  	v4 =	vld [tilespmem:s7+$0x20]  }
0x25b: {  	[tilespmem:s12+$0x70] =	vst.add.f32.msk $0xffff, v5  }
0x25c: {  	[tilespmem:s6+$0x20] =	vst.add.f32.msk $0xffff, v3  }
0x25d: {  	v3 =	vld [tilespmem:s9+$0x30]  }
0x25e: {  	[tilespmem:s15+$0x30] =	vst.add.f32.msk $0xffff, v2  }
0x25f: {  	v2 =	vld [tilespmem:s14+$0x40]  }
0x260: {  	[tilespmem:s13+$0x20] =	vst.add.f32.msk $0xffff, v4  }
0x261: {  	v4 =	vld [tilespmem:s7+$0x30]  }
0x262: {  	[tilespmem:s6+$0x30] =	vst.add.f32.msk $0xffff, v3  }
0x263: {  	v3 =	vld [tilespmem:s9+$0x40]  }
0x264: {  	[tilespmem:s15+$0x40] =	vst.add.f32.msk $0xffff, v2  }
0x265: {  	v2 =	vld [tilespmem:s14+$0x50]  }
0x266: {  	[tilespmem:s13+$0x30] =	vst.add.f32.msk $0xffff, v4  }
0x267: {  	v4 =	vld [tilespmem:s7+$0x40]  }
0x268: {  	[tilespmem:s6+$0x40] =	vst.add.f32.msk $0xffff, v3  }
0x269: {  	v3 =	vld [tilespmem:s9+$0x50]  }
0x26a: {  	[tilespmem:s15+$0x50] =	vst.add.f32.msk $0xffff, v2  }
0x26b: {  	v2 =	vld [tilespmem:s14+$0x60]  }
0x26c: {  	[tilespmem:s13+$0x40] =	vst.add.f32.msk $0xffff, v4  }
0x26d: {  	v4 =	vld [tilespmem:s7+$0x50]  }
0x26e: {  	[tilespmem:s6+$0x50] =	vst.add.f32.msk $0xffff, v3  }
0x26f: {  	v3 =	vld [tilespmem:s9+$0x60]  }
0x270: {  	[tilespmem:s15+$0x60] =	vst.add.f32.msk $0xffff, v2  }
0x271: {  	v2 =	vld [tilespmem:s14+$0x70]  }
0x272: {  	[tilespmem:s13+$0x50] =	vst.add.f32.msk $0xffff, v4  }
0x273: {  	v4 =	vld [tilespmem:s7+$0x60]  }
0x274: {  	[tilespmem:s6+$0x60] =	vst.add.f32.msk $0xffff, v3  }
0x275: {  	v3 =	vld [tilespmem:s9+$0x70]  }
0x276: {  	[tilespmem:s15+$0x70] =	vst.add.f32.msk $0xffff, v2  }
0x277: {  	v2 =	vld [tilespmem:s14+$0x400]  }
0x278: {  	[tilespmem:s13+$0x60] =	vst.add.f32.msk $0xffff, v4  }
0x279: {  	v4 =	vld [tilespmem:s7+$0x70]  }
0x27a: {  	[tilespmem:s6+$0x70] =	vst.add.f32.msk $0xffff, v3  }
0x27b: {  	v3 =	vld [tilespmem:s9+$0x400]  }
0x27c: {  	[tilespmem:s15+$0x400] =	vst.add.f32.msk $0xffff, v2  }
0x27d: {  	v2 =	vld [tilespmem:s14+$0x410]  }
0x27e: {  	[tilespmem:s13+$0x70] =	vst.add.f32.msk $0xffff, v4  }
0x27f: {  	v4 =	vld [tilespmem:s7+$0x400]  }
0x280: {  	v5 =	vld [tilespmem:s5+$0x400]  }
0x281: {  	[tilespmem:s6+$0x400] =	vst.add.f32.msk $0xffff, v3  }
0x282: {  	[tilespmem:s15+$0x410] =	vst.add.f32.msk $0xffff, v2  }
0x283: {  	v2 =	vld [tilespmem:s14+$0x420]  }
0x284: {  	[tilespmem:s13+$0x400] =	vst.add.f32.msk $0xffff, v4  }
0x285: {  	[tilespmem:s12+$0x400] =	vst.add.f32.msk $0xffff, v5  }
0x286: {  	v3 =	vld [tilespmem:s9+$0x410]  }
0x287: {  	v4 =	vld [tilespmem:s7+$0x410]  }
0x288: {  	[tilespmem:s15+$0x420] =	vst.add.f32.msk $0xffff, v2  }
0x289: {  	v2 =	vld [tilespmem:s14+$0x430]  }
0x28a: {  	v5 =	vld [tilespmem:s5+$0x410]  }
0x28b: {  	[tilespmem:s6+$0x410] =	vst.add.f32.msk $0xffff, v3  }
0x28c: {  	[tilespmem:s13+$0x410] =	vst.add.f32.msk $0xffff, v4  }
0x28d: {  	v3 =	vld [tilespmem:s9+$0x420]  }
0x28e: {  	[tilespmem:s15+$0x430] =	vst.add.f32.msk $0xffff, v2  }
0x28f: {  	v2 =	vld [tilespmem:s14+$0x440]  }
0x290: {  	[tilespmem:s12+$0x410] =	vst.add.f32.msk $0xffff, v5  }
0x291: {  	v4 =	vld [tilespmem:s7+$0x420]  }
0x292: {  	v5 =	vld [tilespmem:s5+$0x420]  }
0x293: {  	[tilespmem:s6+$0x420] =	vst.add.f32.msk $0xffff, v3  }
0x294: {  	[tilespmem:s15+$0x440] =	vst.add.f32.msk $0xffff, v2  }
0x295: {  	v2 =	vld [tilespmem:s14+$0x450]  }
0x296: {  	[tilespmem:s13+$0x420] =	vst.add.f32.msk $0xffff, v4  }
0x297: {  	[tilespmem:s12+$0x420] =	vst.add.f32.msk $0xffff, v5  }
0x298: {  	v3 =	vld [tilespmem:s9+$0x430]  }
0x299: {  	v4 =	vld [tilespmem:s7+$0x430]  }
0x29a: {  	[tilespmem:s15+$0x450] =	vst.add.f32.msk $0xffff, v2  }
0x29b: {  	v2 =	vld [tilespmem:s14+$0x460]  }
0x29c: {  	v5 =	vld [tilespmem:s5+$0x430]  }
0x29d: {  	[tilespmem:s6+$0x430] =	vst.add.f32.msk $0xffff, v3  }
0x29e: {  	[tilespmem:s13+$0x430] =	vst.add.f32.msk $0xffff, v4  }
0x29f: {  	v3 =	vld [tilespmem:s9+$0x440]  }
0x2a0: {  	[tilespmem:s15+$0x460] =	vst.add.f32.msk $0xffff, v2  }
0x2a1: {  	v2 =	vld [tilespmem:s14+$0x470]  }
0x2a2: {  	[tilespmem:s12+$0x430] =	vst.add.f32.msk $0xffff, v5  }
0x2a3: {  	v4 =	vld [tilespmem:s7+$0x440]  }
0x2a4: {  	v5 =	vld [tilespmem:s5+$0x440]  }
0x2a5: {  	[tilespmem:s6+$0x440] =	vst.add.f32.msk $0xffff, v3  }
0x2a6: {  	[tilespmem:s15+$0x470] =	vst.add.f32.msk $0xffff, v2  }
0x2a7: {  	v2 =	vld [tilespmem:s14+$0x800]  }
0x2a8: {  	[tilespmem:s13+$0x440] =	vst.add.f32.msk $0xffff, v4  }
0x2a9: {  	[tilespmem:s12+$0x440] =	vst.add.f32.msk $0xffff, v5  }
0x2aa: {  	v3 =	vld [tilespmem:s9+$0x450]  }
0x2ab: {  	v4 =	vld [tilespmem:s7+$0x450]  }
0x2ac: {  	[tilespmem:s15+$0x800] =	vst.add.f32.msk $0xffff, v2  }
0x2ad: {  	v2 =	vld [tilespmem:s14+$0x810]  }
0x2ae: {  	v5 =	vld [tilespmem:s5+$0x450]  }
0x2af: {  	[tilespmem:s6+$0x450] =	vst.add.f32.msk $0xffff, v3  }
0x2b0: {  	[tilespmem:s13+$0x450] =	vst.add.f32.msk $0xffff, v4  }
0x2b1: {  	v3 =	vld [tilespmem:s9+$0x460]  }
0x2b2: {  	[tilespmem:s15+$0x810] =	vst.add.f32.msk $0xffff, v2  }
0x2b3: {  	v2 =	vld [tilespmem:s14+$0x820]  }
0x2b4: {  	[tilespmem:s12+$0x450] =	vst.add.f32.msk $0xffff, v5  }
0x2b5: {  	v4 =	vld [tilespmem:s7+$0x460]  }
0x2b6: {  	v5 =	vld [tilespmem:s5+$0x460]  }
0x2b7: {  	[tilespmem:s6+$0x460] =	vst.add.f32.msk $0xffff, v3  }
0x2b8: {  	[tilespmem:s15+$0x820] =	vst.add.f32.msk $0xffff, v2  }
0x2b9: {  	v2 =	vld [tilespmem:s14+$0x830]  }
0x2ba: {  	[tilespmem:s13+$0x460] =	vst.add.f32.msk $0xffff, v4  }
0x2bb: {  	[tilespmem:s12+$0x460] =	vst.add.f32.msk $0xffff, v5  }
0x2bc: {  	v3 =	vld [tilespmem:s9+$0x470]  }
0x2bd: {  	v4 =	vld [tilespmem:s7+$0x470]  }
0x2be: {  	[tilespmem:s15+$0x830] =	vst.add.f32.msk $0xffff, v2  }
0x2bf: {  	v2 =	vld [tilespmem:s14+$0x840]  }
0x2c0: {  	v5 =	vld [tilespmem:s5+$0x470]  }
0x2c1: {  	[tilespmem:s6+$0x470] =	vst.add.f32.msk $0xffff, v3  }
0x2c2: {  	[tilespmem:s13+$0x470] =	vst.add.f32.msk $0xffff, v4  }
0x2c3: {  	v3 =	vld [tilespmem:s9+$0x800]  }
0x2c4: {  	[tilespmem:s15+$0x840] =	vst.add.f32.msk $0xffff, v2  }
0x2c5: {  	v2 =	vld [tilespmem:s14+$0x850]  }
0x2c6: {  	[tilespmem:s12+$0x470] =	vst.add.f32.msk $0xffff, v5  }
0x2c7: {  	v4 =	vld [tilespmem:s7+$0x800]  }
0x2c8: {  	v5 =	vld [tilespmem:s5+$0x800]  }
0x2c9: {  	[tilespmem:s6+$0x800] =	vst.add.f32.msk $0xffff, v3  }
0x2ca: {  	[tilespmem:s15+$0x850] =	vst.add.f32.msk $0xffff, v2  }
0x2cb: {  	v2 =	vld [tilespmem:s14+$0x860]  }
0x2cc: {  	[tilespmem:s13+$0x800] =	vst.add.f32.msk $0xffff, v4  }
0x2cd: {  	[tilespmem:s12+$0x800] =	vst.add.f32.msk $0xffff, v5  }
0x2ce: {  	v3 =	vld [tilespmem:s9+$0x810]  }
0x2cf: {  	v4 =	vld [tilespmem:s7+$0x810]  }
0x2d0: {  	[tilespmem:s15+$0x860] =	vst.add.f32.msk $0xffff, v2  }
0x2d1: {  	v2 =	vld [tilespmem:s14+$0x870]  }
0x2d2: {  	v5 =	vld [tilespmem:s5+$0x810]  }
0x2d3: {  	[tilespmem:s6+$0x810] =	vst.add.f32.msk $0xffff, v3  }
0x2d4: {  	[tilespmem:s13+$0x810] =	vst.add.f32.msk $0xffff, v4  }
0x2d5: {  	v3 =	vld [tilespmem:s9+$0x820]  }
0x2d6: {  	[tilespmem:s15+$0x870] =	vst.add.f32.msk $0xffff, v2  }
0x2d7: {  	v2 =	vld [tilespmem:s14+$0xC00]  }
0x2d8: {  	[tilespmem:s12+$0x810] =	vst.add.f32.msk $0xffff, v5  }
0x2d9: {  	v4 =	vld [tilespmem:s7+$0x820]  }
0x2da: {  	v5 =	vld [tilespmem:s5+$0x820]  }
0x2db: {  	[tilespmem:s6+$0x820] =	vst.add.f32.msk $0xffff, v3  }
0x2dc: {  	[tilespmem:s15+$0xC00] =	vst.add.f32.msk $0xffff, v2  }
0x2dd: {  	v2 =	vld [tilespmem:s14+$0xC10]  }
0x2de: {  	[tilespmem:s13+$0x820] =	vst.add.f32.msk $0xffff, v4  }
0x2df: {  	[tilespmem:s12+$0x820] =	vst.add.f32.msk $0xffff, v5  }
0x2e0: {  	v3 =	vld [tilespmem:s9+$0x830]  }
0x2e1: {  	v4 =	vld [tilespmem:s7+$0x830]  }
0x2e2: {  	[tilespmem:s15+$0xC10] =	vst.add.f32.msk $0xffff, v2  }
0x2e3: {  	v2 =	vld [tilespmem:s14+$0xC20]  }
0x2e4: {  	v5 =	vld [tilespmem:s5+$0x830]  }
0x2e5: {  	[tilespmem:s6+$0x830] =	vst.add.f32.msk $0xffff, v3  }
0x2e6: {  	[tilespmem:s13+$0x830] =	vst.add.f32.msk $0xffff, v4  }
0x2e7: {  	v3 =	vld [tilespmem:s9+$0x840]  }
0x2e8: {  	[tilespmem:s15+$0xC20] =	vst.add.f32.msk $0xffff, v2  }
0x2e9: {  	v2 =	vld [tilespmem:s14+$0xC30]  }
0x2ea: {  	[tilespmem:s12+$0x830] =	vst.add.f32.msk $0xffff, v5  }
0x2eb: {  	v4 =	vld [tilespmem:s7+$0x840]  }
0x2ec: {  	v5 =	vld [tilespmem:s5+$0x840]  }
0x2ed: {  	[tilespmem:s6+$0x840] =	vst.add.f32.msk $0xffff, v3  }
0x2ee: {  	[tilespmem:s15+$0xC30] =	vst.add.f32.msk $0xffff, v2  }
0x2ef: {  	v2 =	vld [tilespmem:s14+$0xC40]  }
0x2f0: {  	[tilespmem:s13+$0x840] =	vst.add.f32.msk $0xffff, v4  }
0x2f1: {  	[tilespmem:s12+$0x840] =	vst.add.f32.msk $0xffff, v5  }
0x2f2: {  	v3 =	vld [tilespmem:s9+$0x850]  }
0x2f3: {  	v4 =	vld [tilespmem:s7+$0x850]  }
0x2f4: {  	[tilespmem:s15+$0xC40] =	vst.add.f32.msk $0xffff, v2  }
0x2f5: {  	v2 =	vld [tilespmem:s14+$0xC50]  }
0x2f6: {  	v5 =	vld [tilespmem:s5+$0x850]  }
0x2f7: {  	[tilespmem:s6+$0x850] =	vst.add.f32.msk $0xffff, v3  }
0x2f8: {  	[tilespmem:s13+$0x850] =	vst.add.f32.msk $0xffff, v4  }
0x2f9: {  	v3 =	vld [tilespmem:s9+$0x860]  }
0x2fa: {  	[tilespmem:s15+$0xC50] =	vst.add.f32.msk $0xffff, v2  }
0x2fb: {  	v2 =	vld [tilespmem:s14+$0xC60]  }
0x2fc: {  	[tilespmem:s12+$0x850] =	vst.add.f32.msk $0xffff, v5  }
0x2fd: {  	v4 =	vld [tilespmem:s7+$0x860]  }
0x2fe: {  	v5 =	vld [tilespmem:s5+$0x860]  }
0x2ff: {  	[tilespmem:s6+$0x860] =	vst.add.f32.msk $0xffff, v3  }
0x300: {  	[tilespmem:s15+$0xC60] =	vst.add.f32.msk $0xffff, v2  }
0x301: {  	v2 =	vld [tilespmem:s14+$0xC70]  }
0x302: {  	[tilespmem:s13+$0x860] =	vst.add.f32.msk $0xffff, v4  }
0x303: {  	[tilespmem:s12+$0x860] =	vst.add.f32.msk $0xffff, v5  }
0x304: {  	v3 =	vld [tilespmem:s9+$0x870]  }
0x305: {  	v4 =	vld [tilespmem:s7+$0x870]  }
0x306: {  	[tilespmem:s15+$0xC70] =	vst.add.f32.msk $0xffff, v2  }
0x307: {  	v2 =	vld [tilespmem:s14+$0x1000]  }
0x308: {  	v5 =	vld [tilespmem:s5+$0x870]  }
0x309: {  	[tilespmem:s6+$0x870] =	vst.add.f32.msk $0xffff, v3  }
0x30a: {  	[tilespmem:s13+$0x870] =	vst.add.f32.msk $0xffff, v4  }
0x30b: {  	v3 =	vld [tilespmem:s9+$0xC00]  }
0x30c: {  	[tilespmem:s15+$0x1000] =	vst.add.f32.msk $0xffff, v2  }
0x30d: {  	v2 =	vld [tilespmem:s14+$0x1010]  }
0x30e: {  	[tilespmem:s12+$0x870] =	vst.add.f32.msk $0xffff, v5  }
0x30f: {  	v4 =	vld [tilespmem:s7+$0xC00]  }
0x310: {  	v5 =	vld [tilespmem:s5+$0xC00]  }
0x311: {  	[tilespmem:s6+$0xC00] =	vst.add.f32.msk $0xffff, v3  }
0x312: {  	[tilespmem:s15+$0x1010] =	vst.add.f32.msk $0xffff, v2  }
0x313: {  	v2 =	vld [tilespmem:s14+$0x1020]  }
0x314: {  	[tilespmem:s13+$0xC00] =	vst.add.f32.msk $0xffff, v4  }
0x315: {  	[tilespmem:s12+$0xC00] =	vst.add.f32.msk $0xffff, v5  }
0x316: {  	v3 =	vld [tilespmem:s9+$0xC10]  }
0x317: {  	v4 =	vld [tilespmem:s7+$0xC10]  }
0x318: {  	[tilespmem:s15+$0x1020] =	vst.add.f32.msk $0xffff, v2  }
0x319: {  	v2 =	vld [tilespmem:s14+$0x1030]  }
0x31a: {  	v5 =	vld [tilespmem:s5+$0xC10]  }
0x31b: {  	[tilespmem:s6+$0xC10] =	vst.add.f32.msk $0xffff, v3  }
0x31c: {  	[tilespmem:s13+$0xC10] =	vst.add.f32.msk $0xffff, v4  }
0x31d: {  	v3 =	vld [tilespmem:s9+$0xC20]  }
0x31e: {  	[tilespmem:s15+$0x1030] =	vst.add.f32.msk $0xffff, v2  }
0x31f: {  	v2 =	vld [tilespmem:s14+$0x1040]  }
0x320: {  	[tilespmem:s12+$0xC10] =	vst.add.f32.msk $0xffff, v5  }
0x321: {  	v4 =	vld [tilespmem:s7+$0xC20]  }
0x322: {  	v5 =	vld [tilespmem:s5+$0xC20]  }
0x323: {  	[tilespmem:s6+$0xC20] =	vst.add.f32.msk $0xffff, v3  }
0x324: {  	[tilespmem:s15+$0x1040] =	vst.add.f32.msk $0xffff, v2  }
0x325: {  	v2 =	vld [tilespmem:s14+$0x1050]  }
0x326: {  	[tilespmem:s13+$0xC20] =	vst.add.f32.msk $0xffff, v4  }
0x327: {  	[tilespmem:s12+$0xC20] =	vst.add.f32.msk $0xffff, v5  }
0x328: {  	v3 =	vld [tilespmem:s9+$0xC30]  }
0x329: {  	v4 =	vld [tilespmem:s7+$0xC30]  }
0x32a: {  	[tilespmem:s15+$0x1050] =	vst.add.f32.msk $0xffff, v2  }
0x32b: {  	v2 =	vld [tilespmem:s14+$0x1060]  }
0x32c: {  	v5 =	vld [tilespmem:s5+$0xC30]  }
0x32d: {  	[tilespmem:s6+$0xC30] =	vst.add.f32.msk $0xffff, v3  }
0x32e: {  	[tilespmem:s13+$0xC30] =	vst.add.f32.msk $0xffff, v4  }
0x32f: {  	v3 =	vld [tilespmem:s9+$0xC40]  }
0x330: {  	[tilespmem:s15+$0x1060] =	vst.add.f32.msk $0xffff, v2  }
0x331: {  	v2 =	vld [tilespmem:s14+$0x1070]  }
0x332: {  	[tilespmem:s12+$0xC30] =	vst.add.f32.msk $0xffff, v5  }
0x333: {  	v4 =	vld [tilespmem:s7+$0xC40]  }
0x334: {  	v5 =	vld [tilespmem:s5+$0xC40]  }
0x335: {  	[tilespmem:s6+$0xC40] =	vst.add.f32.msk $0xffff, v3  }
0x336: {  	[tilespmem:s15+$0x1070] =	vst.add.f32.msk $0xffff, v2  }
0x337: {  	v2 =	vld [tilespmem:s14+$0x1400]  }
0x338: {  	[tilespmem:s13+$0xC40] =	vst.add.f32.msk $0xffff, v4  }
0x339: {  	[tilespmem:s12+$0xC40] =	vst.add.f32.msk $0xffff, v5  }
0x33a: {  	v3 =	vld [tilespmem:s9+$0xC50]  }
0x33b: {  	v4 =	vld [tilespmem:s7+$0xC50]  }
0x33c: {  	[tilespmem:s15+$0x1400] =	vst.add.f32.msk $0xffff, v2  }
0x33d: {  	v2 =	vld [tilespmem:s14+$0x1410]  }
0x33e: {  	v5 =	vld [tilespmem:s5+$0xC50]  }
0x33f: {  	[tilespmem:s6+$0xC50] =	vst.add.f32.msk $0xffff, v3  }
0x340: {  	[tilespmem:s13+$0xC50] =	vst.add.f32.msk $0xffff, v4  }
0x341: {  	v3 =	vld [tilespmem:s9+$0xC60]  }
0x342: {  	[tilespmem:s15+$0x1410] =	vst.add.f32.msk $0xffff, v2  }
0x343: {  	v2 =	vld [tilespmem:s14+$0x1420]  }
0x344: {  	[tilespmem:s12+$0xC50] =	vst.add.f32.msk $0xffff, v5  }
0x345: {  	v4 =	vld [tilespmem:s7+$0xC60]  }
0x346: {  	v5 =	vld [tilespmem:s5+$0xC60]  }
0x347: {  	[tilespmem:s6+$0xC60] =	vst.add.f32.msk $0xffff, v3  }
0x348: {  	[tilespmem:s15+$0x1420] =	vst.add.f32.msk $0xffff, v2  }
0x349: {  	v2 =	vld [tilespmem:s14+$0x1430]  }
0x34a: {  	[tilespmem:s13+$0xC60] =	vst.add.f32.msk $0xffff, v4  }
0x34b: {  	[tilespmem:s12+$0xC60] =	vst.add.f32.msk $0xffff, v5  }
0x34c: {  	v3 =	vld [tilespmem:s9+$0xC70]  }
0x34d: {  	v4 =	vld [tilespmem:s7+$0xC70]  }
0x34e: {  	[tilespmem:s15+$0x1430] =	vst.add.f32.msk $0xffff, v2  }
0x34f: {  	v2 =	vld [tilespmem:s14+$0x1440]  }
0x350: {  	v5 =	vld [tilespmem:s5+$0xC70]  }
0x351: {  	[tilespmem:s6+$0xC70] =	vst.add.f32.msk $0xffff, v3  }
0x352: {  	[tilespmem:s13+$0xC70] =	vst.add.f32.msk $0xffff, v4  }
0x353: {  	v3 =	vld [tilespmem:s9+$0x1000]  }
0x354: {  	[tilespmem:s15+$0x1440] =	vst.add.f32.msk $0xffff, v2  }
0x355: {  	v2 =	vld [tilespmem:s14+$0x1450]  }
0x356: {  	[tilespmem:s12+$0xC70] =	vst.add.f32.msk $0xffff, v5  }
0x357: {  	v4 =	vld [tilespmem:s7+$0x1000]  }
0x358: {  	v5 =	vld [tilespmem:s5+$0x1000]  }
0x359: {  	[tilespmem:s6+$0x1000] =	vst.add.f32.msk $0xffff, v3  }
0x35a: {  	[tilespmem:s15+$0x1450] =	vst.add.f32.msk $0xffff, v2  }
0x35b: {  	v2 =	vld [tilespmem:s14+$0x1460]  }
0x35c: {  	[tilespmem:s13+$0x1000] =	vst.add.f32.msk $0xffff, v4  }
0x35d: {  	[tilespmem:s12+$0x1000] =	vst.add.f32.msk $0xffff, v5  }
0x35e: {  	v3 =	vld [tilespmem:s9+$0x1010]  }
0x35f: {  	v4 =	vld [tilespmem:s7+$0x1010]  }
0x360: {  	[tilespmem:s15+$0x1460] =	vst.add.f32.msk $0xffff, v2  }
0x361: {  	v2 =	vld [tilespmem:s14+$0x1470]  }
0x362: {  	v5 =	vld [tilespmem:s5+$0x1010]  }
0x363: {  	[tilespmem:s6+$0x1010] =	vst.add.f32.msk $0xffff, v3  }
0x364: {  	[tilespmem:s13+$0x1010] =	vst.add.f32.msk $0xffff, v4  }
0x365: {  	v3 =	vld [tilespmem:s9+$0x1020]  }
0x366: {  	[tilespmem:s15+$0x1470] =	vst.add.f32.msk $0xffff, v2  }
0x367: {  	v2 =	vld [tilespmem:s14+$0x1800]  }
0x368: {  	[tilespmem:s12+$0x1010] =	vst.add.f32.msk $0xffff, v5  }
0x369: {  	v4 =	vld [tilespmem:s7+$0x1020]  }
0x36a: {  	v5 =	vld [tilespmem:s5+$0x1020]  }
0x36b: {  	[tilespmem:s6+$0x1020] =	vst.add.f32.msk $0xffff, v3  }
0x36c: {  	[tilespmem:s15+$0x1800] =	vst.add.f32.msk $0xffff, v2  }
0x36d: {  	v2 =	vld [tilespmem:s14+$0x1810]  }
0x36e: {  	[tilespmem:s13+$0x1020] =	vst.add.f32.msk $0xffff, v4  }
0x36f: {  	[tilespmem:s12+$0x1020] =	vst.add.f32.msk $0xffff, v5  }
0x370: {  	v3 =	vld [tilespmem:s9+$0x1030]  }
0x371: {  	v4 =	vld [tilespmem:s7+$0x1030]  }
0x372: {  	[tilespmem:s15+$0x1810] =	vst.add.f32.msk $0xffff, v2  }
0x373: {  	v2 =	vld [tilespmem:s14+$0x1820]  }
0x374: {  	v5 =	vld [tilespmem:s5+$0x1030]  }
0x375: {  	[tilespmem:s6+$0x1030] =	vst.add.f32.msk $0xffff, v3  }
0x376: {  	[tilespmem:s13+$0x1030] =	vst.add.f32.msk $0xffff, v4  }
0x377: {  	v3 =	vld [tilespmem:s9+$0x1040]  }
0x378: {  	[tilespmem:s15+$0x1820] =	vst.add.f32.msk $0xffff, v2  }
0x379: {  	v2 =	vld [tilespmem:s14+$0x1830]  }
0x37a: {  	[tilespmem:s12+$0x1030] =	vst.add.f32.msk $0xffff, v5  }
0x37b: {  	v4 =	vld [tilespmem:s7+$0x1040]  }
0x37c: {  	v5 =	vld [tilespmem:s5+$0x1040]  }
0x37d: {  	[tilespmem:s6+$0x1040] =	vst.add.f32.msk $0xffff, v3  }
0x37e: {  	[tilespmem:s15+$0x1830] =	vst.add.f32.msk $0xffff, v2  }
0x37f: {  	v2 =	vld [tilespmem:s14+$0x1840]  }
0x380: {  	[tilespmem:s13+$0x1040] =	vst.add.f32.msk $0xffff, v4  }
0x381: {  	[tilespmem:s12+$0x1040] =	vst.add.f32.msk $0xffff, v5  }
0x382: {  	v3 =	vld [tilespmem:s9+$0x1050]  }
0x383: {  	v4 =	vld [tilespmem:s7+$0x1050]  }
0x384: {  	[tilespmem:s15+$0x1840] =	vst.add.f32.msk $0xffff, v2  }
0x385: {  	v2 =	vld [tilespmem:s14+$0x1850]  }
0x386: {  	v5 =	vld [tilespmem:s5+$0x1050]  }
0x387: {  	[tilespmem:s6+$0x1050] =	vst.add.f32.msk $0xffff, v3  }
0x388: {  	[tilespmem:s13+$0x1050] =	vst.add.f32.msk $0xffff, v4  }
0x389: {  	v3 =	vld [tilespmem:s9+$0x1060]  }
0x38a: {  	[tilespmem:s15+$0x1850] =	vst.add.f32.msk $0xffff, v2  }
0x38b: {  	v2 =	vld [tilespmem:s14+$0x1860]  }
0x38c: {  	[tilespmem:s12+$0x1050] =	vst.add.f32.msk $0xffff, v5  }
0x38d: {  	v4 =	vld [tilespmem:s7+$0x1060]  }
0x38e: {  	v5 =	vld [tilespmem:s5+$0x1060]  }
0x38f: {  	[tilespmem:s6+$0x1060] =	vst.add.f32.msk $0xffff, v3  }
0x390: {  	[tilespmem:s15+$0x1860] =	vst.add.f32.msk $0xffff, v2  }
0x391: {  	v2 =	vld [tilespmem:s14+$0x1870]  }
0x392: {  	[tilespmem:s13+$0x1060] =	vst.add.f32.msk $0xffff, v4  }
0x393: {  	[tilespmem:s12+$0x1060] =	vst.add.f32.msk $0xffff, v5  }
0x394: {  	v3 =	vld [tilespmem:s9+$0x1070]  }
0x395: {  	v4 =	vld [tilespmem:s7+$0x1070]  }
0x396: {  	[tilespmem:s15+$0x1870] =	vst.add.f32.msk $0xffff, v2  }
0x397: {  	v2 =	vld [tilespmem:s14+$0x1C00]  }
0x398: {  	v5 =	vld [tilespmem:s5+$0x1070]  }
0x399: {  	[tilespmem:s6+$0x1070] =	vst.add.f32.msk $0xffff, v3  }
0x39a: {  	[tilespmem:s13+$0x1070] =	vst.add.f32.msk $0xffff, v4  }
0x39b: {  	v3 =	vld [tilespmem:s9+$0x1400]  }
0x39c: {  	[tilespmem:s15+$0x1C00] =	vst.add.f32.msk $0xffff, v2  }
0x39d: {  	v2 =	vld [tilespmem:s14+$0x1C10]  }
0x39e: {  	[tilespmem:s12+$0x1070] =	vst.add.f32.msk $0xffff, v5  }
0x39f: {  	v4 =	vld [tilespmem:s7+$0x1400]  }
0x3a0: {  	v5 =	vld [tilespmem:s5+$0x1400]  }
0x3a1: {  	[tilespmem:s6+$0x1400] =	vst.add.f32.msk $0xffff, v3  }
0x3a2: {  	[tilespmem:s15+$0x1C10] =	vst.add.f32.msk $0xffff, v2  }
0x3a3: {  	v2 =	vld [tilespmem:s14+$0x1C20]  }
0x3a4: {  	[tilespmem:s13+$0x1400] =	vst.add.f32.msk $0xffff, v4  }
0x3a5: {  	[tilespmem:s12+$0x1400] =	vst.add.f32.msk $0xffff, v5  }
0x3a6: {  	v3 =	vld [tilespmem:s9+$0x1410]  }
0x3a7: {  	v4 =	vld [tilespmem:s7+$0x1410]  }
0x3a8: {  	[tilespmem:s15+$0x1C20] =	vst.add.f32.msk $0xffff, v2  }
0x3a9: {  	v2 =	vld [tilespmem:s14+$0x1C30]  }
0x3aa: {  	v5 =	vld [tilespmem:s5+$0x1410]  }
0x3ab: {  	[tilespmem:s6+$0x1410] =	vst.add.f32.msk $0xffff, v3  }
0x3ac: {  	[tilespmem:s13+$0x1410] =	vst.add.f32.msk $0xffff, v4  }
0x3ad: {  	v3 =	vld [tilespmem:s9+$0x1420]  }
0x3ae: {  	[tilespmem:s15+$0x1C30] =	vst.add.f32.msk $0xffff, v2  }
0x3af: {  	v2 =	vld [tilespmem:s14+$0x1C40]  }
0x3b0: {  	[tilespmem:s12+$0x1410] =	vst.add.f32.msk $0xffff, v5  }
0x3b1: {  	v4 =	vld [tilespmem:s7+$0x1420]  }
0x3b2: {  	v5 =	vld [tilespmem:s5+$0x1420]  }
0x3b3: {  	[tilespmem:s6+$0x1420] =	vst.add.f32.msk $0xffff, v3  }
0x3b4: {  	[tilespmem:s15+$0x1C40] =	vst.add.f32.msk $0xffff, v2  }
0x3b5: {  	v2 =	vld [tilespmem:s14+$0x1C50]  }
0x3b6: {  	[tilespmem:s13+$0x1420] =	vst.add.f32.msk $0xffff, v4  }
0x3b7: {  	[tilespmem:s12+$0x1420] =	vst.add.f32.msk $0xffff, v5  }
0x3b8: {  	v3 =	vld [tilespmem:s9+$0x1430]  }
0x3b9: {  	v4 =	vld [tilespmem:s7+$0x1430]  }
0x3ba: {  	[tilespmem:s15+$0x1C50] =	vst.add.f32.msk $0xffff, v2  }
0x3bb: {  	v2 =	vld [tilespmem:s14+$0x1C60]  }
0x3bc: {  	v5 =	vld [tilespmem:s5+$0x1430]  }
0x3bd: {  	[tilespmem:s6+$0x1430] =	vst.add.f32.msk $0xffff, v3  }
0x3be: {  	[tilespmem:s13+$0x1430] =	vst.add.f32.msk $0xffff, v4  }
0x3bf: {  	v3 =	vld [tilespmem:s9+$0x1440]  }
0x3c0: {  	[tilespmem:s15+$0x1C60] =	vst.add.f32.msk $0xffff, v2  }
0x3c1: {  	v2 =	vld [tilespmem:s14+$0x1C70]  }
0x3c2: {  	[tilespmem:s12+$0x1430] =	vst.add.f32.msk $0xffff, v5  }
0x3c3: {  	v4 =	vld [tilespmem:s7+$0x1440]  }
0x3c4: {  	v5 =	vld [tilespmem:s5+$0x1440]  }
0x3c5: {  	[tilespmem:s6+$0x1440] =	vst.add.f32.msk $0xffff, v3  }
0x3c6: {  	[tilespmem:s15+$0x1C70] =	vst.add.f32.msk $0xffff, v2  }
0x3c7: {  	v2 =	vld [tilespmem:s9+$0x1450]  }
0x3c8: {  	[tilespmem:s13+$0x1440] =	vst.add.f32.msk $0xffff, v4  }
0x3c9: {  	[tilespmem:s12+$0x1440] =	vst.add.f32.msk $0xffff, v5  }
0x3ca: {  	v3 =	vld [tilespmem:s7+$0x1450]  }
0x3cb: {  	v4 =	vld [tilespmem:s5+$0x1450]  }
0x3cc: {  	[tilespmem:s6+$0x1450] =	vst.add.f32.msk $0xffff, v2  }
0x3cd: {  	v2 =	vld [tilespmem:s9+$0x1460]  }
0x3ce: {  	[tilespmem:s25+$0x1C50] =	vst.add.f32.msk $0xffff, v1  }
0x3cf: {  	[tilespmem:s13+$0x1450] =	vst.add.f32.msk $0xffff, v3  }
0x3d0: {  	[tilespmem:s12+$0x1450] =	vst.add.f32.msk $0xffff, v4  }
0x3d1: {  	v1 =	vld [tilespmem:s7+$0x1460]  }
0x3d2: {  	v3 =	vld [tilespmem:s5+$0x1460]  }
0x3d3: {  	[tilespmem:s6+$0x1460] =	vst.add.f32.msk $0xffff, v2  }
0x3d4: {  	v2 =	vld [tilespmem:s9+$0x1470]  }
0x3d5: {  	v4 =	vld [tilespmem:s29+$0x1C60]  }
0x3d6: {  	[tilespmem:s13+$0x1460] =	vst.add.f32.msk $0xffff, v1  }
0x3d7: {  	[tilespmem:s12+$0x1460] =	vst.add.f32.msk $0xffff, v3  }
0x3d8: {  	v1 =	vld [tilespmem:s7+$0x1470]  }
0x3d9: {  	v3 =	vld [tilespmem:s5+$0x1470]  }
0x3da: {  	[tilespmem:s6+$0x1470] =	vst.add.f32.msk $0xffff, v2  }
0x3db: {  	v2 =	vld [tilespmem:s9+$0x1800]  }
0x3dc: {  	v5 =	vld [tilespmem:s26+$0x1C60]  }
0x3dd: {  	[tilespmem:s13+$0x1470] =	vst.add.f32.msk $0xffff, v1  }
0x3de: {  	[tilespmem:s12+$0x1470] =	vst.add.f32.msk $0xffff, v3  }
0x3df: {  	v1 =	vld [tilespmem:s7+$0x1800]  }
0x3e0: {  	v3 =	vld [tilespmem:s5+$0x1800]  }
0x3e1: {  	[tilespmem:s6+$0x1800] =	vst.add.f32.msk $0xffff, v2  }
0x3e2: {  	v2 =	vld [tilespmem:s9+$0x1810]  }
0x3e3: {  	[tilespmem:s31+$0x1C60] =	vst.add.f32.msk $0xffff, v0  }
0x3e4: {  	[tilespmem:s13+$0x1800] =	vst.add.f32.msk $0xffff, v1  }
0x3e5: {  	[tilespmem:s12+$0x1800] =	vst.add.f32.msk $0xffff, v3  }
0x3e6: {  	v0 =	vld [tilespmem:s7+$0x1810]  }
0x3e7: {  	v1 =	vld [tilespmem:s5+$0x1810]  }
0x3e8: {  	[tilespmem:s6+$0x1810] =	vst.add.f32.msk $0xffff, v2  }
0x3e9: {  	v2 =	vld [tilespmem:s9+$0x1820]  }
0x3ea: {  	[tilespmem:s0+$0x1C60] =	vst.add.f32.msk $0xffff, v4  }
0x3eb: {  	[tilespmem:s13+$0x1810] =	vst.add.f32.msk $0xffff, v0  }
0x3ec: {  	[tilespmem:s12+$0x1810] =	vst.add.f32.msk $0xffff, v1  }
0x3ed: {  	v0 =	vld [tilespmem:s7+$0x1820]  }
0x3ee: {  	v1 =	vld [tilespmem:s5+$0x1820]  }
0x3ef: {  	[tilespmem:s6+$0x1820] =	vst.add.f32.msk $0xffff, v2  }
0x3f0: {  	v2 =	vld [tilespmem:s9+$0x1830]  }
0x3f1: {  	[tilespmem:s25+$0x1C60] =	vst.add.f32.msk $0xffff, v5  }
0x3f2: {  	[tilespmem:s13+$0x1820] =	vst.add.f32.msk $0xffff, v0  }
0x3f3: {  	[tilespmem:s12+$0x1820] =	vst.add.f32.msk $0xffff, v1  }
0x3f4: {  	v0 =	vld [tilespmem:s7+$0x1830]  }
0x3f5: {  	v1 =	vld [tilespmem:s5+$0x1830]  }
0x3f6: {  	[tilespmem:s6+$0x1830] =	vst.add.f32.msk $0xffff, v2  }
0x3f7: {  	v2 =	vld [tilespmem:s9+$0x1840]  }
0x3f8: {  	v3 =	vld [tilespmem:s28+$0x1C70];
	s28 =	smov.u32 s9  }
0x3f9: {  	[tilespmem:s13+$0x1830] =	vst.add.f32.msk $0xffff, v0  }
0x3fa: {  	[tilespmem:s12+$0x1830] =	vst.add.f32.msk $0xffff, v1  }
0x3fb: {  	v0 =	vld [tilespmem:s7+$0x1840]  }
0x3fc: {  	v1 =	vld [tilespmem:s5+$0x1840]  }
0x3fd: {  	[tilespmem:s6+$0x1840] =	vst.add.f32.msk $0xffff, v2  }
0x3fe: {  	v2 =	vld [tilespmem:s28+$0x1850]  }
0x3ff: {  	v4 =	vld [tilespmem:s29+$0x1C70];
	s29 =	smov.u32 s7  }
0x400: {  	[tilespmem:s13+$0x1840] =	vst.add.f32.msk $0xffff, v0  }
0x401: {  	[tilespmem:s12+$0x1840] =	vst.add.f32.msk $0xffff, v1  }
0x402: {  	v0 =	vld [tilespmem:s29+$0x1850]  }
0x403: {  	v1 =	vld [tilespmem:s5+$0x1850]  }
0x404: {  	[tilespmem:s6+$0x1850] =	vst.add.f32.msk $0xffff, v2  }
0x405: {  	v2 =	vld [tilespmem:s28+$0x1860]  }
0x406: {  	v5 =	vld [tilespmem:s26+$0x1C70];
	s26 =	smov.u32 s5  }
0x407: {  	[tilespmem:s13+$0x1850] =	vst.add.f32.msk $0xffff, v0  }
0x408: {  	[tilespmem:s12+$0x1850] =	vst.add.f32.msk $0xffff, v1  }
0x409: {  	v0 =	vld [tilespmem:s29+$0x1860]  }
0x40a: {  	v1 =	vld [tilespmem:s26+$0x1860]  }
0x40b: {  	[tilespmem:s6+$0x1860] =	vst.add.f32.msk $0xffff, v2  }
0x40c: {  	v2 =	vld [tilespmem:s28+$0x1870]  }
0x40d: {  	[tilespmem:s31+$0x1C70] =	vst.add.f32.msk $0xffff, v3;
	s31 =	smov.u32 s6  }
0x40e: {  	[tilespmem:s13+$0x1860] =	vst.add.f32.msk $0xffff, v0  }
0x40f: {  	[tilespmem:s12+$0x1860] =	vst.add.f32.msk $0xffff, v1  }
0x410: {  	v0 =	vld [tilespmem:s29+$0x1870]  }
0x411: {  	v1 =	vld [tilespmem:s26+$0x1870]  }
0x412: {  	[tilespmem:s31+$0x1870] =	vst.add.f32.msk $0xffff, v2  }
0x413: {  	v2 =	vld [tilespmem:s28+$0x1C00]  }
0x414: {  	[tilespmem:s0+$0x1C70] =	vst.add.f32.msk $0xffff, v4;
	s0 =	smov.u32 s13  }
0x415: {  	[tilespmem:s0+$0x1870] =	vst.add.f32.msk $0xffff, v0  }
0x416: {  	[tilespmem:s12+$0x1870] =	vst.add.f32.msk $0xffff, v1  }
0x417: {  	v0 =	vld [tilespmem:s29+$0x1C00]  }
0x418: {  	v3 =	vld [tilespmem:s26+$0x1C00]  }
0x419: {  	[tilespmem:s31+$0x1C00] =	vst.add.f32.msk $0xffff, v2  }
.Ltmp4:
0x41a: {  	v1 =	vld [tilespmem:s28+$0x1C10];
	(pc) =	sbr.rel @p0 .LBB2_7-.Ltmp4, $4  }
0x41b: {  	[tilespmem:s25+$0x1C70] =	vst.add.f32.msk $0xffff, v5;
	s25 =	smov.u32 s12  }
0x41c: {  	[tilespmem:s0+$0x1C00] =	vst.add.f32.msk $0xffff, v0  }
0x41d: {  	[tilespmem:s25+$0x1C00] =	vst.add.f32.msk $0xffff, v3  }
0x41e: {  	s11 =	sadd.s32 $0x1000, s11;
	v0 =	vld [tilespmem:s29+$0x1C10]  }
0x41f: {  	_ = 	snop  }
0x420: {  	v2 =	vld [tilespmem:s26+$0x1C10]  }
0x421: {  	[tilespmem:s31+$0x1C10] =	vst.add.f32.msk $0xffff, v1  }
0x422: {  	v1 =	vld [tilespmem:s28+$0x1C20]  }
0x423: {  	[tilespmem:s0+$0x1C10] =	vst.add.f32.msk $0xffff, v0  }
0x424: {  	v0 =	vld [tilespmem:s29+$0x1C20]  }
0x425: {  	[tilespmem:s25+$0x1C10] =	vst.add.f32.msk $0xffff, v2  }
0x426: {  	v2 =	vld [tilespmem:s26+$0x1C20]  }
0x427: {  	[tilespmem:s31+$0x1C20] =	vst.add.f32.msk $0xffff, v1  }
0x428: {  	v1 =	vld [tilespmem:s28+$0x1C30]  }
0x429: {  	[tilespmem:s0+$0x1C20] =	vst.add.f32.msk $0xffff, v0  }
0x42a: {  	v0 =	vld [tilespmem:s29+$0x1C30]  }
0x42b: {  	[tilespmem:s25+$0x1C20] =	vst.add.f32.msk $0xffff, v2  }
0x42c: {  	v2 =	vld [tilespmem:s26+$0x1C30]  }
0x42d: {  	[tilespmem:s31+$0x1C30] =	vst.add.f32.msk $0xffff, v1  }
0x42e: {  	v1 =	vld [tilespmem:s28+$0x1C40]  }
0x42f: {  	[tilespmem:s0+$0x1C30] =	vst.add.f32.msk $0xffff, v0  }
0x430: {  	v0 =	vld [tilespmem:s29+$0x1C40]  }
0x431: {  	[tilespmem:s25+$0x1C30] =	vst.add.f32.msk $0xffff, v2  }
0x432: {  	v2 =	vld [tilespmem:s26+$0x1C40];
	_ =	sdelay $0x1  }
0x433: {  	[tilespmem:s31+$0x1C40] =	vst.add.f32.msk $0xffff, v1  }
0x434: {  	v62 =	vld [tilespmem:s28+$0x1C50]  }
0x435: {  	[tilespmem:s0+$0x1C40] =	vst.add.f32.msk $0xffff, v0  }
0x436: {  	[tilespmem:s25+$0x1C40] =	vst.add.f32.msk $0xffff, v2  }
0x437: {  	v63 =	vld [tilespmem:s29+$0x1C50]  }
0x438: {  	v2 =	vld [tilespmem:s26+$0x1C50];
	_ =	sdelay $0x1  }
0x439: {  	[tilespmem:s31+$0x1C50] =	vst.add.f32.msk $0xffff, v62  }
0x43a: {  	v0 =	vld [tilespmem:s28+$0x1C60]  }
0x43b: {  	[tilespmem:s0+$0x1C50] =	vst.add.f32.msk $0xffff, v63  }
0x43c: {  	[tilespmem:s25+$0x1C50] =	vst.add.f32.msk $0xffff, v2  }
0x43d: {  	v1 =	vld [tilespmem:s29+$0x1C60]  }
0x43e: {  	v2 =	vld [tilespmem:s26+$0x1C60];
	_ =	sdelay $0x1  }
0x43f: {  	[tilespmem:s31+$0x1C60] =	vst.add.f32.msk $0xffff, v0  }
0x440: {  	v0 =	vld [tilespmem:s28+$0x1C70]  }
0x441: {  	[tilespmem:s0+$0x1C60] =	vst.add.f32.msk $0xffff, v1  }
0x442: {  	[tilespmem:s25+$0x1C60] =	vst.add.f32.msk $0xffff, v2  }
0x443: {  	v1 =	vld [tilespmem:s29+$0x1C70]  }
0x444: {  	s20 =	sadd.s32 $0x1, s20;
	v2 =	vld [tilespmem:s26+$0x1C70]  }
0x445: {  	p0 =	sne.s32 s20, $0x40  }
.Ltmp5:
0x446: {  	_ = 	snop;
	(pc) =	sbr.rel @p0 .LBB2_2-.Ltmp5, $4  }
0x447: {  	s1 =	sshll.u32 s21, $0xB;
	[tilespmem:s31+$0x1C70] =	vst.add.f32.msk $0xffff, v0  }
0x448: {  	s1 =	sadd.s32 s1, s8;
	s31 =	sshll.u32 s22, $0x14;
	[tilespmem:s0+$0x1C70] =	vst.add.f32.msk $0xffff, v1  }
0x449: {  	s5 =	sadd.s32 $0x8, s23;
	s0 =	sadd.s32 s31, s1;
	[tilespmem:s25+$0x1C70] =	vst.add.f32.msk $0xffff, v2  }
0x44a: {  	[hbm4b:s0+s2] =	stream.linear.scatter [tilespmem:s24], [sflag:s5], $0x4000, $0x38;
	[tilespmem:$0x1C000] =	vst v63  }
0x44b: {  	s0 =	simm.s32 $0xC  }
0x44c: {  	_ =	swait.ge [sflag:s0], $0x4000  }
0x44d: {  	[sflag:s0] =	ssyncset.done $0x0  }
0x44e: {  	s28 =	simm.s32 $0x8;
	[sflag:s0] =	ssyncadd.s32 $0xFFFFC000  }
0x44f: {  	_ =	swait.ge [sflag:s28], $0x4000  }
0x450: {  	[sflag:s28] =	ssyncset.done $0x0  }
0x451: {  	s29 =	simm.s32 $0x9;
	[sflag:s28] =	ssyncadd.s32 $0xFFFFC000  }
0x452: {  	_ =	swait.ge [sflag:s29], $0x4000  }
0x453: {  	[sflag:s29] =	ssyncset.done $0x0  }
0x454: {  	s30 =	simm.s32 $0xA;
	[sflag:s29] =	ssyncadd.s32 $0xFFFFC000  }
0x455: {  	_ =	swait.ge [sflag:s30], $0x4000  }
0x456: {  	[sflag:s30] =	ssyncset.done $0x0  }
0x457: {  	[sflag:s30] =	ssyncadd.s32 $0xFFFFC000  }
0x458: {  	_ =	swait.ge [sflag:s18], $0x4000  }
0x459: {  	s19 =	sadd.s32 $0x1, s19;
	s31 =	rddreg [dreg:$0x7]  }
0x45a: {  	p0 =	sne.s32 s19, s31  }
.Ltmp6:
0x45b: {  	_ = 	snop;
	(pc) =	sbr.rel @p0 .LBB2_1-.Ltmp6, $3  }
0x45c: {  	_ =	sdelay $0x1  }
0x45d: {  	[sflag:s18] =	ssyncset.done $0x0  }
0x45e: {  	[sflag:s18] =	ssyncadd.s32 $0xFFFFC000  }
0x45f: {  	_ =	sfence.sel $0x180000  }
0x460: {  	[bflag:$0x0] =	sbarrier.arrive $0xFFFF  }
0x461: {  	_ =	strace $0x90000047  }
0x462: {  	s0 =	stileid.u32;
	[bflag:$0x2] =	sbarrier.arrive $0xFFFF  }
0x463: {  	p0 =	sne.s32 s0, $0x0;
	s0 =	rddreg [dreg:$0x3]  }
0x464: {  	s0 =	sadd.s32 @!p0 $0x100000, s0  }
0x465: {  	[sflag:s0] =	ssyncadd.tile.s32 @!p0 $0x1;
	_ =	shalt  }
.Lfunc_end2:
_tile_overlayer_lowered:
.L_overlay_start_2:
0x466: {  	(tag) =	ssettag $0x2  }
0x467: {  	s0 =	rddreg [dreg:$0x0];
	s2 =	stileid.u32  }
0x468: {  	s1 =	rddreg [dreg:$0x1];
	p0 =	sne.s32 s2, $0x0  }
0x469: {  	s3 =	rddreg [dreg:$0x2];
	[bflag:$0x3] =	sbarrier.arrive $0xFFFF;
	s2 =	simm.s32 @!p0 $0x1C0D  }
0x46a: {  	[timem:s3], [sflag:s2] =	dma.local @!p0 [hbm:s0], s1  }
0x46b: {  	s0 =	simm.s32 @!p0 $0xD  }
0x46c: {  	_ =	swait.ge @!p0 [sflag:s0], s1  }
0x46d: {  	s1 =	ssub.s32 @!p0 $0x0, s1;
	[sflag:s0] =	ssyncset.done @!p0 $0x0  }
0x46e: {  	[sflag:s0] =	ssyncadd.s32 @!p0 s1  }
0x46f: {  	[bflag:$0x3] =	sbarrier.arrive $0xFFFF  }
0x470: {  	_ =	shalt  }

</sc_bundles>
